<compile_context>
chip_gen: v7x
topology: tpu7x:2x2x1
jax: 0.10.2.dev20260603
libtpu: 0.0.44.dev20260713+nightly
codegen_flags: <defaults>
</compile_context>

<pallas_src>
import functools

import jax
import jax.numpy as jnp
from jax import lax
from jax.experimental import pallas as pl
from jax.experimental.pallas import tpu as pltpu
from jax.experimental.pallas import tpu_sc as plsc

NEG = float(-3.0e38)
Q = 64
D = 768
N = 100000
K = 64
BLK = 4096
NPAD = 102400
CH = 6400
NCH = NPAD // CH
GRP = 16
NGRP = CH // (GRP * 16)
CAP = 256
BUF = 640
NVB = BUF // 16
IMAX = 2147483647


def _pool_body(tok_ref, mask_ref, qe_ref):
    m = mask_ref[...].astype(jnp.float32)
    s = jnp.sum(tok_ref[...] * m[..., None], axis=1)
    qe_ref[...] = s / jnp.sum(m, axis=1)[:, None]


def _scores_body(qe_ref, corpus_ref, out_ref):
    i = pl.program_id(0)
    s = lax.dot_general(qe_ref[...], corpus_ref[...],
                        (((1,), (1,)), ((), ())),
                        preferred_element_type=jnp.float32)
    col = i * BLK + lax.broadcasted_iota(jnp.int32, s.shape, 1)
    out_ref[...] = jnp.where(col < N, s, jnp.float32(NEG))


def _splat_f(x):
    return jnp.broadcast_to(x, (16,)).astype(jnp.float32)


def _splat(x, dtype):
    return jnp.broadcast_to(x, (16,)).astype(dtype)


def _topk_body(scores_hbm, out_val_hbm, out_idx_hbm,
               chunk_a, chunk_b, cval, cidx, csort, tval, tidx, oval, oidx,
               sem_a, sem_b):
    wid = lax.axis_index("s") * 2 + lax.axis_index("c")

    def rebuild(t_off):
        _, off = t_off
        def conv_body(j, _):
            v = cval[pl.ds(j * 16, 16)]
            b = plsc.bitcast(v, jnp.uint32)
            s = jnp.where(b >= jnp.uint32(0x80000000), ~b,
                          b | jnp.uint32(0x80000000))
            csort[pl.ds(j * 16, 16)] = s
            return 0
        lax.fori_loop(0, NVB, conv_body, 0)

        def bs_body(_, lohi):
            lo, hi = lohi
            mid = lo + ((hi - lo + jnp.uint32(1)) >> jnp.uint32(1))
            def cnt_body(j, acc):
                s = csort[pl.ds(j * 16, 16)]
                return acc + (s >= _splat(mid, jnp.uint32)).astype(jnp.int32)
            acc = lax.fori_loop(0, NVB, cnt_body, jnp.zeros((16,), jnp.int32))
            cnt = jnp.sum(acc)
            return lax.cond(cnt >= K,
                            lambda: (mid, hi),
                            lambda: (lo, mid - jnp.uint32(1)))
        lo, _ = lax.fori_loop(0, 32, bs_body,
                              (jnp.uint32(0), jnp.uint32(0xFF800000)))

        lov = _splat(lo, jnp.uint32)
        bits = jnp.where((lov & jnp.uint32(0x80000000)) != jnp.uint32(0),
                         lov & jnp.uint32(0x7FFFFFFF), ~lov)
        new_t = jnp.max(plsc.bitcast(bits, jnp.float32))
        nts = _splat_f(new_t)

        def fill_body(j, _):
            tval[pl.ds(j * 16, 16)] = _splat_f(jnp.float32(NEG))
            return 0
        lax.fori_loop(0, NVB, fill_body, 0)

        def comp_body(j, o):
            v = cval[pl.ds(j * 16, 16)]
            ix = cidx[pl.ds(j * 16, 16)]
            m = v >= nts
            plsc.store_compressed(tval.at[pl.ds(o, 16)], v, mask=m)
            plsc.store_compressed(tidx.at[pl.ds(o, 16)], ix, mask=m)
            return o + jnp.sum(m.astype(jnp.int32))
        new_off = lax.fori_loop(0, NVB, comp_body, jnp.int32(0))

        def copy_body(j, _):
            cval[pl.ds(j * 16, 16)] = tval[pl.ds(j * 16, 16)]
            cidx[pl.ds(j * 16, 16)] = tidx[pl.ds(j * 16, 16)]
            return 0
        lax.fori_loop(0, NVB, copy_body, 0)
        return new_t, new_off

    def query_body(qi, _):
        q = wid * 2 + qi

        def init_body(j, _):
            cval[pl.ds(j * 16, 16)] = _splat_f(jnp.float32(NEG))
            return 0
        lax.fori_loop(0, NVB, init_body, 0)

        def start(buf, sem, c):
            pltpu.async_copy(scores_hbm.at[q, pl.ds(c * CH, CH)], buf, sem)

        def wait(buf, sem, c):
            pltpu.make_async_copy(scores_hbm.at[q, pl.ds(c * CH, CH)],
                                  buf, sem).wait()

        def scan_chunk(chunk, c, t_off):
            def group_body(g, t_off):
                t, off = t_off
                base = g * GRP * 16
                acc = _splat_f(jnp.float32(NEG))
                for j in range(GRP):
                    acc = jnp.maximum(acc, chunk[pl.ds(base + j * 16, 16)])
                gm = jnp.max(acc)

                def slow(off):
                    ts = _splat_f(t)
                    o = off
                    for j in range(GRP):
                        v = chunk[pl.ds(base + j * 16, 16)]
                        m = v >= ts
                        iv = (_splat(c * CH + base + j * 16, jnp.int32)
                              + lax.iota(jnp.int32, 16))
                        plsc.store_compressed(cval.at[pl.ds(o, 16)], v, mask=m)
                        plsc.store_compressed(cidx.at[pl.ds(o, 16)], iv, mask=m)
                        o = o + jnp.sum(m.astype(jnp.int32))
                    return o

                off = lax.cond(gm >= t, slow, lambda o: o, off)
                return lax.cond(off > CAP, rebuild, lambda x: x, (t, off))

            return lax.fori_loop(0, NGRP, group_body, t_off)

        start(chunk_a, sem_a, jnp.int32(0))

        def pair_body(cp, t_off):
            c0 = 2 * cp
            c1 = c0 + 1
            c2 = jnp.minimum(c1 + 1, NCH - 1)
            wait(chunk_a, sem_a, c0)
            start(chunk_b, sem_b, c1)
            t_off = scan_chunk(chunk_a, c0, t_off)
            wait(chunk_b, sem_b, c1)
            start(chunk_a, sem_a, c2)
            t_off = scan_chunk(chunk_b, c1, t_off)
            return t_off

        t, off = lax.fori_loop(0, NCH // 2, pair_body,
                               (jnp.float32(NEG), jnp.int32(0)))
        wait(chunk_a, sem_a, jnp.int32(NCH - 1))

        t, off = rebuild((t, off))
        nv = (off + jnp.int32(15)) >> jnp.int32(4)

        def ext_body(s, _):
            def max_body(j, acc):
                return jnp.maximum(acc, cval[pl.ds(j * 16, 16)])
            m = jnp.max(lax.fori_loop(0, nv, max_body,
                                      _splat_f(jnp.float32(NEG))))
            ms = _splat_f(m)

            def idx_body(j, acc):
                v = cval[pl.ds(j * 16, 16)]
                ix = cidx[pl.ds(j * 16, 16)]
                return jnp.minimum(acc, jnp.where(v == ms, ix,
                                                  _splat(IMAX, jnp.int32)))
            bi = jnp.min(lax.fori_loop(0, nv, idx_body,
                                       _splat(IMAX, jnp.int32)))
            bs = _splat(bi, jnp.int32)

            def clr_body(j, _):
                v = cval[pl.ds(j * 16, 16)]
                ix = cidx[pl.ds(j * 16, 16)]
                cval[pl.ds(j * 16, 16)] = jnp.where(
                    (v == ms) & (ix == bs), _splat_f(jnp.float32(NEG)), v)
                return 0
            lax.fori_loop(0, nv, clr_body, 0)

            lane = lax.iota(jnp.int32, 16) == (s & jnp.int32(15))
            sv = _splat(s, jnp.int32)
            plsc.store_scatter(oval, [sv], ms, mask=lane)
            plsc.store_scatter(oidx, [sv], bs, mask=lane)
            return 0
        lax.fori_loop(0, K, ext_body, 0)

        pltpu.sync_copy(oval, out_val_hbm.at[q])
        pltpu.sync_copy(oidx, out_idx_hbm.at[q])
        return 0

    lax.fori_loop(0, 2, query_body, 0)


def kernel(query_token_emb, query_mask, corpus_embeddings, num_retrieve):
    qe = pl.pallas_call(
        _pool_body,
        out_shape=jax.ShapeDtypeStruct((Q, D), jnp.float32),
    )(query_token_emb, query_mask)

    grid = NPAD // BLK
    scores = pl.pallas_call(
        _scores_body,
        grid=(grid,),
        in_specs=[
            pl.BlockSpec((Q, D), lambda i: (0, 0)),
            pl.BlockSpec((BLK, D), lambda i: (i, 0)),
        ],
        out_specs=pl.BlockSpec((Q, BLK), lambda i: (0, i)),
        out_shape=jax.ShapeDtypeStruct((Q, NPAD), jnp.float32),
    )(qe, corpus_embeddings)

    mesh = plsc.VectorSubcoreMesh(core_axis_name="c", subcore_axis_name="s",
                                  num_cores=2, num_subcores=16)
    topk = functools.partial(
        pl.kernel,
        out_type=(jax.ShapeDtypeStruct((Q, K), jnp.float32),
                  jax.ShapeDtypeStruct((Q, K), jnp.int32)),
        mesh=mesh,
        compiler_params=pltpu.CompilerParams(needs_layout_passes=False),
        scratch_types=[
            pltpu.VMEM((CH,), jnp.float32),
            pltpu.VMEM((CH,), jnp.float32),
            pltpu.VMEM((BUF,), jnp.float32),
            pltpu.VMEM((BUF,), jnp.int32),
            pltpu.VMEM((BUF,), jnp.uint32),
            pltpu.VMEM((BUF,), jnp.float32),
            pltpu.VMEM((BUF,), jnp.int32),
            pltpu.VMEM((K,), jnp.float32),
            pltpu.VMEM((K,), jnp.int32),
            pltpu.SemaphoreType.DMA,
            pltpu.SemaphoreType.DMA,
        ],
    )(_topk_body)
    top_vals, top_idx = topk(scores)
    return top_vals, top_idx

# --- scband reference (transcript-rebuilt; emitter-appended) ---
"""Pipeline reference for scband-contriever-retriever-42331197669894 (READ-ONLY COPY).

The authoritative reference and input builder live on the scoring server;
editing this copy changes nothing except your own understanding.
"""

import jax, jax.numpy as jnp
import numpy as np


def setup_inputs(seed: int = 0) -> dict:
    key = jax.random.key(seed)
    k1, k2 = jax.random.split(key)
    query_token_emb = jax.random.normal(k1, (64, 128, 768), dtype=jnp.float32)
    query_mask = jnp.ones((64, 128), dtype=jnp.int32)
    corpus_embeddings = jax.random.normal(k2, (100000, 768), dtype=jnp.float32)
    num_retrieve = 64
    return {
        "query_token_emb": query_token_emb,
        "query_mask": query_mask,
        "corpus_embeddings": corpus_embeddings,
        "num_retrieve": num_retrieve,
    }


def reference(query_token_emb, query_mask, corpus_embeddings, num_retrieve):
    # _compute_sentence_embeddings: mask out padded tokens, mean-pool over tokens.
    # torch: token_embeddings.masked_fill(~mask.bool(), 0.0); sum / mask.sum
    mask = query_mask[..., None].astype(query_token_emb.dtype)  # [Q, L, 1]
    masked_tok = query_token_emb * mask                          # masked_fill(~mask, 0)
    query_embedding = masked_tok.sum(axis=1) / mask.sum(axis=1)  # [Q, d]
    # scores = query_embedding @ corpus_embeddings.T
    scores = query_embedding @ corpus_embeddings.T               # [Q, K]
    scores = scores + (0 * jnp.asarray(num_retrieve)).astype(scores.dtype)
    # torch.topk(scores, num_retrieve) -> (values, indices)
    top_vals, top_idx = jax.lax.top_k(scores, 64)                # [Q, k], [Q, k]
    return top_vals, top_idx

if __name__ == "__main__":
    import jax
    _d = setup_inputs()
    print(jax.jit(kernel)(*tuple(_d.values())))

</pallas_src>

<mosaic_0001>
#map = affine_map<(d0, d1) -> (0, 0)>
module attributes {stable_mosaic.version = 14 : i64} {
  func.func @_topk_body(%arg0: i32, %arg1: i32, %arg2: memref<64x102400xf32, #tpu.memory_space<hbm>>, %arg3: memref<64x64xf32, #tpu.memory_space<hbm>>, %arg4: memref<64x64xi32, #tpu.memory_space<hbm>>, %arg5: memref<6400xf32, #tpu.memory_space<vmem>>, %arg6: memref<6400xf32, #tpu.memory_space<vmem>>, %arg7: memref<640xf32, #tpu.memory_space<vmem>>, %arg8: memref<640xi32, #tpu.memory_space<vmem>>, %arg9: memref<640xi32, #tpu.memory_space<vmem>>, %arg10: memref<640xf32, #tpu.memory_space<vmem>>, %arg11: memref<640xi32, #tpu.memory_space<vmem>>, %arg12: memref<64xf32, #tpu.memory_space<vmem>>, %arg13: memref<64xi32, #tpu.memory_space<vmem>>, %arg14: memref<!tpu.dma_semaphore, #tpu.memory_space<semaphore_mem>>, %arg15: memref<!tpu.dma_semaphore, #tpu.memory_space<semaphore_mem>>) attributes {dimension_semantics = [#tpu.dimension_semantics<core_parallel>, #tpu.dimension_semantics<subcore_parallel>], iteration_bounds = array<i64: 2, 16>, scalar_prefetch = 0 : i64, scratch_operands = 11 : i64, tpu.core_type = #tpu.core_type<sc_vector_subcore>, window_params = [{transform_indices = #map}, {transform_indices = #map}, {transform_indices = #map}]} {
    %mul3A = arith.constant 2 : i32
    %mul3A_0 = arith.muli %arg1, %mul3A : i32
    %add3A = arith.addi %mul3A_0, %arg0 : i32
    %scan3A = arith.constant 0 : i32
    %scan3A_1 = arith.constant 0 : i32
    %scan3A_2 = arith.constant 2 : i32
    %scan3A_3 = arith.addi %scan3A_1, %scan3A_2 : i32
    %scan3A_4 = arith.constant 1 : i32
    %scan3A_5 = scf.for %scan3A_7 = %scan3A_1 to %scan3A_3 step %scan3A_4 iter_args(%scan3A_8 = %scan3A) -> (i32)  : i32 {
      %mul3A_9 = arith.constant 2 : i32
      %mul3A_10 = arith.muli %add3A, %mul3A_9 : i32
      %add3A_11 = arith.addi %mul3A_10, %scan3A_7 : i32
      %scan3A_12 = arith.constant 0 : i32
      %scan3A_13 = arith.constant 0 : i32
      %scan3A_14 = arith.constant 40 : i32
      %scan3A_15 = arith.addi %scan3A_13, %scan3A_14 : i32
      %scan3A_16 = arith.constant 1 : i32
      %scan3A_17 = scf.for %scan3A_98 = %scan3A_13 to %scan3A_15 step %scan3A_16 iter_args(%scan3A_99 = %scan3A_12) -> (i32)  : i32 {
        %broadcast_in_dim3A_100 = arith.constant -3.000000e+38 : f32
        %broadcast_in_dim3A_101 = vector.broadcast %broadcast_in_dim3A_100 : f32 to vector<16xf32>
        %mul3A_102 = arith.constant 16 : i32
        %mul3A_103 = arith.muli %scan3A_98, %mul3A_102 : i32
        %swap3A = arith.index_cast %mul3A_103 : i32 to index
        %swap3A_104 = tpu.vector_load %arg7[%swap3A] {strides = array<i32>} : memref<640xf32, #tpu.memory_space<vmem>>, vector<16xf32>,
        tpu.vector_store %arg7[%swap3A], %broadcast_in_dim3A_101 {strides = array<i32>} : memref<640xf32, #tpu.memory_space<vmem>>, vector<16xf32>,
        %scan3A_105 = arith.constant 0 : i32
        scf.yield %scan3A_105 : i32
      }
      %scan3A_18 = arith.constant 40 : i32
      %mul3A_19 = arith.constant 0 : i32
      %mul3A_20 = arith.constant 6400 : i32
      %mul3A_21 = arith.muli %mul3A_19, %mul3A_20 : i32
      %dma_start3A = tpu.memref_slice %arg2[%add3A_11, %mul3A_21] : memref<64x102400xf32, #tpu.memory_space<hbm>> -> memref<1x6400xf32, #tpu.memory_space<hbm>>
      %dma_start3A_22 = tpu.memref_squeeze %dma_start3A : memref<1x6400xf32, #tpu.memory_space<hbm>> -> memref<6400xf32, #tpu.memory_space<hbm>>
      %dma_start3A_23 = tpu.memref_slice %arg2[%add3A_11, %mul3A_21] : memref<64x102400xf32, #tpu.memory_space<hbm>> -> memref<1x6400xf32, #tpu.memory_space<hbm>>
      %dma_start3A_24 = tpu.memref_squeeze %dma_start3A_23 : memref<1x6400xf32, #tpu.memory_space<hbm>> -> memref<6400xf32, #tpu.memory_space<hbm>>
      tpu.enqueue_dma source(%dma_start3A_24 : memref<6400xf32, #tpu.memory_space<hbm>>) target(%arg5 : memref<6400xf32, #tpu.memory_space<vmem>>) target_semaphore(%arg14 : memref<!tpu.dma_semaphore, #tpu.memory_space<semaphore_mem>>)
      %scan3A_25 = arith.constant -3.000000e+38 : f32
      %scan3A_26 = arith.constant 0 : i32
      %scan3A_27 = arith.constant 0 : i32
      %scan3A_28 = arith.constant 8 : i32
      %scan3A_29 = arith.addi %scan3A_27, %scan3A_28 : i32
      %scan3A_30 = arith.constant 1 : i32
      %scan3A_31:2 = scf.for %scan3A_98 = %scan3A_27 to %scan3A_29 step %scan3A_30 iter_args(%scan3A_99 = %scan3A_25, %scan3A_100 = %scan3A_26) -> (f32, i32)  : i32 {
        %mul3A_101 = arith.constant 2 : i32
        %mul3A_102 = arith.muli %mul3A_101, %scan3A_98 : i32
        %add3A_103 = arith.constant 1 : i32
        %add3A_104 = arith.addi %mul3A_102, %add3A_103 : i32
        %add3A_105 = arith.constant 1 : i32
        %add3A_106 = arith.addi %add3A_104, %add3A_105 : i32
        %min3A = arith.constant 15 : i32
        %min3A_107 = arith.minsi %add3A_106, %min3A : i32
        %mul3A_108 = arith.constant 6400 : i32
        %mul3A_109 = arith.muli %mul3A_102, %mul3A_108 : i32
        %dma_wait3A_110 = tpu.memref_slice %arg2[%add3A_11, %mul3A_109] : memref<64x102400xf32, #tpu.memory_space<hbm>> -> memref<1x6400xf32, #tpu.memory_space<hbm>>
        %dma_wait3A_111 = tpu.memref_squeeze %dma_wait3A_110 : memref<1x6400xf32, #tpu.memory_space<hbm>> -> memref<6400xf32, #tpu.memory_space<hbm>>
        %dma_wait3A_112 = tpu.memref_slice %arg2[%add3A_11, %mul3A_109] : memref<64x102400xf32, #tpu.memory_space<hbm>> -> memref<1x6400xf32, #tpu.memory_space<hbm>>
        %dma_wait3A_113 = tpu.memref_squeeze %dma_wait3A_112 : memref<1x6400xf32, #tpu.memory_space<hbm>> -> memref<6400xf32, #tpu.memory_space<hbm>>
        tpu.wait_dma2 semaphore(%arg14 : memref<!tpu.dma_semaphore, #tpu.memory_space<semaphore_mem>>) src(%dma_wait3A_113 : memref<6400xf32, #tpu.memory_space<hbm>>) dst(%arg5 : memref<6400xf32, #tpu.memory_space<vmem>>)
        %mul3A_114 = arith.constant 6400 : i32
        %mul3A_115 = arith.muli %add3A_104, %mul3A_114 : i32
        %dma_start3A_116 = tpu.memref_slice %arg2[%add3A_11, %mul3A_115] : memref<64x102400xf32, #tpu.memory_space<hbm>> -> memref<1x6400xf32, #tpu.memory_space<hbm>>
        %dma_start3A_117 = tpu.memref_squeeze %dma_start3A_116 : memref<1x6400xf32, #tpu.memory_space<hbm>> -> memref<6400xf32, #tpu.memory_space<hbm>>
        %dma_start3A_118 = tpu.memref_slice %arg2[%add3A_11, %mul3A_115] : memref<64x102400xf32, #tpu.memory_space<hbm>> -> memref<1x6400xf32, #tpu.memory_space<hbm>>
        %dma_start3A_119 = tpu.memref_squeeze %dma_start3A_118 : memref<1x6400xf32, #tpu.memory_space<hbm>> -> memref<6400xf32, #tpu.memory_space<hbm>>
        tpu.enqueue_dma source(%dma_start3A_119 : memref<6400xf32, #tpu.memory_space<hbm>>) target(%arg6 : memref<6400xf32, #tpu.memory_space<vmem>>) target_semaphore(%arg15 : memref<!tpu.dma_semaphore, #tpu.memory_space<semaphore_mem>>)
        %scan3A_120 = arith.constant 0 : i32
        %scan3A_121 = arith.constant 25 : i32
        %scan3A_122 = arith.addi %scan3A_120, %scan3A_121 : i32
        %scan3A_123 = arith.constant 1 : i32
        %scan3A_124:2 = scf.for %scan3A_144 = %scan3A_120 to %scan3A_122 step %scan3A_123 iter_args(%scan3A_145 = %scan3A_99, %scan3A_146 = %scan3A_100) -> (f32, i32)  : i32 {
          %mul3A_147 = arith.constant 16 : i32
          %mul3A_148 = arith.muli %scan3A_144, %mul3A_147 : i32
          %mul3A_149 = arith.constant 16 : i32
          %mul3A_150 = arith.muli %mul3A_148, %mul3A_149 : i32
          %broadcast_in_dim3A_151 = arith.constant -3.000000e+38 : f32
          %broadcast_in_dim3A_152 = vector.broadcast %broadcast_in_dim3A_151 : f32 to vector<16xf32>
          %add3A_153 = arith.constant 0 : i32
          %add3A_154 = arith.addi %mul3A_150, %add3A_153 : i32
          %get3A = arith.index_cast %add3A_154 : i32 to index
          %get3A_155 = tpu.vector_load %arg5[%get3A] {strides = array<i32>} : memref<6400xf32, #tpu.memory_space<vmem>>, vector<16xf32>,
          %max3A = arith.maximumf %broadcast_in_dim3A_152, %get3A_155 : vector<16xf32>
          %add3A_156 = arith.constant 16 : i32
          %add3A_157 = arith.addi %mul3A_150, %add3A_156 : i32
          %get3A_158 = arith.index_cast %add3A_157 : i32 to index
          %get3A_159 = tpu.vector_load %arg5[%get3A_158] {strides = array<i32>} : memref<6400xf32, #tpu.memory_space<vmem>>, vector<16xf32>,
          %max3A_160 = arith.maximumf %max3A, %get3A_159 : vector<16xf32>
          %add3A_161 = arith.constant 32 : i32
          %add3A_162 = arith.addi %mul3A_150, %add3A_161 : i32
          %get3A_163 = arith.index_cast %add3A_162 : i32 to index
          %get3A_164 = tpu.vector_load %arg5[%get3A_163] {strides = array<i32>} : memref<6400xf32, #tpu.memory_space<vmem>>, vector<16xf32>,
          %max3A_165 = arith.maximumf %max3A_160, %get3A_164 : vector<16xf32>
          %add3A_166 = arith.constant 48 : i32
          %add3A_167 = arith.addi %mul3A_150, %add3A_166 : i32
          %get3A_168 = arith.index_cast %add3A_167 : i32 to index
          %get3A_169 = tpu.vector_load %arg5[%get3A_168] {strides = array<i32>} : memref<6400xf32, #tpu.memory_space<vmem>>, vector<16xf32>,
          %max3A_170 = arith.maximumf %max3A_165, %get3A_169 : vector<16xf32>
          %add3A_171 = arith.constant 64 : i32
          %add3A_172 = arith.addi %mul3A_150, %add3A_171 : i32
          %get3A_173 = arith.index_cast %add3A_172 : i32 to index
          %get3A_174 = tpu.vector_load %arg5[%get3A_173] {strides = array<i32>} : memref<6400xf32, #tpu.memory_space<vmem>>, vector<16xf32>,
          %max3A_175 = arith.maximumf %max3A_170, %get3A_174 : vector<16xf32>
          %add3A_176 = arith.constant 80 : i32
          %add3A_177 = arith.addi %mul3A_150, %add3A_176 : i32
          %get3A_178 = arith.index_cast %add3A_177 : i32 to index
          %get3A_179 = tpu.vector_load %arg5[%get3A_178] {strides = array<i32>} : memref<6400xf32, #tpu.memory_space<vmem>>, vector<16xf32>,
          %max3A_180 = arith.maximumf %max3A_175, %get3A_179 : vector<16xf32>
          %add3A_181 = arith.constant 96 : i32
          %add3A_182 = arith.addi %mul3A_150, %add3A_181 : i32
          %get3A_183 = arith.index_cast %add3A_182 : i32 to index
          %get3A_184 = tpu.vector_load %arg5[%get3A_183] {strides = array<i32>} : memref<6400xf32, #tpu.memory_space<vmem>>, vector<16xf32>,
          %max3A_185 = arith.maximumf %max3A_180, %get3A_184 : vector<16xf32>
          %add3A_186 = arith.constant 112 : i32
          %add3A_187 = arith.addi %mul3A_150, %add3A_186 : i32
          %get3A_188 = arith.index_cast %add3A_187 : i32 to index
          %get3A_189 = tpu.vector_load %arg5[%get3A_188] {strides = array<i32>} : memref<6400xf32, #tpu.memory_space<vmem>>, vector<16xf32>,
          %max3A_190 = arith.maximumf %max3A_185, %get3A_189 : vector<16xf32>
          %add3A_191 = arith.constant 128 : i32
          %add3A_192 = arith.addi %mul3A_150, %add3A_191 : i32
          %get3A_193 = arith.index_cast %add3A_192 : i32 to index
          %get3A_194 = tpu.vector_load %arg5[%get3A_193] {strides = array<i32>} : memref<6400xf32, #tpu.memory_space<vmem>>, vector<16xf32>,
          %max3A_195 = arith.maximumf %max3A_190, %get3A_194 : vector<16xf32>
          %add3A_196 = arith.constant 144 : i32
          %add3A_197 = arith.addi %mul3A_150, %add3A_196 : i32
          %get3A_198 = arith.index_cast %add3A_197 : i32 to index
          %get3A_199 = tpu.vector_load %arg5[%get3A_198] {strides = array<i32>} : memref<6400xf32, #tpu.memory_space<vmem>>, vector<16xf32>,
          %max3A_200 = arith.maximumf %max3A_195, %get3A_199 : vector<16xf32>
          %add3A_201 = arith.constant 160 : i32
          %add3A_202 = arith.addi %mul3A_150, %add3A_201 : i32
          %get3A_203 = arith.index_cast %add3A_202 : i32 to index
          %get3A_204 = tpu.vector_load %arg5[%get3A_203] {strides = array<i32>} : memref<6400xf32, #tpu.memory_space<vmem>>, vector<16xf32>,
          %max3A_205 = arith.maximumf %max3A_200, %get3A_204 : vector<16xf32>
          %add3A_206 = arith.constant 176 : i32
          %add3A_207 = arith.addi %mul3A_150, %add3A_206 : i32
          %get3A_208 = arith.index_cast %add3A_207 : i32 to index
          %get3A_209 = tpu.vector_load %arg5[%get3A_208] {strides = array<i32>} : memref<6400xf32, #tpu.memory_space<vmem>>, vector<16xf32>,
          %max3A_210 = arith.maximumf %max3A_205, %get3A_209 : vector<16xf32>
          %add3A_211 = arith.constant 192 : i32
          %add3A_212 = arith.addi %mul3A_150, %add3A_211 : i32
          %get3A_213 = arith.index_cast %add3A_212 : i32 to index
          %get3A_214 = tpu.vector_load %arg5[%get3A_213] {strides = array<i32>} : memref<6400xf32, #tpu.memory_space<vmem>>, vector<16xf32>,
          %max3A_215 = arith.maximumf %max3A_210, %get3A_214 : vector<16xf32>
          %add3A_216 = arith.constant 208 : i32
          %add3A_217 = arith.addi %mul3A_150, %add3A_216 : i32
          %get3A_218 = arith.index_cast %add3A_217 : i32 to index
          %get3A_219 = tpu.vector_load %arg5[%get3A_218] {strides = array<i32>} : memref<6400xf32, #tpu.memory_space<vmem>>, vector<16xf32>,
          %max3A_220 = arith.maximumf %max3A_215, %get3A_219 : vector<16xf32>
          %add3A_221 = arith.constant 224 : i32
          %add3A_222 = arith.addi %mul3A_150, %add3A_221 : i32
          %get3A_223 = arith.index_cast %add3A_222 : i32 to index
          %get3A_224 = tpu.vector_load %arg5[%get3A_223] {strides = array<i32>} : memref<6400xf32, #tpu.memory_space<vmem>>, vector<16xf32>,
          %max3A_225 = arith.maximumf %max3A_220, %get3A_224 : vector<16xf32>
          %add3A_226 = arith.constant 240 : i32
          %add3A_227 = arith.addi %mul3A_150, %add3A_226 : i32
          %get3A_228 = arith.index_cast %add3A_227 : i32 to index
          %get3A_229 = tpu.vector_load %arg5[%get3A_228] {strides = array<i32>} : memref<6400xf32, #tpu.memory_space<vmem>>, vector<16xf32>,
          %max3A_230 = arith.maximumf %max3A_225, %get3A_229 : vector<16xf32>
          %reduce_max3A_231 = arith.constant true
          %reduce_max3A_232 = vector.broadcast %reduce_max3A_231 : i1 to vector<16xi1>
          %reduce_max3A_233 = tpu.scan <max>, %max3A_230 masked %reduce_max3A_232 : vector<16xf32>, vector<16xi1> -> vector<16xf32>
          %reduce_max3A_234 = vector.extract %reduce_max3A_233[15] : f32 from vector<16xf32>
          %ge3A = arith.cmpf oge, %reduce_max3A_234, %scan3A_145 : f32
          %convert_element_type3A = arith.extui %ge3A : i1 to i32
          %cond3A = arith.constant 0 : i32
          %cond3A_235 = arith.cmpi ne, %convert_element_type3A, %cond3A : i32
          %cond3A_236 = scf.if %cond3A_235 -> (i32) {
            %broadcast_in_dim3A_242 = vector.broadcast %scan3A_145 : f32 to vector<16xf32>
            %add3A_243 = arith.constant 0 : i32
            %add3A_244 = arith.addi %mul3A_150, %add3A_243 : i32
            %get3A_245 = arith.index_cast %add3A_244 : i32 to index
            %get3A_246 = tpu.vector_load %arg5[%get3A_245] {strides = array<i32>} : memref<6400xf32, #tpu.memory_space<vmem>>, vector<16xf32>,
            %ge3A_247 = arith.cmpf oge, %get3A_246, %broadcast_in_dim3A_242 : vector<16xf32>
            %mul3A_248 = arith.constant 6400 : i32
            %mul3A_249 = arith.muli %mul3A_102, %mul3A_248 : i32
            %add3A_250 = arith.addi %mul3A_249, %mul3A_150 : i32
            %add3A_251 = arith.constant 0 : i32
            %add3A_252 = arith.addi %add3A_250, %add3A_251 : i32
            %broadcast_in_dim3A_253 = vector.broadcast %add3A_252 : i32 to vector<16xi32>
            %iota3A = tpu.iota {dimensions = array<i32: 0>} : vector<16xi32>
            %add3A_254 = arith.addi %broadcast_in_dim3A_253, %iota3A : vector<16xi32>
            %swap3A = arith.index_cast %scan3A_146 : i32 to index
            %swap3A_255 = tpu.vector_load %arg7[%swap3A] masked %ge3A_247 {strides = array<i32>} : memref<640xf32, #tpu.memory_space<vmem>>, vector<16xf32>, vector<16xi1>
            tpu.vector_store %arg7[%swap3A], %get3A_246 masked %ge3A_247 {strides = array<i32>} : memref<640xf32, #tpu.memory_space<vmem>>, vector<16xf32>, vector<16xi1>
            %swap3A_256 = arith.index_cast %scan3A_146 : i32 to index
            %swap3A_257 = tpu.vector_load %arg8[%swap3A_256] masked %ge3A_247 {strides = array<i32>} : memref<640xi32, #tpu.memory_space<vmem>>, vector<16xi32>, vector<16xi1>
            tpu.vector_store %arg8[%swap3A_256], %add3A_254 masked %ge3A_247 {strides = array<i32>} : memref<640xi32, #tpu.memory_space<vmem>>, vector<16xi32>, vector<16xi1>
            %convert_element_type3A_258 = arith.extui %ge3A_247 : vector<16xi1> to vector<16xi32>
            %reduce_sum3A = arith.constant true
            %reduce_sum3A_259 = vector.broadcast %reduce_sum3A : i1 to vector<16xi1>
            %reduce_sum3A_260 = tpu.scan <sum>, %convert_element_type3A_258 masked %reduce_sum3A_259 : vector<16xi32>, vector<16xi1> -> vector<16xi32>
            %reduce_sum3A_261 = vector.extract %reduce_sum3A_260[15] : i32 from vector<16xi32>
            %add3A_262 = arith.addi %scan3A_146, %reduce_sum3A_261 : i32
            %add3A_263 = arith.constant 16 : i32
            %add3A_264 = arith.addi %mul3A_150, %add3A_263 : i32
            %get3A_265 = arith.index_cast %add3A_264 : i32 to index
            %get3A_266 = tpu.vector_load %arg5[%get3A_265] {strides = array<i32>} : memref<6400xf32, #tpu.memory_space<vmem>>, vector<16xf32>,
            %ge3A_267 = arith.cmpf oge, %get3A_266, %broadcast_in_dim3A_242 : vector<16xf32>
            %mul3A_268 = arith.constant 6400 : i32
            %mul3A_269 = arith.muli %mul3A_102, %mul3A_268 : i32
            %add3A_270 = arith.addi %mul3A_269, %mul3A_150 : i32
            %add3A_271 = arith.constant 16 : i32
            %add3A_272 = arith.addi %add3A_270, %add3A_271 : i32
            %broadcast_in_dim3A_273 = vector.broadcast %add3A_272 : i32 to vector<16xi32>
            %iota3A_274 = tpu.iota {dimensions = array<i32: 0>} : vector<16xi32>
            %add3A_275 = arith.addi %broadcast_in_dim3A_273, %iota3A_274 : vector<16xi32>
            %swap3A_276 = arith.index_cast %add3A_262 : i32 to index
            %swap3A_277 = tpu.vector_load %arg7[%swap3A_276] masked %ge3A_267 {strides = array<i32>} : memref<640xf32, #tpu.memory_space<vmem>>, vector<16xf32>, vector<16xi1>
            tpu.vector_store %arg7[%swap3A_276], %get3A_266 masked %ge3A_267 {strides = array<i32>} : memref<640xf32, #tpu.memory_space<vmem>>, vector<16xf32>, vector<16xi1>
            %swap3A_278 = arith.index_cast %add3A_262 : i32 to index
            %swap3A_279 = tpu.vector_load %arg8[%swap3A_278] masked %ge3A_267 {strides = array<i32>} : memref<640xi32, #tpu.memory_space<vmem>>, vector<16xi32>, vector<16xi1>
            tpu.vector_store %arg8[%swap3A_278], %add3A_275 masked %ge3A_267 {strides = array<i32>} : memref<640xi32, #tpu.memory_space<vmem>>, vector<16xi32>, vector<16xi1>
            %convert_element_type3A_280 = arith.extui %ge3A_267 : vector<16xi1> to vector<16xi32>
            %reduce_sum3A_281 = arith.constant true
            %reduce_sum3A_282 = vector.broadcast %reduce_sum3A_281 : i1 to vector<16xi1>
            %reduce_sum3A_283 = tpu.scan <sum>, %convert_element_type3A_280 masked %reduce_sum3A_282 : vector<16xi32>, vector<16xi1> -> vector<16xi32>
            %reduce_sum3A_284 = vector.extract %reduce_sum3A_283[15] : i32 from vector<16xi32>
            %add3A_285 = arith.addi %add3A_262, %reduce_sum3A_284 : i32
            %add3A_286 = arith.constant 32 : i32
            %add3A_287 = arith.addi %mul3A_150, %add3A_286 : i32
            %get3A_288 = arith.index_cast %add3A_287 : i32 to index
            %get3A_289 = tpu.vector_load %arg5[%get3A_288] {strides = array<i32>} : memref<6400xf32, #tpu.memory_space<vmem>>, vector<16xf32>,
            %ge3A_290 = arith.cmpf oge, %get3A_289, %broadcast_in_dim3A_242 : vector<16xf32>
            %mul3A_291 = arith.constant 6400 : i32
            %mul3A_292 = arith.muli %mul3A_102, %mul3A_291 : i32
            %add3A_293 = arith.addi %mul3A_292, %mul3A_150 : i32
            %add3A_294 = arith.constant 32 : i32
            %add3A_295 = arith.addi %add3A_293, %add3A_294 : i32
            %broadcast_in_dim3A_296 = vector.broadcast %add3A_295 : i32 to vector<16xi32>
            %iota3A_297 = tpu.iota {dimensions = array<i32: 0>} : vector<16xi32>
            %add3A_298 = arith.addi %broadcast_in_dim3A_296, %iota3A_297 : vector<16xi32>
            %swap3A_299 = arith.index_cast %add3A_285 : i32 to index
            %swap3A_300 = tpu.vector_load %arg7[%swap3A_299] masked %ge3A_290 {strides = array<i32>} : memref<640xf32, #tpu.memory_space<vmem>>, vector<16xf32>, vector<16xi1>
            tpu.vector_store %arg7[%swap3A_299], %get3A_289 masked %ge3A_290 {strides = array<i32>} : memref<640xf32, #tpu.memory_space<vmem>>, vector<16xf32>, vector<16xi1>
            %swap3A_301 = arith.index_cast %add3A_285 : i32 to index
            %swap3A_302 = tpu.vector_load %arg8[%swap3A_301] masked %ge3A_290 {strides = array<i32>} : memref<640xi32, #tpu.memory_space<vmem>>, vector<16xi32>, vector<16xi1>
            tpu.vector_store %arg8[%swap3A_301], %add3A_298 masked %ge3A_290 {strides = array<i32>} : memref<640xi32, #tpu.memory_space<vmem>>, vector<16xi32>, vector<16xi1>
            %convert_element_type3A_303 = arith.extui %ge3A_290 : vector<16xi1> to vector<16xi32>
            %reduce_sum3A_304 = arith.constant true
            %reduce_sum3A_305 = vector.broadcast %reduce_sum3A_304 : i1 to vector<16xi1>
            %reduce_sum3A_306 = tpu.scan <sum>, %convert_element_type3A_303 masked %reduce_sum3A_305 : vector<16xi32>, vector<16xi1> -> vector<16xi32>
            %reduce_sum3A_307 = vector.extract %reduce_sum3A_306[15] : i32 from vector<16xi32>
            %add3A_308 = arith.addi %add3A_285, %reduce_sum3A_307 : i32
            %add3A_309 = arith.constant 48 : i32
            %add3A_310 = arith.addi %mul3A_150, %add3A_309 : i32
            %get3A_311 = arith.index_cast %add3A_310 : i32 to index
            %get3A_312 = tpu.vector_load %arg5[%get3A_311] {strides = array<i32>} : memref<6400xf32, #tpu.memory_space<vmem>>, vector<16xf32>,
            %ge3A_313 = arith.cmpf oge, %get3A_312, %broadcast_in_dim3A_242 : vector<16xf32>
            %mul3A_314 = arith.constant 6400 : i32
            %mul3A_315 = arith.muli %mul3A_102, %mul3A_314 : i32
            %add3A_316 = arith.addi %mul3A_315, %mul3A_150 : i32
            %add3A_317 = arith.constant 48 : i32
            %add3A_318 = arith.addi %add3A_316, %add3A_317 : i32
            %broadcast_in_dim3A_319 = vector.broadcast %add3A_318 : i32 to vector<16xi32>
            %iota3A_320 = tpu.iota {dimensions = array<i32: 0>} : vector<16xi32>
            %add3A_321 = arith.addi %broadcast_in_dim3A_319, %iota3A_320 : vector<16xi32>
            %swap3A_322 = arith.index_cast %add3A_308 : i32 to index
            %swap3A_323 = tpu.vector_load %arg7[%swap3A_322] masked %ge3A_313 {strides = array<i32>} : memref<640xf32, #tpu.memory_space<vmem>>, vector<16xf32>, vector<16xi1>
            tpu.vector_store %arg7[%swap3A_322], %get3A_312 masked %ge3A_313 {strides = array<i32>} : memref<640xf32, #tpu.memory_space<vmem>>, vector<16xf32>, vector<16xi1>
            %swap3A_324 = arith.index_cast %add3A_308 : i32 to index
            %swap3A_325 = tpu.vector_load %arg8[%swap3A_324] masked %ge3A_313 {strides = array<i32>} : memref<640xi32, #tpu.memory_space<vmem>>, vector<16xi32>, vector<16xi1>
            tpu.vector_store %arg8[%swap3A_324], %add3A_321 masked %ge3A_313 {strides = array<i32>} : memref<640xi32, #tpu.memory_space<vmem>>, vector<16xi32>, vector<16xi1>
            %convert_element_type3A_326 = arith.extui %ge3A_313 : vector<16xi1> to vector<16xi32>
            %reduce_sum3A_327 = arith.constant true
            %reduce_sum3A_328 = vector.broadcast %reduce_sum3A_327 : i1 to vector<16xi1>
            %reduce_sum3A_329 = tpu.scan <sum>, %convert_element_type3A_326 masked %reduce_sum3A_328 : vector<16xi32>, vector<16xi1> -> vector<16xi32>
            %reduce_sum3A_330 = vector.extract %reduce_sum3A_329[15] : i32 from vector<16xi32>
            %add3A_331 = arith.addi %add3A_308, %reduce_sum3A_330 : i32
            %add3A_332 = arith.constant 64 : i32
            %add3A_333 = arith.addi %mul3A_150, %add3A_332 : i32
            %get3A_334 = arith.index_cast %add3A_333 : i32 to index
            %get3A_335 = tpu.vector_load %arg5[%get3A_334] {strides = array<i32>} : memref<6400xf32, #tpu.memory_space<vmem>>, vector<16xf32>,
            %ge3A_336 = arith.cmpf oge, %get3A_335, %broadcast_in_dim3A_242 : vector<16xf32>
            %mul3A_337 = arith.constant 6400 : i32
            %mul3A_338 = arith.muli %mul3A_102, %mul3A_337 : i32
            %add3A_339 = arith.addi %mul3A_338, %mul3A_150 : i32
            %add3A_340 = arith.constant 64 : i32
            %add3A_341 = arith.addi %add3A_339, %add3A_340 : i32
            %broadcast_in_dim3A_342 = vector.broadcast %add3A_341 : i32 to vector<16xi32>
            %iota3A_343 = tpu.iota {dimensions = array<i32: 0>} : vector<16xi32>
            %add3A_344 = arith.addi %broadcast_in_dim3A_342, %iota3A_343 : vector<16xi32>
            %swap3A_345 = arith.index_cast %add3A_331 : i32 to index
            %swap3A_346 = tpu.vector_load %arg7[%swap3A_345] masked %ge3A_336 {strides = array<i32>} : memref<640xf32, #tpu.memory_space<vmem>>, vector<16xf32>, vector<16xi1>
            tpu.vector_store %arg7[%swap3A_345], %get3A_335 masked %ge3A_336 {strides = array<i32>} : memref<640xf32, #tpu.memory_space<vmem>>, vector<16xf32>, vector<16xi1>
            %swap3A_347 = arith.index_cast %add3A_331 : i32 to index
            %swap3A_348 = tpu.vector_load %arg8[%swap3A_347] masked %ge3A_336 {strides = array<i32>} : memref<640xi32, #tpu.memory_space<vmem>>, vector<16xi32>, vector<16xi1>
            tpu.vector_store %arg8[%swap3A_347], %add3A_344 masked %ge3A_336 {strides = array<i32>} : memref<640xi32, #tpu.memory_space<vmem>>, vector<16xi32>, vector<16xi1>
            %convert_element_type3A_349 = arith.extui %ge3A_336 : vector<16xi1> to vector<16xi32>
            %reduce_sum3A_350 = arith.constant true
            %reduce_sum3A_351 = vector.broadcast %reduce_sum3A_350 : i1 to vector<16xi1>
            %reduce_sum3A_352 = tpu.scan <sum>, %convert_element_type3A_349 masked %reduce_sum3A_351 : vector<16xi32>, vector<16xi1> -> vector<16xi32>
            %reduce_sum3A_353 = vector.extract %reduce_sum3A_352[15] : i32 from vector<16xi32>
            %add3A_354 = arith.addi %add3A_331, %reduce_sum3A_353 : i32
            %add3A_355 = arith.constant 80 : i32
            %add3A_356 = arith.addi %mul3A_150, %add3A_355 : i32
            %get3A_357 = arith.index_cast %add3A_356 : i32 to index
            %get3A_358 = tpu.vector_load %arg5[%get3A_357] {strides = array<i32>} : memref<6400xf32, #tpu.memory_space<vmem>>, vector<16xf32>,
            %ge3A_359 = arith.cmpf oge, %get3A_358, %broadcast_in_dim3A_242 : vector<16xf32>
            %mul3A_360 = arith.constant 6400 : i32
            %mul3A_361 = arith.muli %mul3A_102, %mul3A_360 : i32
            %add3A_362 = arith.addi %mul3A_361, %mul3A_150 : i32
            %add3A_363 = arith.constant 80 : i32
            %add3A_364 = arith.addi %add3A_362, %add3A_363 : i32
            %broadcast_in_dim3A_365 = vector.broadcast %add3A_364 : i32 to vector<16xi32>
            %iota3A_366 = tpu.iota {dimensions = array<i32: 0>} : vector<16xi32>
            %add3A_367 = arith.addi %broadcast_in_dim3A_365, %iota3A_366 : vector<16xi32>
            %swap3A_368 = arith.index_cast %add3A_354 : i32 to index
            %swap3A_369 = tpu.vector_load %arg7[%swap3A_368] masked %ge3A_359 {strides = array<i32>} : memref<640xf32, #tpu.memory_space<vmem>>, vector<16xf32>, vector<16xi1>
            tpu.vector_store %arg7[%swap3A_368], %get3A_358 masked %ge3A_359 {strides = array<i32>} : memref<640xf32, #tpu.memory_space<vmem>>, vector<16xf32>, vector<16xi1>
            %swap3A_370 = arith.index_cast %add3A_354 : i32 to index
            %swap3A_371 = tpu.vector_load %arg8[%swap3A_370] masked %ge3A_359 {strides = array<i32>} : memref<640xi32, #tpu.memory_space<vmem>>, vector<16xi32>, vector<16xi1>
            tpu.vector_store %arg8[%swap3A_370], %add3A_367 masked %ge3A_359 {strides = array<i32>} : memref<640xi32, #tpu.memory_space<vmem>>, vector<16xi32>, vector<16xi1>
            %convert_element_type3A_372 = arith.extui %ge3A_359 : vector<16xi1> to vector<16xi32>
            %reduce_sum3A_373 = arith.constant true
            %reduce_sum3A_374 = vector.broadcast %reduce_sum3A_373 : i1 to vector<16xi1>
            %reduce_sum3A_375 = tpu.scan <sum>, %convert_element_type3A_372 masked %reduce_sum3A_374 : vector<16xi32>, vector<16xi1> -> vector<16xi32>
            %reduce_sum3A_376 = vector.extract %reduce_sum3A_375[15] : i32 from vector<16xi32>
            %add3A_377 = arith.addi %add3A_354, %reduce_sum3A_376 : i32
            %add3A_378 = arith.constant 96 : i32
            %add3A_379 = arith.addi %mul3A_150, %add3A_378 : i32
            %get3A_380 = arith.index_cast %add3A_379 : i32 to index
            %get3A_381 = tpu.vector_load %arg5[%get3A_380] {strides = array<i32>} : memref<6400xf32, #tpu.memory_space<vmem>>, vector<16xf32>,
            %ge3A_382 = arith.cmpf oge, %get3A_381, %broadcast_in_dim3A_242 : vector<16xf32>
            %mul3A_383 = arith.constant 6400 : i32
            %mul3A_384 = arith.muli %mul3A_102, %mul3A_383 : i32
            %add3A_385 = arith.addi %mul3A_384, %mul3A_150 : i32
            %add3A_386 = arith.constant 96 : i32
            %add3A_387 = arith.addi %add3A_385, %add3A_386 : i32
            %broadcast_in_dim3A_388 = vector.broadcast %add3A_387 : i32 to vector<16xi32>
            %iota3A_389 = tpu.iota {dimensions = array<i32: 0>} : vector<16xi32>
            %add3A_390 = arith.addi %broadcast_in_dim3A_388, %iota3A_389 : vector<16xi32>
            %swap3A_391 = arith.index_cast %add3A_377 : i32 to index
            %swap3A_392 = tpu.vector_load %arg7[%swap3A_391] masked %ge3A_382 {strides = array<i32>} : memref<640xf32, #tpu.memory_space<vmem>>, vector<16xf32>, vector<16xi1>
            tpu.vector_store %arg7[%swap3A_391], %get3A_381 masked %ge3A_382 {strides = array<i32>} : memref<640xf32, #tpu.memory_space<vmem>>, vector<16xf32>, vector<16xi1>
            %swap3A_393 = arith.index_cast %add3A_377 : i32 to index
            %swap3A_394 = tpu.vector_load %arg8[%swap3A_393] masked %ge3A_382 {strides = array<i32>} : memref<640xi32, #tpu.memory_space<vmem>>, vector<16xi32>, vector<16xi1>
            tpu.vector_store %arg8[%swap3A_393], %add3A_390 masked %ge3A_382 {strides = array<i32>} : memref<640xi32, #tpu.memory_space<vmem>>, vector<16xi32>, vector<16xi1>
            %convert_element_type3A_395 = arith.extui %ge3A_382 : vector<16xi1> to vector<16xi32>
            %reduce_sum3A_396 = arith.constant true
            %reduce_sum3A_397 = vector.broadcast %reduce_sum3A_396 : i1 to vector<16xi1>
            %reduce_sum3A_398 = tpu.scan <sum>, %convert_element_type3A_395 masked %reduce_sum3A_397 : vector<16xi32>, vector<16xi1> -> vector<16xi32>
            %reduce_sum3A_399 = vector.extract %reduce_sum3A_398[15] : i32 from vector<16xi32>
            %add3A_400 = arith.addi %add3A_377, %reduce_sum3A_399 : i32
            %add3A_401 = arith.constant 112 : i32
            %add3A_402 = arith.addi %mul3A_150, %add3A_401 : i32
            %get3A_403 = arith.index_cast %add3A_402 : i32 to index
            %get3A_404 = tpu.vector_load %arg5[%get3A_403] {strides = array<i32>} : memref<6400xf32, #tpu.memory_space<vmem>>, vector<16xf32>,
            %ge3A_405 = arith.cmpf oge, %get3A_404, %broadcast_in_dim3A_242 : vector<16xf32>
            %mul3A_406 = arith.constant 6400 : i32
            %mul3A_407 = arith.muli %mul3A_102, %mul3A_406 : i32
            %add3A_408 = arith.addi %mul3A_407, %mul3A_150 : i32
            %add3A_409 = arith.constant 112 : i32
            %add3A_410 = arith.addi %add3A_408, %add3A_409 : i32
            %broadcast_in_dim3A_411 = vector.broadcast %add3A_410 : i32 to vector<16xi32>
            %iota3A_412 = tpu.iota {dimensions = array<i32: 0>} : vector<16xi32>
            %add3A_413 = arith.addi %broadcast_in_dim3A_411, %iota3A_412 : vector<16xi32>
            %swap3A_414 = arith.index_cast %add3A_400 : i32 to index
            %swap3A_415 = tpu.vector_load %arg7[%swap3A_414] masked %ge3A_405 {strides = array<i32>} : memref<640xf32, #tpu.memory_space<vmem>>, vector<16xf32>, vector<16xi1>
            tpu.vector_store %arg7[%swap3A_414], %get3A_404 masked %ge3A_405 {strides = array<i32>} : memref<640xf32, #tpu.memory_space<vmem>>, vector<16xf32>, vector<16xi1>
            %swap3A_416 = arith.index_cast %add3A_400 : i32 to index
            %swap3A_417 = tpu.vector_load %arg8[%swap3A_416] masked %ge3A_405 {strides = array<i32>} : memref<640xi32, #tpu.memory_space<vmem>>, vector<16xi32>, vector<16xi1>
            tpu.vector_store %arg8[%swap3A_416], %add3A_413 masked %ge3A_405 {strides = array<i32>} : memref<640xi32, #tpu.memory_space<vmem>>, vector<16xi32>, vector<16xi1>
            %convert_element_type3A_418 = arith.extui %ge3A_405 : vector<16xi1> to vector<16xi32>
            %reduce_sum3A_419 = arith.constant true
            %reduce_sum3A_420 = vector.broadcast %reduce_sum3A_419 : i1 to vector<16xi1>
            %reduce_sum3A_421 = tpu.scan <sum>, %convert_element_type3A_418 masked %reduce_sum3A_420 : vector<16xi32>, vector<16xi1> -> vector<16xi32>
            %reduce_sum3A_422 = vector.extract %reduce_sum3A_421[15] : i32 from vector<16xi32>
            %add3A_423 = arith.addi %add3A_400, %reduce_sum3A_422 : i32
            %add3A_424 = arith.constant 128 : i32
            %add3A_425 = arith.addi %mul3A_150, %add3A_424 : i32
            %get3A_426 = arith.index_cast %add3A_425 : i32 to index
            %get3A_427 = tpu.vector_load %arg5[%get3A_426] {strides = array<i32>} : memref<6400xf32, #tpu.memory_space<vmem>>, vector<16xf32>,
            %ge3A_428 = arith.cmpf oge, %get3A_427, %broadcast_in_dim3A_242 : vector<16xf32>
            %mul3A_429 = arith.constant 6400 : i32
            %mul3A_430 = arith.muli %mul3A_102, %mul3A_429 : i32
            %add3A_431 = arith.addi %mul3A_430, %mul3A_150 : i32
            %add3A_432 = arith.constant 128 : i32
            %add3A_433 = arith.addi %add3A_431, %add3A_432 : i32
            %broadcast_in_dim3A_434 = vector.broadcast %add3A_433 : i32 to vector<16xi32>
            %iota3A_435 = tpu.iota {dimensions = array<i32: 0>} : vector<16xi32>
            %add3A_436 = arith.addi %broadcast_in_dim3A_434, %iota3A_435 : vector<16xi32>
            %swap3A_437 = arith.index_cast %add3A_423 : i32 to index
            %swap3A_438 = tpu.vector_load %arg7[%swap3A_437] masked %ge3A_428 {strides = array<i32>} : memref<640xf32, #tpu.memory_space<vmem>>, vector<16xf32>, vector<16xi1>
            tpu.vector_store %arg7[%swap3A_437], %get3A_427 masked %ge3A_428 {strides = array<i32>} : memref<640xf32, #tpu.memory_space<vmem>>, vector<16xf32>, vector<16xi1>
            %swap3A_439 = arith.index_cast %add3A_423 : i32 to index
            %swap3A_440 = tpu.vector_load %arg8[%swap3A_439] masked %ge3A_428 {strides = array<i32>} : memref<640xi32, #tpu.memory_space<vmem>>, vector<16xi32>, vector<16xi1>
            tpu.vector_store %arg8[%swap3A_439], %add3A_436 masked %ge3A_428 {strides = array<i32>} : memref<640xi32, #tpu.memory_space<vmem>>, vector<16xi32>, vector<16xi1>
            %convert_element_type3A_441 = arith.extui %ge3A_428 : vector<16xi1> to vector<16xi32>
            %reduce_sum3A_442 = arith.constant true
            %reduce_sum3A_443 = vector.broadcast %reduce_sum3A_442 : i1 to vector<16xi1>
            %reduce_sum3A_444 = tpu.scan <sum>, %convert_element_type3A_441 masked %reduce_sum3A_443 : vector<16xi32>, vector<16xi1> -> vector<16xi32>
            %reduce_sum3A_445 = vector.extract %reduce_sum3A_444[15] : i32 from vector<16xi32>
            %add3A_446 = arith.addi %add3A_423, %reduce_sum3A_445 : i32
            %add3A_447 = arith.constant 144 : i32
            %add3A_448 = arith.addi %mul3A_150, %add3A_447 : i32
            %get3A_449 = arith.index_cast %add3A_448 : i32 to index
            %get3A_450 = tpu.vector_load %arg5[%get3A_449] {strides = array<i32>} : memref<6400xf32, #tpu.memory_space<vmem>>, vector<16xf32>,
            %ge3A_451 = arith.cmpf oge, %get3A_450, %broadcast_in_dim3A_242 : vector<16xf32>
            %mul3A_452 = arith.constant 6400 : i32
            %mul3A_453 = arith.muli %mul3A_102, %mul3A_452 : i32
            %add3A_454 = arith.addi %mul3A_453, %mul3A_150 : i32
            %add3A_455 = arith.constant 144 : i32
            %add3A_456 = arith.addi %add3A_454, %add3A_455 : i32
            %broadcast_in_dim3A_457 = vector.broadcast %add3A_456 : i32 to vector<16xi32>
            %iota3A_458 = tpu.iota {dimensions = array<i32: 0>} : vector<16xi32>
            %add3A_459 = arith.addi %broadcast_in_dim3A_457, %iota3A_458 : vector<16xi32>
            %swap3A_460 = arith.index_cast %add3A_446 : i32 to index
            %swap3A_461 = tpu.vector_load %arg7[%swap3A_460] masked %ge3A_451 {strides = array<i32>} : memref<640xf32, #tpu.memory_space<vmem>>, vector<16xf32>, vector<16xi1>
            tpu.vector_store %arg7[%swap3A_460], %get3A_450 masked %ge3A_451 {strides = array<i32>} : memref<640xf32, #tpu.memory_space<vmem>>, vector<16xf32>, vector<16xi1>
            %swap3A_462 = arith.index_cast %add3A_446 : i32 to index
            %swap3A_463 = tpu.vector_load %arg8[%swap3A_462] masked %ge3A_451 {strides = array<i32>} : memref<640xi32, #tpu.memory_space<vmem>>, vector<16xi32>, vector<16xi1>
            tpu.vector_store %arg8[%swap3A_462], %add3A_459 masked %ge3A_451 {strides = array<i32>} : memref<640xi32, #tpu.memory_space<vmem>>, vector<16xi32>, vector<16xi1>
            %convert_element_type3A_464 = arith.extui %ge3A_451 : vector<16xi1> to vector<16xi32>
            %reduce_sum3A_465 = arith.constant true
            %reduce_sum3A_466 = vector.broadcast %reduce_sum3A_465 : i1 to vector<16xi1>
            %reduce_sum3A_467 = tpu.scan <sum>, %convert_element_type3A_464 masked %reduce_sum3A_466 : vector<16xi32>, vector<16xi1> -> vector<16xi32>
            %reduce_sum3A_468 = vector.extract %reduce_sum3A_467[15] : i32 from vector<16xi32>
            %add3A_469 = arith.addi %add3A_446, %reduce_sum3A_468 : i32
            %add3A_470 = arith.constant 160 : i32
            %add3A_471 = arith.addi %mul3A_150, %add3A_470 : i32
            %get3A_472 = arith.index_cast %add3A_471 : i32 to index
            %get3A_473 = tpu.vector_load %arg5[%get3A_472] {strides = array<i32>} : memref<6400xf32, #tpu.memory_space<vmem>>, vector<16xf32>,
            %ge3A_474 = arith.cmpf oge, %get3A_473, %broadcast_in_dim3A_242 : vector<16xf32>
            %mul3A_475 = arith.constant 6400 : i32
            %mul3A_476 = arith.muli %mul3A_102, %mul3A_475 : i32
            %add3A_477 = arith.addi %mul3A_476, %mul3A_150 : i32
            %add3A_478 = arith.constant 160 : i32
            %add3A_479 = arith.addi %add3A_477, %add3A_478 : i32
            %broadcast_in_dim3A_480 = vector.broadcast %add3A_479 : i32 to vector<16xi32>
            %iota3A_481 = tpu.iota {dimensions = array<i32: 0>} : vector<16xi32>
            %add3A_482 = arith.addi %broadcast_in_dim3A_480, %iota3A_481 : vector<16xi32>
            %swap3A_483 = arith.index_cast %add3A_469 : i32 to index
            %swap3A_484 = tpu.vector_load %arg7[%swap3A_483] masked %ge3A_474 {strides = array<i32>} : memref<640xf32, #tpu.memory_space<vmem>>, vector<16xf32>, vector<16xi1>
            tpu.vector_store %arg7[%swap3A_483], %get3A_473 masked %ge3A_474 {strides = array<i32>} : memref<640xf32, #tpu.memory_space<vmem>>, vector<16xf32>, vector<16xi1>
            %swap3A_485 = arith.index_cast %add3A_469 : i32 to index
            %swap3A_486 = tpu.vector_load %arg8[%swap3A_485] masked %ge3A_474 {strides = array<i32>} : memref<640xi32, #tpu.memory_space<vmem>>, vector<16xi32>, vector<16xi1>
            tpu.vector_store %arg8[%swap3A_485], %add3A_482 masked %ge3A_474 {strides = array<i32>} : memref<640xi32, #tpu.memory_space<vmem>>, vector<16xi32>, vector<16xi1>
            %convert_element_type3A_487 = arith.extui %ge3A_474 : vector<16xi1> to vector<16xi32>
            %reduce_sum3A_488 = arith.constant true
            %reduce_sum3A_489 = vector.broadcast %reduce_sum3A_488 : i1 to vector<16xi1>
            %reduce_sum3A_490 = tpu.scan <sum>, %convert_element_type3A_487 masked %reduce_sum3A_489 : vector<16xi32>, vector<16xi1> -> vector<16xi32>
            %reduce_sum3A_491 = vector.extract %reduce_sum3A_490[15] : i32 from vector<16xi32>
            %add3A_492 = arith.addi %add3A_469, %reduce_sum3A_491 : i32
            %add3A_493 = arith.constant 176 : i32
            %add3A_494 = arith.addi %mul3A_150, %add3A_493 : i32
            %get3A_495 = arith.index_cast %add3A_494 : i32 to index
            %get3A_496 = tpu.vector_load %arg5[%get3A_495] {strides = array<i32>} : memref<6400xf32, #tpu.memory_space<vmem>>, vector<16xf32>,
            %ge3A_497 = arith.cmpf oge, %get3A_496, %broadcast_in_dim3A_242 : vector<16xf32>
            %mul3A_498 = arith.constant 6400 : i32
            %mul3A_499 = arith.muli %mul3A_102, %mul3A_498 : i32
            %add3A_500 = arith.addi %mul3A_499, %mul3A_150 : i32
            %add3A_501 = arith.constant 176 : i32
            %add3A_502 = arith.addi %add3A_500, %add3A_501 : i32
            %broadcast_in_dim3A_503 = vector.broadcast %add3A_502 : i32 to vector<16xi32>
            %iota3A_504 = tpu.iota {dimensions = array<i32: 0>} : vector<16xi32>
            %add3A_505 = arith.addi %broadcast_in_dim3A_503, %iota3A_504 : vector<16xi32>
            %swap3A_506 = arith.index_cast %add3A_492 : i32 to index
            %swap3A_507 = tpu.vector_load %arg7[%swap3A_506] masked %ge3A_497 {strides = array<i32>} : memref<640xf32, #tpu.memory_space<vmem>>, vector<16xf32>, vector<16xi1>
            tpu.vector_store %arg7[%swap3A_506], %get3A_496 masked %ge3A_497 {strides = array<i32>} : memref<640xf32, #tpu.memory_space<vmem>>, vector<16xf32>, vector<16xi1>
            %swap3A_508 = arith.index_cast %add3A_492 : i32 to index
            %swap3A_509 = tpu.vector_load %arg8[%swap3A_508] masked %ge3A_497 {strides = array<i32>} : memref<640xi32, #tpu.memory_space<vmem>>, vector<16xi32>, vector<16xi1>
            tpu.vector_store %arg8[%swap3A_508], %add3A_505 masked %ge3A_497 {strides = array<i32>} : memref<640xi32, #tpu.memory_space<vmem>>, vector<16xi32>, vector<16xi1>
            %convert_element_type3A_510 = arith.extui %ge3A_497 : vector<16xi1> to vector<16xi32>
            %reduce_sum3A_511 = arith.constant true
            %reduce_sum3A_512 = vector.broadcast %reduce_sum3A_511 : i1 to vector<16xi1>
            %reduce_sum3A_513 = tpu.scan <sum>, %convert_element_type3A_510 masked %reduce_sum3A_512 : vector<16xi32>, vector<16xi1> -> vector<16xi32>
            %reduce_sum3A_514 = vector.extract %reduce_sum3A_513[15] : i32 from vector<16xi32>
            %add3A_515 = arith.addi %add3A_492, %reduce_sum3A_514 : i32
            %add3A_516 = arith.constant 192 : i32
            %add3A_517 = arith.addi %mul3A_150, %add3A_516 : i32
            %get3A_518 = arith.index_cast %add3A_517 : i32 to index
            %get3A_519 = tpu.vector_load %arg5[%get3A_518] {strides = array<i32>} : memref<6400xf32, #tpu.memory_space<vmem>>, vector<16xf32>,
            %ge3A_520 = arith.cmpf oge, %get3A_519, %broadcast_in_dim3A_242 : vector<16xf32>
            %mul3A_521 = arith.constant 6400 : i32
            %mul3A_522 = arith.muli %mul3A_102, %mul3A_521 : i32
            %add3A_523 = arith.addi %mul3A_522, %mul3A_150 : i32
            %add3A_524 = arith.constant 192 : i32
            %add3A_525 = arith.addi %add3A_523, %add3A_524 : i32
            %broadcast_in_dim3A_526 = vector.broadcast %add3A_525 : i32 to vector<16xi32>
            %iota3A_527 = tpu.iota {dimensions = array<i32: 0>} : vector<16xi32>
            %add3A_528 = arith.addi %broadcast_in_dim3A_526, %iota3A_527 : vector<16xi32>
            %swap3A_529 = arith.index_cast %add3A_515 : i32 to index
            %swap3A_530 = tpu.vector_load %arg7[%swap3A_529] masked %ge3A_520 {strides = array<i32>} : memref<640xf32, #tpu.memory_space<vmem>>, vector<16xf32>, vector<16xi1>
            tpu.vector_store %arg7[%swap3A_529], %get3A_519 masked %ge3A_520 {strides = array<i32>} : memref<640xf32, #tpu.memory_space<vmem>>, vector<16xf32>, vector<16xi1>
            %swap3A_531 = arith.index_cast %add3A_515 : i32 to index
            %swap3A_532 = tpu.vector_load %arg8[%swap3A_531] masked %ge3A_520 {strides = array<i32>} : memref<640xi32, #tpu.memory_space<vmem>>, vector<16xi32>, vector<16xi1>
            tpu.vector_store %arg8[%swap3A_531], %add3A_528 masked %ge3A_520 {strides = array<i32>} : memref<640xi32, #tpu.memory_space<vmem>>, vector<16xi32>, vector<16xi1>
            %convert_element_type3A_533 = arith.extui %ge3A_520 : vector<16xi1> to vector<16xi32>
            %reduce_sum3A_534 = arith.constant true
            %reduce_sum3A_535 = vector.broadcast %reduce_sum3A_534 : i1 to vector<16xi1>
            %reduce_sum3A_536 = tpu.scan <sum>, %convert_element_type3A_533 masked %reduce_sum3A_535 : vector<16xi32>, vector<16xi1> -> vector<16xi32>
            %reduce_sum3A_537 = vector.extract %reduce_sum3A_536[15] : i32 from vector<16xi32>
            %add3A_538 = arith.addi %add3A_515, %reduce_sum3A_537 : i32
            %add3A_539 = arith.constant 208 : i32
            %add3A_540 = arith.addi %mul3A_150, %add3A_539 : i32
            %get3A_541 = arith.index_cast %add3A_540 : i32 to index
            %get3A_542 = tpu.vector_load %arg5[%get3A_541] {strides = array<i32>} : memref<6400xf32, #tpu.memory_space<vmem>>, vector<16xf32>,
            %ge3A_543 = arith.cmpf oge, %get3A_542, %broadcast_in_dim3A_242 : vector<16xf32>
            %mul3A_544 = arith.constant 6400 : i32
            %mul3A_545 = arith.muli %mul3A_102, %mul3A_544 : i32
            %add3A_546 = arith.addi %mul3A_545, %mul3A_150 : i32
            %add3A_547 = arith.constant 208 : i32
            %add3A_548 = arith.addi %add3A_546, %add3A_547 : i32
            %broadcast_in_dim3A_549 = vector.broadcast %add3A_548 : i32 to vector<16xi32>
            %iota3A_550 = tpu.iota {dimensions = array<i32: 0>} : vector<16xi32>
            %add3A_551 = arith.addi %broadcast_in_dim3A_549, %iota3A_550 : vector<16xi32>
            %swap3A_552 = arith.index_cast %add3A_538 : i32 to index
            %swap3A_553 = tpu.vector_load %arg7[%swap3A_552] masked %ge3A_543 {strides = array<i32>} : memref<640xf32, #tpu.memory_space<vmem>>, vector<16xf32>, vector<16xi1>
            tpu.vector_store %arg7[%swap3A_552], %get3A_542 masked %ge3A_543 {strides = array<i32>} : memref<640xf32, #tpu.memory_space<vmem>>, vector<16xf32>, vector<16xi1>
            %swap3A_554 = arith.index_cast %add3A_538 : i32 to index
            %swap3A_555 = tpu.vector_load %arg8[%swap3A_554] masked %ge3A_543 {strides = array<i32>} : memref<640xi32, #tpu.memory_space<vmem>>, vector<16xi32>, vector<16xi1>
            tpu.vector_store %arg8[%swap3A_554], %add3A_551 masked %ge3A_543 {strides = array<i32>} : memref<640xi32, #tpu.memory_space<vmem>>, vector<16xi32>, vector<16xi1>
            %convert_element_type3A_556 = arith.extui %ge3A_543 : vector<16xi1> to vector<16xi32>
            %reduce_sum3A_557 = arith.constant true
            %reduce_sum3A_558 = vector.broadcast %reduce_sum3A_557 : i1 to vector<16xi1>
            %reduce_sum3A_559 = tpu.scan <sum>, %convert_element_type3A_556 masked %reduce_sum3A_558 : vector<16xi32>, vector<16xi1> -> vector<16xi32>
            %reduce_sum3A_560 = vector.extract %reduce_sum3A_559[15] : i32 from vector<16xi32>
            %add3A_561 = arith.addi %add3A_538, %reduce_sum3A_560 : i32
            %add3A_562 = arith.constant 224 : i32
            %add3A_563 = arith.addi %mul3A_150, %add3A_562 : i32
            %get3A_564 = arith.index_cast %add3A_563 : i32 to index
            %get3A_565 = tpu.vector_load %arg5[%get3A_564] {strides = array<i32>} : memref<6400xf32, #tpu.memory_space<vmem>>, vector<16xf32>,
            %ge3A_566 = arith.cmpf oge, %get3A_565, %broadcast_in_dim3A_242 : vector<16xf32>
            %mul3A_567 = arith.constant 6400 : i32
            %mul3A_568 = arith.muli %mul3A_102, %mul3A_567 : i32
            %add3A_569 = arith.addi %mul3A_568, %mul3A_150 : i32
            %add3A_570 = arith.constant 224 : i32
            %add3A_571 = arith.addi %add3A_569, %add3A_570 : i32
            %broadcast_in_dim3A_572 = vector.broadcast %add3A_571 : i32 to vector<16xi32>
            %iota3A_573 = tpu.iota {dimensions = array<i32: 0>} : vector<16xi32>
            %add3A_574 = arith.addi %broadcast_in_dim3A_572, %iota3A_573 : vector<16xi32>
            %swap3A_575 = arith.index_cast %add3A_561 : i32 to index
            %swap3A_576 = tpu.vector_load %arg7[%swap3A_575] masked %ge3A_566 {strides = array<i32>} : memref<640xf32, #tpu.memory_space<vmem>>, vector<16xf32>, vector<16xi1>
            tpu.vector_store %arg7[%swap3A_575], %get3A_565 masked %ge3A_566 {strides = array<i32>} : memref<640xf32, #tpu.memory_space<vmem>>, vector<16xf32>, vector<16xi1>
            %swap3A_577 = arith.index_cast %add3A_561 : i32 to index
            %swap3A_578 = tpu.vector_load %arg8[%swap3A_577] masked %ge3A_566 {strides = array<i32>} : memref<640xi32, #tpu.memory_space<vmem>>, vector<16xi32>, vector<16xi1>
            tpu.vector_store %arg8[%swap3A_577], %add3A_574 masked %ge3A_566 {strides = array<i32>} : memref<640xi32, #tpu.memory_space<vmem>>, vector<16xi32>, vector<16xi1>
            %convert_element_type3A_579 = arith.extui %ge3A_566 : vector<16xi1> to vector<16xi32>
            %reduce_sum3A_580 = arith.constant true
            %reduce_sum3A_581 = vector.broadcast %reduce_sum3A_580 : i1 to vector<16xi1>
            %reduce_sum3A_582 = tpu.scan <sum>, %convert_element_type3A_579 masked %reduce_sum3A_581 : vector<16xi32>, vector<16xi1> -> vector<16xi32>
            %reduce_sum3A_583 = vector.extract %reduce_sum3A_582[15] : i32 from vector<16xi32>
            %add3A_584 = arith.addi %add3A_561, %reduce_sum3A_583 : i32
            %add3A_585 = arith.constant 240 : i32
            %add3A_586 = arith.addi %mul3A_150, %add3A_585 : i32
            %get3A_587 = arith.index_cast %add3A_586 : i32 to index
            %get3A_588 = tpu.vector_load %arg5[%get3A_587] {strides = array<i32>} : memref<6400xf32, #tpu.memory_space<vmem>>, vector<16xf32>,
            %ge3A_589 = arith.cmpf oge, %get3A_588, %broadcast_in_dim3A_242 : vector<16xf32>
            %mul3A_590 = arith.constant 6400 : i32
            %mul3A_591 = arith.muli %mul3A_102, %mul3A_590 : i32
            %add3A_592 = arith.addi %mul3A_591, %mul3A_150 : i32
            %add3A_593 = arith.constant 240 : i32
            %add3A_594 = arith.addi %add3A_592, %add3A_593 : i32
            %broadcast_in_dim3A_595 = vector.broadcast %add3A_594 : i32 to vector<16xi32>
            %iota3A_596 = tpu.iota {dimensions = array<i32: 0>} : vector<16xi32>
            %add3A_597 = arith.addi %broadcast_in_dim3A_595, %iota3A_596 : vector<16xi32>
            %swap3A_598 = arith.index_cast %add3A_584 : i32 to index
            %swap3A_599 = tpu.vector_load %arg7[%swap3A_598] masked %ge3A_589 {strides = array<i32>} : memref<640xf32, #tpu.memory_space<vmem>>, vector<16xf32>, vector<16xi1>
            tpu.vector_store %arg7[%swap3A_598], %get3A_588 masked %ge3A_589 {strides = array<i32>} : memref<640xf32, #tpu.memory_space<vmem>>, vector<16xf32>, vector<16xi1>
            %swap3A_600 = arith.index_cast %add3A_584 : i32 to index
            %swap3A_601 = tpu.vector_load %arg8[%swap3A_600] masked %ge3A_589 {strides = array<i32>} : memref<640xi32, #tpu.memory_space<vmem>>, vector<16xi32>, vector<16xi1>
            tpu.vector_store %arg8[%swap3A_600], %add3A_597 masked %ge3A_589 {strides = array<i32>} : memref<640xi32, #tpu.memory_space<vmem>>, vector<16xi32>, vector<16xi1>
            %convert_element_type3A_602 = arith.extui %ge3A_589 : vector<16xi1> to vector<16xi32>
            %reduce_sum3A_603 = arith.constant true
            %reduce_sum3A_604 = vector.broadcast %reduce_sum3A_603 : i1 to vector<16xi1>
            %reduce_sum3A_605 = tpu.scan <sum>, %convert_element_type3A_602 masked %reduce_sum3A_604 : vector<16xi32>, vector<16xi1> -> vector<16xi32>
            %reduce_sum3A_606 = vector.extract %reduce_sum3A_605[15] : i32 from vector<16xi32>
            %add3A_607 = arith.addi %add3A_584, %reduce_sum3A_606 : i32
            scf.yield %add3A_607 : i32
          } else {
            scf.yield %scan3A_146 : i32
          }
          %gt3A = arith.constant 256 : i32
          %gt3A_237 = arith.cmpi sgt, %cond3A_236, %gt3A : i32
          %convert_element_type3A_238 = arith.extui %gt3A_237 : i1 to i32
          %cond3A_239 = arith.constant 0 : i32
          %cond3A_240 = arith.cmpi ne, %convert_element_type3A_238, %cond3A_239 : i32
          %cond3A_241:2 = scf.if %cond3A_240 -> (f32, i32) {
            %scan3A_242 = arith.constant 0 : i32
            %scan3A_243 = arith.constant 0 : i32
            %scan3A_244 = arith.constant 40 : i32
            %scan3A_245 = arith.addi %scan3A_243, %scan3A_244 : i32
            %scan3A_246 = arith.constant 1 : i32
            %scan3A_247 = scf.for %scan3A_297 = %scan3A_243 to %scan3A_245 step %scan3A_246 iter_args(%scan3A_298 = %scan3A_242) -> (i32)  : i32 {
              %mul3A_299 = arith.constant 16 : i32
              %mul3A_300 = arith.muli %scan3A_297, %mul3A_299 : i32
              %get3A_301 = arith.index_cast %mul3A_300 : i32 to index
              %get3A_302 = tpu.vector_load %arg7[%get3A_301] {strides = array<i32>} : memref<640xf32, #tpu.memory_space<vmem>>, vector<16xf32>,
              %bitcast3A_303 = vector.bitcast %get3A_302 : vector<16xf32> to vector<16xi32>
              %ge3A_304 = arith.constant -2147483648 : i32
              %ge3A_305 = vector.broadcast %ge3A_304 : i32 to vector<16xi32>
              %ge3A_306 = arith.cmpi uge, %bitcast3A_303, %ge3A_305 : vector<16xi32>
              %not3A_307 = arith.constant dense<-1> : vector<16xi32>
              %not3A_308 = arith.xori %bitcast3A_303, %not3A_307 : vector<16xi32>
              %or3A = arith.constant -2147483648 : i32
              %or3A_309 = vector.broadcast %or3A : i32 to vector<16xi32>
              %or3A_310 = arith.ori %bitcast3A_303, %or3A_309 : vector<16xi32>
              %select_n3A_311 = arith.select %ge3A_306, %not3A_308, %or3A_310 : vector<16xi1>, vector<16xi32>
              %mul3A_312 = arith.constant 16 : i32
              %mul3A_313 = arith.muli %scan3A_297, %mul3A_312 : i32
              %swap3A = arith.index_cast %mul3A_313 : i32 to index
              %swap3A_314 = tpu.vector_load %arg9[%swap3A] {strides = array<i32>} : memref<640xi32, #tpu.memory_space<vmem>>, vector<16xi32>,
              tpu.vector_store %arg9[%swap3A], %select_n3A_311 {strides = array<i32>} : memref<640xi32, #tpu.memory_space<vmem>>, vector<16xi32>,
              %scan3A_315 = arith.constant 0 : i32
              scf.yield %scan3A_315 : i32
            }
            %scan3A_248 = arith.constant 40 : i32
            %scan3A_249 = arith.constant 0 : i32
            %scan3A_250 = arith.constant -8388608 : i32
            %scan3A_251 = arith.constant 0 : i32
            %scan3A_252 = arith.constant 32 : i32
            %scan3A_253 = arith.addi %scan3A_251, %scan3A_252 : i32
            %scan3A_254 = arith.constant 1 : i32
            %scan3A_255:2 = scf.for %scan3A_297 = %scan3A_251 to %scan3A_253 step %scan3A_254 iter_args(%scan3A_298 = %scan3A_249, %scan3A_299 = %scan3A_250) -> (i32, i32)  : i32 {
              %sub3A = arith.subi %scan3A_299, %scan3A_298 : i32
              %add3A_300 = arith.constant 1 : i32
              %add3A_301 = arith.addi %sub3A, %add3A_300 : i32
              %shift_right_logical3A = arith.constant 1 : i32
              %shift_right_logical3A_302 = arith.shrui %add3A_301, %shift_right_logical3A : i32
              %add3A_303 = arith.addi %scan3A_298, %shift_right_logical3A_302 : i32
              %broadcast_in_dim3A_304 = arith.constant 0 : i32
              %broadcast_in_dim3A_305 = vector.broadcast %broadcast_in_dim3A_304 : i32 to vector<16xi32>
              %scan3A_306 = arith.constant 0 : i32
              %scan3A_307 = arith.constant 40 : i32
              %scan3A_308 = arith.addi %scan3A_306, %scan3A_307 : i32
              %scan3A_309 = arith.constant 1 : i32
              %scan3A_310 = scf.for %scan3A_321 = %scan3A_306 to %scan3A_308 step %scan3A_309 iter_args(%scan3A_322 = %broadcast_in_dim3A_305) -> (vector<16xi32>)  : i32 {
                %mul3A_323 = arith.constant 16 : i32
                %mul3A_324 = arith.muli %scan3A_321, %mul3A_323 : i32
                %get3A_325 = arith.index_cast %mul3A_324 : i32 to index
                %get3A_326 = tpu.vector_load %arg9[%get3A_325] {strides = array<i32>} : memref<640xi32, #tpu.memory_space<vmem>>, vector<16xi32>,
                %broadcast_in_dim3A_327 = vector.broadcast %add3A_303 : i32 to vector<16xi32>
                %ge3A_328 = arith.cmpi uge, %get3A_326, %broadcast_in_dim3A_327 : vector<16xi32>
                %convert_element_type3A_329 = arith.extui %ge3A_328 : vector<16xi1> to vector<16xi32>
                %add3A_330 = arith.addi %scan3A_322, %convert_element_type3A_329 : vector<16xi32>
                scf.yield %add3A_330 : vector<16xi32>
              }
              %scan3A_311 = arith.constant 40 : i32
              %reduce_sum3A = arith.constant true
              %reduce_sum3A_312 = vector.broadcast %reduce_sum3A : i1 to vector<16xi1>
              %reduce_sum3A_313 = tpu.scan <sum>, %scan3A_310 masked %reduce_sum3A_312 : vector<16xi32>, vector<16xi1> -> vector<16xi32>
              %reduce_sum3A_314 = vector.extract %reduce_sum3A_313[15] : i32 from vector<16xi32>
              %ge3A_315 = arith.constant 64 : i32
              %ge3A_316 = arith.cmpi sge, %reduce_sum3A_314, %ge3A_315 : i32
              %convert_element_type3A_317 = arith.extui %ge3A_316 : i1 to i32
              %cond3A_318 = arith.constant 0 : i32
              %cond3A_319 = arith.cmpi ne, %convert_element_type3A_317, %cond3A_318 : i32
              %cond3A_320:2 = scf.if %cond3A_319 -> (i32, i32) {
                scf.yield %add3A_303, %scan3A_299 : i32, i32
              } else {
                %sub3A_321 = arith.constant 1 : i32
                %sub3A_322 = arith.subi %add3A_303, %sub3A_321 : i32
                scf.yield %scan3A_298, %sub3A_322 : i32, i32
              }
              scf.yield %cond3A_320#0, %cond3A_320#1 : i32, i32
            }
            %scan3A_256 = arith.constant 32 : i32
            %broadcast_in_dim3A_257 = vector.broadcast %scan3A_255#0 : i32 to vector<16xi32>
            %and3A_258 = arith.constant -2147483648 : i32
            %and3A_259 = vector.broadcast %and3A_258 : i32 to vector<16xi32>
            %and3A_260 = arith.andi %broadcast_in_dim3A_257, %and3A_259 : vector<16xi32>
            %ne3A_261 = arith.constant 0 : i32
            %ne3A_262 = vector.broadcast %ne3A_261 : i32 to vector<16xi32>
            %ne3A_263 = arith.cmpi ne, %and3A_260, %ne3A_262 : vector<16xi32>
            %and3A_264 = arith.constant 2147483647 : i32
            %and3A_265 = vector.broadcast %and3A_264 : i32 to vector<16xi32>
            %and3A_266 = arith.andi %broadcast_in_dim3A_257, %and3A_265 : vector<16xi32>
            %not3A_267 = arith.constant dense<-1> : vector<16xi32>
            %not3A_268 = arith.xori %broadcast_in_dim3A_257, %not3A_267 : vector<16xi32>
            %select_n3A_269 = arith.select %ne3A_263, %and3A_266, %not3A_268 : vector<16xi1>, vector<16xi32>
            %bitcast3A_270 = vector.bitcast %select_n3A_269 : vector<16xi32> to vector<16xf32>
            %reduce_max3A_271 = arith.constant true
            %reduce_max3A_272 = vector.broadcast %reduce_max3A_271 : i1 to vector<16xi1>
            %reduce_max3A_273 = tpu.scan <max>, %bitcast3A_270 masked %reduce_max3A_272 : vector<16xf32>, vector<16xi1> -> vector<16xf32>
            %reduce_max3A_274 = vector.extract %reduce_max3A_273[15] : f32 from vector<16xf32>
            %broadcast_in_dim3A_275 = vector.broadcast %reduce_max3A_274 : f32 to vector<16xf32>
            %scan3A_276 = arith.constant 0 : i32
            %scan3A_277 = arith.constant 0 : i32
            %scan3A_278 = arith.constant 40 : i32
            %scan3A_279 = arith.addi %scan3A_277, %scan3A_278 : i32
            %scan3A_280 = arith.constant 1 : i32
            %scan3A_281 = scf.for %scan3A_297 = %scan3A_277 to %scan3A_279 step %scan3A_280 iter_args(%scan3A_298 = %scan3A_276) -> (i32)  : i32 {
              %broadcast_in_dim3A_299 = arith.constant -3.000000e+38 : f32
              %broadcast_in_dim3A_300 = vector.broadcast %broadcast_in_dim3A_299 : f32 to vector<16xf32>
              %mul3A_301 = arith.constant 16 : i32
              %mul3A_302 = arith.muli %scan3A_297, %mul3A_301 : i32
              %swap3A = arith.index_cast %mul3A_302 : i32 to index
              %swap3A_303 = tpu.vector_load %arg10[%swap3A] {strides = array<i32>} : memref<640xf32, #tpu.memory_space<vmem>>, vector<16xf32>,
              tpu.vector_store %arg10[%swap3A], %broadcast_in_dim3A_300 {strides = array<i32>} : memref<640xf32, #tpu.memory_space<vmem>>, vector<16xf32>,
              %scan3A_304 = arith.constant 0 : i32
              scf.yield %scan3A_304 : i32
            }
            %scan3A_282 = arith.constant 40 : i32
            %scan3A_283 = arith.constant 0 : i32
            %scan3A_284 = arith.constant 0 : i32
            %scan3A_285 = arith.constant 40 : i32
            %scan3A_286 = arith.addi %scan3A_284, %scan3A_285 : i32
            %scan3A_287 = arith.constant 1 : i32
            %scan3A_288 = scf.for %scan3A_297 = %scan3A_284 to %scan3A_286 step %scan3A_287 iter_args(%scan3A_298 = %scan3A_283) -> (i32)  : i32 {
              %mul3A_299 = arith.constant 16 : i32
              %mul3A_300 = arith.muli %scan3A_297, %mul3A_299 : i32
              %get3A_301 = arith.index_cast %mul3A_300 : i32 to index
              %get3A_302 = tpu.vector_load %arg7[%get3A_301] {strides = array<i32>} : memref<640xf32, #tpu.memory_space<vmem>>, vector<16xf32>,
              %mul3A_303 = arith.constant 16 : i32
              %mul3A_304 = arith.muli %scan3A_297, %mul3A_303 : i32
              %get3A_305 = arith.index_cast %mul3A_304 : i32 to index
              %get3A_306 = tpu.vector_load %arg8[%get3A_305] {strides = array<i32>} : memref<640xi32, #tpu.memory_space<vmem>>, vector<16xi32>,
              %ge3A_307 = arith.cmpf oge, %get3A_302, %broadcast_in_dim3A_275 : vector<16xf32>
              %swap3A = arith.index_cast %scan3A_298 : i32 to index
              %swap3A_308 = tpu.vector_load %arg10[%swap3A] masked %ge3A_307 {strides = array<i32>} : memref<640xf32, #tpu.memory_space<vmem>>, vector<16xf32>, vector<16xi1>
              tpu.vector_store %arg10[%swap3A], %get3A_302 masked %ge3A_307 {strides = array<i32>} : memref<640xf32, #tpu.memory_space<vmem>>, vector<16xf32>, vector<16xi1>
              %swap3A_309 = arith.index_cast %scan3A_298 : i32 to index
              %swap3A_310 = tpu.vector_load %arg11[%swap3A_309] masked %ge3A_307 {strides = array<i32>} : memref<640xi32, #tpu.memory_space<vmem>>, vector<16xi32>, vector<16xi1>
              tpu.vector_store %arg11[%swap3A_309], %get3A_306 masked %ge3A_307 {strides = array<i32>} : memref<640xi32, #tpu.memory_space<vmem>>, vector<16xi32>, vector<16xi1>
              %convert_element_type3A_311 = arith.extui %ge3A_307 : vector<16xi1> to vector<16xi32>
              %reduce_sum3A = arith.constant true
              %reduce_sum3A_312 = vector.broadcast %reduce_sum3A : i1 to vector<16xi1>
              %reduce_sum3A_313 = tpu.scan <sum>, %convert_element_type3A_311 masked %reduce_sum3A_312 : vector<16xi32>, vector<16xi1> -> vector<16xi32>
              %reduce_sum3A_314 = vector.extract %reduce_sum3A_313[15] : i32 from vector<16xi32>
              %add3A_315 = arith.addi %scan3A_298, %reduce_sum3A_314 : i32
              scf.yield %add3A_315 : i32
            }
            %scan3A_289 = arith.constant 40 : i32
            %scan3A_290 = arith.constant 0 : i32
            %scan3A_291 = arith.constant 0 : i32
            %scan3A_292 = arith.constant 40 : i32
            %scan3A_293 = arith.addi %scan3A_291, %scan3A_292 : i32
            %scan3A_294 = arith.constant 1 : i32
            %scan3A_295 = scf.for %scan3A_297 = %scan3A_291 to %scan3A_293 step %scan3A_294 iter_args(%scan3A_298 = %scan3A_290) -> (i32)  : i32 {
              %mul3A_299 = arith.constant 16 : i32
              %mul3A_300 = arith.muli %scan3A_297, %mul3A_299 : i32
              %get3A_301 = arith.index_cast %mul3A_300 : i32 to index
              %get3A_302 = tpu.vector_load %arg10[%get3A_301] {strides = array<i32>} : memref<640xf32, #tpu.memory_space<vmem>>, vector<16xf32>,
              %mul3A_303 = arith.constant 16 : i32
              %mul3A_304 = arith.muli %scan3A_297, %mul3A_303 : i32
              %swap3A = arith.index_cast %mul3A_304 : i32 to index
              %swap3A_305 = tpu.vector_load %arg7[%swap3A] {strides = array<i32>} : memref<640xf32, #tpu.memory_space<vmem>>, vector<16xf32>,
              tpu.vector_store %arg7[%swap3A], %get3A_302 {strides = array<i32>} : memref<640xf32, #tpu.memory_space<vmem>>, vector<16xf32>,
              %mul3A_306 = arith.constant 16 : i32
              %mul3A_307 = arith.muli %scan3A_297, %mul3A_306 : i32
              %get3A_308 = arith.index_cast %mul3A_307 : i32 to index
              %get3A_309 = tpu.vector_load %arg11[%get3A_308] {strides = array<i32>} : memref<640xi32, #tpu.memory_space<vmem>>, vector<16xi32>,
              %mul3A_310 = arith.constant 16 : i32
              %mul3A_311 = arith.muli %scan3A_297, %mul3A_310 : i32
              %swap3A_312 = arith.index_cast %mul3A_311 : i32 to index
              %swap3A_313 = tpu.vector_load %arg8[%swap3A_312] {strides = array<i32>} : memref<640xi32, #tpu.memory_space<vmem>>, vector<16xi32>,
              tpu.vector_store %arg8[%swap3A_312], %get3A_309 {strides = array<i32>} : memref<640xi32, #tpu.memory_space<vmem>>, vector<16xi32>,
              %scan3A_314 = arith.constant 0 : i32
              scf.yield %scan3A_314 : i32
            }
            %scan3A_296 = arith.constant 40 : i32
            scf.yield %reduce_max3A_274, %scan3A_288 : f32, i32
          } else {
            scf.yield %scan3A_145, %cond3A_236 : f32, i32
          }
          scf.yield %cond3A_241#0, %cond3A_241#1 : f32, i32
        }
        %scan3A_125 = arith.constant 25 : i32
        %mul3A_126 = arith.constant 6400 : i32
        %mul3A_127 = arith.muli %add3A_104, %mul3A_126 : i32
        %dma_wait3A_128 = tpu.memref_slice %arg2[%add3A_11, %mul3A_127] : memref<64x102400xf32, #tpu.memory_space<hbm>> -> memref<1x6400xf32, #tpu.memory_space<hbm>>
        %dma_wait3A_129 = tpu.memref_squeeze %dma_wait3A_128 : memref<1x6400xf32, #tpu.memory_space<hbm>> -> memref<6400xf32, #tpu.memory_space<hbm>>
        %dma_wait3A_130 = tpu.memref_slice %arg2[%add3A_11, %mul3A_127] : memref<64x102400xf32, #tpu.memory_space<hbm>> -> memref<1x6400xf32, #tpu.memory_space<hbm>>
        %dma_wait3A_131 = tpu.memref_squeeze %dma_wait3A_130 : memref<1x6400xf32, #tpu.memory_space<hbm>> -> memref<6400xf32, #tpu.memory_space<hbm>>
        tpu.wait_dma2 semaphore(%arg15 : memref<!tpu.dma_semaphore, #tpu.memory_space<semaphore_mem>>) src(%dma_wait3A_131 : memref<6400xf32, #tpu.memory_space<hbm>>) dst(%arg6 : memref<6400xf32, #tpu.memory_space<vmem>>)
        %mul3A_132 = arith.constant 6400 : i32
        %mul3A_133 = arith.muli %min3A_107, %mul3A_132 : i32
        %dma_start3A_134 = tpu.memref_slice %arg2[%add3A_11, %mul3A_133] : memref<64x102400xf32, #tpu.memory_space<hbm>> -> memref<1x6400xf32, #tpu.memory_space<hbm>>
        %dma_start3A_135 = tpu.memref_squeeze %dma_start3A_134 : memref<1x6400xf32, #tpu.memory_space<hbm>> -> memref<6400xf32, #tpu.memory_space<hbm>>
        %dma_start3A_136 = tpu.memref_slice %arg2[%add3A_11, %mul3A_133] : memref<64x102400xf32, #tpu.memory_space<hbm>> -> memref<1x6400xf32, #tpu.memory_space<hbm>>
        %dma_start3A_137 = tpu.memref_squeeze %dma_start3A_136 : memref<1x6400xf32, #tpu.memory_space<hbm>> -> memref<6400xf32, #tpu.memory_space<hbm>>
        tpu.enqueue_dma source(%dma_start3A_137 : memref<6400xf32, #tpu.memory_space<hbm>>) target(%arg5 : memref<6400xf32, #tpu.memory_space<vmem>>) target_semaphore(%arg14 : memref<!tpu.dma_semaphore, #tpu.memory_space<semaphore_mem>>)
        %scan3A_138 = arith.constant 0 : i32
        %scan3A_139 = arith.constant 25 : i32
        %scan3A_140 = arith.addi %scan3A_138, %scan3A_139 : i32
        %scan3A_141 = arith.constant 1 : i32
        %scan3A_142:2 = scf.for %scan3A_144 = %scan3A_138 to %scan3A_140 step %scan3A_141 iter_args(%scan3A_145 = %scan3A_124#0, %scan3A_146 = %scan3A_124#1) -> (f32, i32)  : i32 {
          %mul3A_147 = arith.constant 16 : i32
          %mul3A_148 = arith.muli %scan3A_144, %mul3A_147 : i32
          %mul3A_149 = arith.constant 16 : i32
          %mul3A_150 = arith.muli %mul3A_148, %mul3A_149 : i32
          %broadcast_in_dim3A_151 = arith.constant -3.000000e+38 : f32
          %broadcast_in_dim3A_152 = vector.broadcast %broadcast_in_dim3A_151 : f32 to vector<16xf32>
          %add3A_153 = arith.constant 0 : i32
          %add3A_154 = arith.addi %mul3A_150, %add3A_153 : i32
          %get3A = arith.index_cast %add3A_154 : i32 to index
          %get3A_155 = tpu.vector_load %arg6[%get3A] {strides = array<i32>} : memref<6400xf32, #tpu.memory_space<vmem>>, vector<16xf32>,
          %max3A = arith.maximumf %broadcast_in_dim3A_152, %get3A_155 : vector<16xf32>
          %add3A_156 = arith.constant 16 : i32
          %add3A_157 = arith.addi %mul3A_150, %add3A_156 : i32
          %get3A_158 = arith.index_cast %add3A_157 : i32 to index
          %get3A_159 = tpu.vector_load %arg6[%get3A_158] {strides = array<i32>} : memref<6400xf32, #tpu.memory_space<vmem>>, vector<16xf32>,
          %max3A_160 = arith.maximumf %max3A, %get3A_159 : vector<16xf32>
          %add3A_161 = arith.constant 32 : i32
          %add3A_162 = arith.addi %mul3A_150, %add3A_161 : i32
          %get3A_163 = arith.index_cast %add3A_162 : i32 to index
          %get3A_164 = tpu.vector_load %arg6[%get3A_163] {strides = array<i32>} : memref<6400xf32, #tpu.memory_space<vmem>>, vector<16xf32>,
          %max3A_165 = arith.maximumf %max3A_160, %get3A_164 : vector<16xf32>
          %add3A_166 = arith.constant 48 : i32
          %add3A_167 = arith.addi %mul3A_150, %add3A_166 : i32
          %get3A_168 = arith.index_cast %add3A_167 : i32 to index
          %get3A_169 = tpu.vector_load %arg6[%get3A_168] {strides = array<i32>} : memref<6400xf32, #tpu.memory_space<vmem>>, vector<16xf32>,
          %max3A_170 = arith.maximumf %max3A_165, %get3A_169 : vector<16xf32>
          %add3A_171 = arith.constant 64 : i32
          %add3A_172 = arith.addi %mul3A_150, %add3A_171 : i32
          %get3A_173 = arith.index_cast %add3A_172 : i32 to index
          %get3A_174 = tpu.vector_load %arg6[%get3A_173] {strides = array<i32>} : memref<6400xf32, #tpu.memory_space<vmem>>, vector<16xf32>,
          %max3A_175 = arith.maximumf %max3A_170, %get3A_174 : vector<16xf32>
          %add3A_176 = arith.constant 80 : i32
          %add3A_177 = arith.addi %mul3A_150, %add3A_176 : i32
          %get3A_178 = arith.index_cast %add3A_177 : i32 to index
          %get3A_179 = tpu.vector_load %arg6[%get3A_178] {strides = array<i32>} : memref<6400xf32, #tpu.memory_space<vmem>>, vector<16xf32>,
          %max3A_180 = arith.maximumf %max3A_175, %get3A_179 : vector<16xf32>
          %add3A_181 = arith.constant 96 : i32
          %add3A_182 = arith.addi %mul3A_150, %add3A_181 : i32
          %get3A_183 = arith.index_cast %add3A_182 : i32 to index
          %get3A_184 = tpu.vector_load %arg6[%get3A_183] {strides = array<i32>} : memref<6400xf32, #tpu.memory_space<vmem>>, vector<16xf32>,
          %max3A_185 = arith.maximumf %max3A_180, %get3A_184 : vector<16xf32>
          %add3A_186 = arith.constant 112 : i32
          %add3A_187 = arith.addi %mul3A_150, %add3A_186 : i32
          %get3A_188 = arith.index_cast %add3A_187 : i32 to index
          %get3A_189 = tpu.vector_load %arg6[%get3A_188] {strides = array<i32>} : memref<6400xf32, #tpu.memory_space<vmem>>, vector<16xf32>,
          %max3A_190 = arith.maximumf %max3A_185, %get3A_189 : vector<16xf32>
          %add3A_191 = arith.constant 128 : i32
          %add3A_192 = arith.addi %mul3A_150, %add3A_191 : i32
          %get3A_193 = arith.index_cast %add3A_192 : i32 to index
          %get3A_194 = tpu.vector_load %arg6[%get3A_193] {strides = array<i32>} : memref<6400xf32, #tpu.memory_space<vmem>>, vector<16xf32>,
          %max3A_195 = arith.maximumf %max3A_190, %get3A_194 : vector<16xf32>
          %add3A_196 = arith.constant 144 : i32
          %add3A_197 = arith.addi %mul3A_150, %add3A_196 : i32
          %get3A_198 = arith.index_cast %add3A_197 : i32 to index
          %get3A_199 = tpu.vector_load %arg6[%get3A_198] {strides = array<i32>} : memref<6400xf32, #tpu.memory_space<vmem>>, vector<16xf32>,
          %max3A_200 = arith.maximumf %max3A_195, %get3A_199 : vector<16xf32>
          %add3A_201 = arith.constant 160 : i32
          %add3A_202 = arith.addi %mul3A_150, %add3A_201 : i32
          %get3A_203 = arith.index_cast %add3A_202 : i32 to index
          %get3A_204 = tpu.vector_load %arg6[%get3A_203] {strides = array<i32>} : memref<6400xf32, #tpu.memory_space<vmem>>, vector<16xf32>,
          %max3A_205 = arith.maximumf %max3A_200, %get3A_204 : vector<16xf32>
          %add3A_206 = arith.constant 176 : i32
          %add3A_207 = arith.addi %mul3A_150, %add3A_206 : i32
          %get3A_208 = arith.index_cast %add3A_207 : i32 to index
          %get3A_209 = tpu.vector_load %arg6[%get3A_208] {strides = array<i32>} : memref<6400xf32, #tpu.memory_space<vmem>>, vector<16xf32>,
          %max3A_210 = arith.maximumf %max3A_205, %get3A_209 : vector<16xf32>
          %add3A_211 = arith.constant 192 : i32
          %add3A_212 = arith.addi %mul3A_150, %add3A_211 : i32
          %get3A_213 = arith.index_cast %add3A_212 : i32 to index
          %get3A_214 = tpu.vector_load %arg6[%get3A_213] {strides = array<i32>} : memref<6400xf32, #tpu.memory_space<vmem>>, vector<16xf32>,
          %max3A_215 = arith.maximumf %max3A_210, %get3A_214 : vector<16xf32>
          %add3A_216 = arith.constant 208 : i32
          %add3A_217 = arith.addi %mul3A_150, %add3A_216 : i32
          %get3A_218 = arith.index_cast %add3A_217 : i32 to index
          %get3A_219 = tpu.vector_load %arg6[%get3A_218] {strides = array<i32>} : memref<6400xf32, #tpu.memory_space<vmem>>, vector<16xf32>,
          %max3A_220 = arith.maximumf %max3A_215, %get3A_219 : vector<16xf32>
          %add3A_221 = arith.constant 224 : i32
          %add3A_222 = arith.addi %mul3A_150, %add3A_221 : i32
          %get3A_223 = arith.index_cast %add3A_222 : i32 to index
          %get3A_224 = tpu.vector_load %arg6[%get3A_223] {strides = array<i32>} : memref<6400xf32, #tpu.memory_space<vmem>>, vector<16xf32>,
          %max3A_225 = arith.maximumf %max3A_220, %get3A_224 : vector<16xf32>
          %add3A_226 = arith.constant 240 : i32
          %add3A_227 = arith.addi %mul3A_150, %add3A_226 : i32
          %get3A_228 = arith.index_cast %add3A_227 : i32 to index
          %get3A_229 = tpu.vector_load %arg6[%get3A_228] {strides = array<i32>} : memref<6400xf32, #tpu.memory_space<vmem>>, vector<16xf32>,
          %max3A_230 = arith.maximumf %max3A_225, %get3A_229 : vector<16xf32>
          %reduce_max3A_231 = arith.constant true
          %reduce_max3A_232 = vector.broadcast %reduce_max3A_231 : i1 to vector<16xi1>
          %reduce_max3A_233 = tpu.scan <max>, %max3A_230 masked %reduce_max3A_232 : vector<16xf32>, vector<16xi1> -> vector<16xf32>
          %reduce_max3A_234 = vector.extract %reduce_max3A_233[15] : f32 from vector<16xf32>
          %ge3A = arith.cmpf oge, %reduce_max3A_234, %scan3A_145 : f32
          %convert_element_type3A = arith.extui %ge3A : i1 to i32
          %cond3A = arith.constant 0 : i32
          %cond3A_235 = arith.cmpi ne, %convert_element_type3A, %cond3A : i32
          %cond3A_236 = scf.if %cond3A_235 -> (i32) {
            %broadcast_in_dim3A_242 = vector.broadcast %scan3A_145 : f32 to vector<16xf32>
            %add3A_243 = arith.constant 0 : i32
            %add3A_244 = arith.addi %mul3A_150, %add3A_243 : i32
            %get3A_245 = arith.index_cast %add3A_244 : i32 to index
            %get3A_246 = tpu.vector_load %arg6[%get3A_245] {strides = array<i32>} : memref<6400xf32, #tpu.memory_space<vmem>>, vector<16xf32>,
            %ge3A_247 = arith.cmpf oge, %get3A_246, %broadcast_in_dim3A_242 : vector<16xf32>
            %mul3A_248 = arith.constant 6400 : i32
            %mul3A_249 = arith.muli %add3A_104, %mul3A_248 : i32
            %add3A_250 = arith.addi %mul3A_249, %mul3A_150 : i32
            %add3A_251 = arith.constant 0 : i32
            %add3A_252 = arith.addi %add3A_250, %add3A_251 : i32
            %broadcast_in_dim3A_253 = vector.broadcast %add3A_252 : i32 to vector<16xi32>
            %iota3A = tpu.iota {dimensions = array<i32: 0>} : vector<16xi32>
            %add3A_254 = arith.addi %broadcast_in_dim3A_253, %iota3A : vector<16xi32>
            %swap3A = arith.index_cast %scan3A_146 : i32 to index
            %swap3A_255 = tpu.vector_load %arg7[%swap3A] masked %ge3A_247 {strides = array<i32>} : memref<640xf32, #tpu.memory_space<vmem>>, vector<16xf32>, vector<16xi1>
            tpu.vector_store %arg7[%swap3A], %get3A_246 masked %ge3A_247 {strides = array<i32>} : memref<640xf32, #tpu.memory_space<vmem>>, vector<16xf32>, vector<16xi1>
            %swap3A_256 = arith.index_cast %scan3A_146 : i32 to index
            %swap3A_257 = tpu.vector_load %arg8[%swap3A_256] masked %ge3A_247 {strides = array<i32>} : memref<640xi32, #tpu.memory_space<vmem>>, vector<16xi32>, vector<16xi1>
            tpu.vector_store %arg8[%swap3A_256], %add3A_254 masked %ge3A_247 {strides = array<i32>} : memref<640xi32, #tpu.memory_space<vmem>>, vector<16xi32>, vector<16xi1>
            %convert_element_type3A_258 = arith.extui %ge3A_247 : vector<16xi1> to vector<16xi32>
            %reduce_sum3A = arith.constant true
            %reduce_sum3A_259 = vector.broadcast %reduce_sum3A : i1 to vector<16xi1>
            %reduce_sum3A_260 = tpu.scan <sum>, %convert_element_type3A_258 masked %reduce_sum3A_259 : vector<16xi32>, vector<16xi1> -> vector<16xi32>
            %reduce_sum3A_261 = vector.extract %reduce_sum3A_260[15] : i32 from vector<16xi32>
            %add3A_262 = arith.addi %scan3A_146, %reduce_sum3A_261 : i32
            %add3A_263 = arith.constant 16 : i32
            %add3A_264 = arith.addi %mul3A_150, %add3A_263 : i32
            %get3A_265 = arith.index_cast %add3A_264 : i32 to index
            %get3A_266 = tpu.vector_load %arg6[%get3A_265] {strides = array<i32>} : memref<6400xf32, #tpu.memory_space<vmem>>, vector<16xf32>,
            %ge3A_267 = arith.cmpf oge, %get3A_266, %broadcast_in_dim3A_242 : vector<16xf32>
            %mul3A_268 = arith.constant 6400 : i32
            %mul3A_269 = arith.muli %add3A_104, %mul3A_268 : i32
            %add3A_270 = arith.addi %mul3A_269, %mul3A_150 : i32
            %add3A_271 = arith.constant 16 : i32
            %add3A_272 = arith.addi %add3A_270, %add3A_271 : i32
            %broadcast_in_dim3A_273 = vector.broadcast %add3A_272 : i32 to vector<16xi32>
            %iota3A_274 = tpu.iota {dimensions = array<i32: 0>} : vector<16xi32>
            %add3A_275 = arith.addi %broadcast_in_dim3A_273, %iota3A_274 : vector<16xi32>
            %swap3A_276 = arith.index_cast %add3A_262 : i32 to index
            %swap3A_277 = tpu.vector_load %arg7[%swap3A_276] masked %ge3A_267 {strides = array<i32>} : memref<640xf32, #tpu.memory_space<vmem>>, vector<16xf32>, vector<16xi1>
            tpu.vector_store %arg7[%swap3A_276], %get3A_266 masked %ge3A_267 {strides = array<i32>} : memref<640xf32, #tpu.memory_space<vmem>>, vector<16xf32>, vector<16xi1>
            %swap3A_278 = arith.index_cast %add3A_262 : i32 to index
            %swap3A_279 = tpu.vector_load %arg8[%swap3A_278] masked %ge3A_267 {strides = array<i32>} : memref<640xi32, #tpu.memory_space<vmem>>, vector<16xi32>, vector<16xi1>
            tpu.vector_store %arg8[%swap3A_278], %add3A_275 masked %ge3A_267 {strides = array<i32>} : memref<640xi32, #tpu.memory_space<vmem>>, vector<16xi32>, vector<16xi1>
            %convert_element_type3A_280 = arith.extui %ge3A_267 : vector<16xi1> to vector<16xi32>
            %reduce_sum3A_281 = arith.constant true
            %reduce_sum3A_282 = vector.broadcast %reduce_sum3A_281 : i1 to vector<16xi1>
            %reduce_sum3A_283 = tpu.scan <sum>, %convert_element_type3A_280 masked %reduce_sum3A_282 : vector<16xi32>, vector<16xi1> -> vector<16xi32>
            %reduce_sum3A_284 = vector.extract %reduce_sum3A_283[15] : i32 from vector<16xi32>
            %add3A_285 = arith.addi %add3A_262, %reduce_sum3A_284 : i32
            %add3A_286 = arith.constant 32 : i32
            %add3A_287 = arith.addi %mul3A_150, %add3A_286 : i32
            %get3A_288 = arith.index_cast %add3A_287 : i32 to index
            %get3A_289 = tpu.vector_load %arg6[%get3A_288] {strides = array<i32>} : memref<6400xf32, #tpu.memory_space<vmem>>, vector<16xf32>,
            %ge3A_290 = arith.cmpf oge, %get3A_289, %broadcast_in_dim3A_242 : vector<16xf32>
            %mul3A_291 = arith.constant 6400 : i32
            %mul3A_292 = arith.muli %add3A_104, %mul3A_291 : i32
            %add3A_293 = arith.addi %mul3A_292, %mul3A_150 : i32
            %add3A_294 = arith.constant 32 : i32
            %add3A_295 = arith.addi %add3A_293, %add3A_294 : i32
            %broadcast_in_dim3A_296 = vector.broadcast %add3A_295 : i32 to vector<16xi32>
            %iota3A_297 = tpu.iota {dimensions = array<i32: 0>} : vector<16xi32>
            %add3A_298 = arith.addi %broadcast_in_dim3A_296, %iota3A_297 : vector<16xi32>
            %swap3A_299 = arith.index_cast %add3A_285 : i32 to index
            %swap3A_300 = tpu.vector_load %arg7[%swap3A_299] masked %ge3A_290 {strides = array<i32>} : memref<640xf32, #tpu.memory_space<vmem>>, vector<16xf32>, vector<16xi1>
            tpu.vector_store %arg7[%swap3A_299], %get3A_289 masked %ge3A_290 {strides = array<i32>} : memref<640xf32, #tpu.memory_space<vmem>>, vector<16xf32>, vector<16xi1>
            %swap3A_301 = arith.index_cast %add3A_285 : i32 to index
            %swap3A_302 = tpu.vector_load %arg8[%swap3A_301] masked %ge3A_290 {strides = array<i32>} : memref<640xi32, #tpu.memory_space<vmem>>, vector<16xi32>, vector<16xi1>
            tpu.vector_store %arg8[%swap3A_301], %add3A_298 masked %ge3A_290 {strides = array<i32>} : memref<640xi32, #tpu.memory_space<vmem>>, vector<16xi32>, vector<16xi1>
            %convert_element_type3A_303 = arith.extui %ge3A_290 : vector<16xi1> to vector<16xi32>
            %reduce_sum3A_304 = arith.constant true
            %reduce_sum3A_305 = vector.broadcast %reduce_sum3A_304 : i1 to vector<16xi1>
            %reduce_sum3A_306 = tpu.scan <sum>, %convert_element_type3A_303 masked %reduce_sum3A_305 : vector<16xi32>, vector<16xi1> -> vector<16xi32>
            %reduce_sum3A_307 = vector.extract %reduce_sum3A_306[15] : i32 from vector<16xi32>
            %add3A_308 = arith.addi %add3A_285, %reduce_sum3A_307 : i32
            %add3A_309 = arith.constant 48 : i32
            %add3A_310 = arith.addi %mul3A_150, %add3A_309 : i32
            %get3A_311 = arith.index_cast %add3A_310 : i32 to index
            %get3A_312 = tpu.vector_load %arg6[%get3A_311] {strides = array<i32>} : memref<6400xf32, #tpu.memory_space<vmem>>, vector<16xf32>,
            %ge3A_313 = arith.cmpf oge, %get3A_312, %broadcast_in_dim3A_242 : vector<16xf32>
            %mul3A_314 = arith.constant 6400 : i32
            %mul3A_315 = arith.muli %add3A_104, %mul3A_314 : i32
            %add3A_316 = arith.addi %mul3A_315, %mul3A_150 : i32
            %add3A_317 = arith.constant 48 : i32
            %add3A_318 = arith.addi %add3A_316, %add3A_317 : i32
            %broadcast_in_dim3A_319 = vector.broadcast %add3A_318 : i32 to vector<16xi32>
            %iota3A_320 = tpu.iota {dimensions = array<i32: 0>} : vector<16xi32>
            %add3A_321 = arith.addi %broadcast_in_dim3A_319, %iota3A_320 : vector<16xi32>
            %swap3A_322 = arith.index_cast %add3A_308 : i32 to index
            %swap3A_323 = tpu.vector_load %arg7[%swap3A_322] masked %ge3A_313 {strides = array<i32>} : memref<640xf32, #tpu.memory_space<vmem>>, vector<16xf32>, vector<16xi1>
            tpu.vector_store %arg7[%swap3A_322], %get3A_312 masked %ge3A_313 {strides = array<i32>} : memref<640xf32, #tpu.memory_space<vmem>>, vector<16xf32>, vector<16xi1>
            %swap3A_324 = arith.index_cast %add3A_308 : i32 to index
            %swap3A_325 = tpu.vector_load %arg8[%swap3A_324] masked %ge3A_313 {strides = array<i32>} : memref<640xi32, #tpu.memory_space<vmem>>, vector<16xi32>, vector<16xi1>
            tpu.vector_store %arg8[%swap3A_324], %add3A_321 masked %ge3A_313 {strides = array<i32>} : memref<640xi32, #tpu.memory_space<vmem>>, vector<16xi32>, vector<16xi1>
            %convert_element_type3A_326 = arith.extui %ge3A_313 : vector<16xi1> to vector<16xi32>
            %reduce_sum3A_327 = arith.constant true
            %reduce_sum3A_328 = vector.broadcast %reduce_sum3A_327 : i1 to vector<16xi1>
            %reduce_sum3A_329 = tpu.scan <sum>, %convert_element_type3A_326 masked %reduce_sum3A_328 : vector<16xi32>, vector<16xi1> -> vector<16xi32>
            %reduce_sum3A_330 = vector.extract %reduce_sum3A_329[15] : i32 from vector<16xi32>
            %add3A_331 = arith.addi %add3A_308, %reduce_sum3A_330 : i32
            %add3A_332 = arith.constant 64 : i32
            %add3A_333 = arith.addi %mul3A_150, %add3A_332 : i32
            %get3A_334 = arith.index_cast %add3A_333 : i32 to index
            %get3A_335 = tpu.vector_load %arg6[%get3A_334] {strides = array<i32>} : memref<6400xf32, #tpu.memory_space<vmem>>, vector<16xf32>,
            %ge3A_336 = arith.cmpf oge, %get3A_335, %broadcast_in_dim3A_242 : vector<16xf32>
            %mul3A_337 = arith.constant 6400 : i32
            %mul3A_338 = arith.muli %add3A_104, %mul3A_337 : i32
            %add3A_339 = arith.addi %mul3A_338, %mul3A_150 : i32
            %add3A_340 = arith.constant 64 : i32
            %add3A_341 = arith.addi %add3A_339, %add3A_340 : i32
            %broadcast_in_dim3A_342 = vector.broadcast %add3A_341 : i32 to vector<16xi32>
            %iota3A_343 = tpu.iota {dimensions = array<i32: 0>} : vector<16xi32>
            %add3A_344 = arith.addi %broadcast_in_dim3A_342, %iota3A_343 : vector<16xi32>
            %swap3A_345 = arith.index_cast %add3A_331 : i32 to index
            %swap3A_346 = tpu.vector_load %arg7[%swap3A_345] masked %ge3A_336 {strides = array<i32>} : memref<640xf32, #tpu.memory_space<vmem>>, vector<16xf32>, vector<16xi1>
            tpu.vector_store %arg7[%swap3A_345], %get3A_335 masked %ge3A_336 {strides = array<i32>} : memref<640xf32, #tpu.memory_space<vmem>>, vector<16xf32>, vector<16xi1>
            %swap3A_347 = arith.index_cast %add3A_331 : i32 to index
            %swap3A_348 = tpu.vector_load %arg8[%swap3A_347] masked %ge3A_336 {strides = array<i32>} : memref<640xi32, #tpu.memory_space<vmem>>, vector<16xi32>, vector<16xi1>
            tpu.vector_store %arg8[%swap3A_347], %add3A_344 masked %ge3A_336 {strides = array<i32>} : memref<640xi32, #tpu.memory_space<vmem>>, vector<16xi32>, vector<16xi1>
            %convert_element_type3A_349 = arith.extui %ge3A_336 : vector<16xi1> to vector<16xi32>
            %reduce_sum3A_350 = arith.constant true
            %reduce_sum3A_351 = vector.broadcast %reduce_sum3A_350 : i1 to vector<16xi1>
            %reduce_sum3A_352 = tpu.scan <sum>, %convert_element_type3A_349 masked %reduce_sum3A_351 : vector<16xi32>, vector<16xi1> -> vector<16xi32>
            %reduce_sum3A_353 = vector.extract %reduce_sum3A_352[15] : i32 from vector<16xi32>
            %add3A_354 = arith.addi %add3A_331, %reduce_sum3A_353 : i32
            %add3A_355 = arith.constant 80 : i32
            %add3A_356 = arith.addi %mul3A_150, %add3A_355 : i32
            %get3A_357 = arith.index_cast %add3A_356 : i32 to index
            %get3A_358 = tpu.vector_load %arg6[%get3A_357] {strides = array<i32>} : memref<6400xf32, #tpu.memory_space<vmem>>, vector<16xf32>,
            %ge3A_359 = arith.cmpf oge, %get3A_358, %broadcast_in_dim3A_242 : vector<16xf32>
            %mul3A_360 = arith.constant 6400 : i32
            %mul3A_361 = arith.muli %add3A_104, %mul3A_360 : i32
            %add3A_362 = arith.addi %mul3A_361, %mul3A_150 : i32
            %add3A_363 = arith.constant 80 : i32
            %add3A_364 = arith.addi %add3A_362, %add3A_363 : i32
            %broadcast_in_dim3A_365 = vector.broadcast %add3A_364 : i32 to vector<16xi32>
            %iota3A_366 = tpu.iota {dimensions = array<i32: 0>} : vector<16xi32>
            %add3A_367 = arith.addi %broadcast_in_dim3A_365, %iota3A_366 : vector<16xi32>
            %swap3A_368 = arith.index_cast %add3A_354 : i32 to index
            %swap3A_369 = tpu.vector_load %arg7[%swap3A_368] masked %ge3A_359 {strides = array<i32>} : memref<640xf32, #tpu.memory_space<vmem>>, vector<16xf32>, vector<16xi1>
            tpu.vector_store %arg7[%swap3A_368], %get3A_358 masked %ge3A_359 {strides = array<i32>} : memref<640xf32, #tpu.memory_space<vmem>>, vector<16xf32>, vector<16xi1>
            %swap3A_370 = arith.index_cast %add3A_354 : i32 to index
            %swap3A_371 = tpu.vector_load %arg8[%swap3A_370] masked %ge3A_359 {strides = array<i32>} : memref<640xi32, #tpu.memory_space<vmem>>, vector<16xi32>, vector<16xi1>
            tpu.vector_store %arg8[%swap3A_370], %add3A_367 masked %ge3A_359 {strides = array<i32>} : memref<640xi32, #tpu.memory_space<vmem>>, vector<16xi32>, vector<16xi1>
            %convert_element_type3A_372 = arith.extui %ge3A_359 : vector<16xi1> to vector<16xi32>
            %reduce_sum3A_373 = arith.constant true
            %reduce_sum3A_374 = vector.broadcast %reduce_sum3A_373 : i1 to vector<16xi1>
            %reduce_sum3A_375 = tpu.scan <sum>, %convert_element_type3A_372 masked %reduce_sum3A_374 : vector<16xi32>, vector<16xi1> -> vector<16xi32>
            %reduce_sum3A_376 = vector.extract %reduce_sum3A_375[15] : i32 from vector<16xi32>
            %add3A_377 = arith.addi %add3A_354, %reduce_sum3A_376 : i32
            %add3A_378 = arith.constant 96 : i32
            %add3A_379 = arith.addi %mul3A_150, %add3A_378 : i32
            %get3A_380 = arith.index_cast %add3A_379 : i32 to index
            %get3A_381 = tpu.vector_load %arg6[%get3A_380] {strides = array<i32>} : memref<6400xf32, #tpu.memory_space<vmem>>, vector<16xf32>,
            %ge3A_382 = arith.cmpf oge, %get3A_381, %broadcast_in_dim3A_242 : vector<16xf32>
            %mul3A_383 = arith.constant 6400 : i32
            %mul3A_384 = arith.muli %add3A_104, %mul3A_383 : i32
            %add3A_385 = arith.addi %mul3A_384, %mul3A_150 : i32
            %add3A_386 = arith.constant 96 : i32
            %add3A_387 = arith.addi %add3A_385, %add3A_386 : i32
            %broadcast_in_dim3A_388 = vector.broadcast %add3A_387 : i32 to vector<16xi32>
            %iota3A_389 = tpu.iota {dimensions = array<i32: 0>} : vector<16xi32>
            %add3A_390 = arith.addi %broadcast_in_dim3A_388, %iota3A_389 : vector<16xi32>
            %swap3A_391 = arith.index_cast %add3A_377 : i32 to index
            %swap3A_392 = tpu.vector_load %arg7[%swap3A_391] masked %ge3A_382 {strides = array<i32>} : memref<640xf32, #tpu.memory_space<vmem>>, vector<16xf32>, vector<16xi1>
            tpu.vector_store %arg7[%swap3A_391], %get3A_381 masked %ge3A_382 {strides = array<i32>} : memref<640xf32, #tpu.memory_space<vmem>>, vector<16xf32>, vector<16xi1>
            %swap3A_393 = arith.index_cast %add3A_377 : i32 to index
            %swap3A_394 = tpu.vector_load %arg8[%swap3A_393] masked %ge3A_382 {strides = array<i32>} : memref<640xi32, #tpu.memory_space<vmem>>, vector<16xi32>, vector<16xi1>
            tpu.vector_store %arg8[%swap3A_393], %add3A_390 masked %ge3A_382 {strides = array<i32>} : memref<640xi32, #tpu.memory_space<vmem>>, vector<16xi32>, vector<16xi1>
            %convert_element_type3A_395 = arith.extui %ge3A_382 : vector<16xi1> to vector<16xi32>
            %reduce_sum3A_396 = arith.constant true
            %reduce_sum3A_397 = vector.broadcast %reduce_sum3A_396 : i1 to vector<16xi1>
            %reduce_sum3A_398 = tpu.scan <sum>, %convert_element_type3A_395 masked %reduce_sum3A_397 : vector<16xi32>, vector<16xi1> -> vector<16xi32>
            %reduce_sum3A_399 = vector.extract %reduce_sum3A_398[15] : i32 from vector<16xi32>
            %add3A_400 = arith.addi %add3A_377, %reduce_sum3A_399 : i32
            %add3A_401 = arith.constant 112 : i32
            %add3A_402 = arith.addi %mul3A_150, %add3A_401 : i32
            %get3A_403 = arith.index_cast %add3A_402 : i32 to index
            %get3A_404 = tpu.vector_load %arg6[%get3A_403] {strides = array<i32>} : memref<6400xf32, #tpu.memory_space<vmem>>, vector<16xf32>,
            %ge3A_405 = arith.cmpf oge, %get3A_404, %broadcast_in_dim3A_242 : vector<16xf32>
            %mul3A_406 = arith.constant 6400 : i32
            %mul3A_407 = arith.muli %add3A_104, %mul3A_406 : i32
            %add3A_408 = arith.addi %mul3A_407, %mul3A_150 : i32
            %add3A_409 = arith.constant 112 : i32
            %add3A_410 = arith.addi %add3A_408, %add3A_409 : i32
            %broadcast_in_dim3A_411 = vector.broadcast %add3A_410 : i32 to vector<16xi32>
            %iota3A_412 = tpu.iota {dimensions = array<i32: 0>} : vector<16xi32>
            %add3A_413 = arith.addi %broadcast_in_dim3A_411, %iota3A_412 : vector<16xi32>
            %swap3A_414 = arith.index_cast %add3A_400 : i32 to index
            %swap3A_415 = tpu.vector_load %arg7[%swap3A_414] masked %ge3A_405 {strides = array<i32>} : memref<640xf32, #tpu.memory_space<vmem>>, vector<16xf32>, vector<16xi1>
            tpu.vector_store %arg7[%swap3A_414], %get3A_404 masked %ge3A_405 {strides = array<i32>} : memref<640xf32, #tpu.memory_space<vmem>>, vector<16xf32>, vector<16xi1>
            %swap3A_416 = arith.index_cast %add3A_400 : i32 to index
            %swap3A_417 = tpu.vector_load %arg8[%swap3A_416] masked %ge3A_405 {strides = array<i32>} : memref<640xi32, #tpu.memory_space<vmem>>, vector<16xi32>, vector<16xi1>
            tpu.vector_store %arg8[%swap3A_416], %add3A_413 masked %ge3A_405 {strides = array<i32>} : memref<640xi32, #tpu.memory_space<vmem>>, vector<16xi32>, vector<16xi1>
            %convert_element_type3A_418 = arith.extui %ge3A_405 : vector<16xi1> to vector<16xi32>
            %reduce_sum3A_419 = arith.constant true
            %reduce_sum3A_420 = vector.broadcast %reduce_sum3A_419 : i1 to vector<16xi1>
            %reduce_sum3A_421 = tpu.scan <sum>, %convert_element_type3A_418 masked %reduce_sum3A_420 : vector<16xi32>, vector<16xi1> -> vector<16xi32>
            %reduce_sum3A_422 = vector.extract %reduce_sum3A_421[15] : i32 from vector<16xi32>
            %add3A_423 = arith.addi %add3A_400, %reduce_sum3A_422 : i32
            %add3A_424 = arith.constant 128 : i32
            %add3A_425 = arith.addi %mul3A_150, %add3A_424 : i32
            %get3A_426 = arith.index_cast %add3A_425 : i32 to index
            %get3A_427 = tpu.vector_load %arg6[%get3A_426] {strides = array<i32>} : memref<6400xf32, #tpu.memory_space<vmem>>, vector<16xf32>,
            %ge3A_428 = arith.cmpf oge, %get3A_427, %broadcast_in_dim3A_242 : vector<16xf32>
            %mul3A_429 = arith.constant 6400 : i32
            %mul3A_430 = arith.muli %add3A_104, %mul3A_429 : i32
            %add3A_431 = arith.addi %mul3A_430, %mul3A_150 : i32
            %add3A_432 = arith.constant 128 : i32
            %add3A_433 = arith.addi %add3A_431, %add3A_432 : i32
            %broadcast_in_dim3A_434 = vector.broadcast %add3A_433 : i32 to vector<16xi32>
            %iota3A_435 = tpu.iota {dimensions = array<i32: 0>} : vector<16xi32>
            %add3A_436 = arith.addi %broadcast_in_dim3A_434, %iota3A_435 : vector<16xi32>
            %swap3A_437 = arith.index_cast %add3A_423 : i32 to index
            %swap3A_438 = tpu.vector_load %arg7[%swap3A_437] masked %ge3A_428 {strides = array<i32>} : memref<640xf32, #tpu.memory_space<vmem>>, vector<16xf32>, vector<16xi1>
            tpu.vector_store %arg7[%swap3A_437], %get3A_427 masked %ge3A_428 {strides = array<i32>} : memref<640xf32, #tpu.memory_space<vmem>>, vector<16xf32>, vector<16xi1>
            %swap3A_439 = arith.index_cast %add3A_423 : i32 to index
            %swap3A_440 = tpu.vector_load %arg8[%swap3A_439] masked %ge3A_428 {strides = array<i32>} : memref<640xi32, #tpu.memory_space<vmem>>, vector<16xi32>, vector<16xi1>
            tpu.vector_store %arg8[%swap3A_439], %add3A_436 masked %ge3A_428 {strides = array<i32>} : memref<640xi32, #tpu.memory_space<vmem>>, vector<16xi32>, vector<16xi1>
            %convert_element_type3A_441 = arith.extui %ge3A_428 : vector<16xi1> to vector<16xi32>
            %reduce_sum3A_442 = arith.constant true
            %reduce_sum3A_443 = vector.broadcast %reduce_sum3A_442 : i1 to vector<16xi1>
            %reduce_sum3A_444 = tpu.scan <sum>, %convert_element_type3A_441 masked %reduce_sum3A_443 : vector<16xi32>, vector<16xi1> -> vector<16xi32>
            %reduce_sum3A_445 = vector.extract %reduce_sum3A_444[15] : i32 from vector<16xi32>
            %add3A_446 = arith.addi %add3A_423, %reduce_sum3A_445 : i32
            %add3A_447 = arith.constant 144 : i32
            %add3A_448 = arith.addi %mul3A_150, %add3A_447 : i32
            %get3A_449 = arith.index_cast %add3A_448 : i32 to index
            %get3A_450 = tpu.vector_load %arg6[%get3A_449] {strides = array<i32>} : memref<6400xf32, #tpu.memory_space<vmem>>, vector<16xf32>,
            %ge3A_451 = arith.cmpf oge, %get3A_450, %broadcast_in_dim3A_242 : vector<16xf32>
            %mul3A_452 = arith.constant 6400 : i32
            %mul3A_453 = arith.muli %add3A_104, %mul3A_452 : i32
            %add3A_454 = arith.addi %mul3A_453, %mul3A_150 : i32
            %add3A_455 = arith.constant 144 : i32
            %add3A_456 = arith.addi %add3A_454, %add3A_455 : i32
            %broadcast_in_dim3A_457 = vector.broadcast %add3A_456 : i32 to vector<16xi32>
            %iota3A_458 = tpu.iota {dimensions = array<i32: 0>} : vector<16xi32>
            %add3A_459 = arith.addi %broadcast_in_dim3A_457, %iota3A_458 : vector<16xi32>
            %swap3A_460 = arith.index_cast %add3A_446 : i32 to index
            %swap3A_461 = tpu.vector_load %arg7[%swap3A_460] masked %ge3A_451 {strides = array<i32>} : memref<640xf32, #tpu.memory_space<vmem>>, vector<16xf32>, vector<16xi1>
            tpu.vector_store %arg7[%swap3A_460], %get3A_450 masked %ge3A_451 {strides = array<i32>} : memref<640xf32, #tpu.memory_space<vmem>>, vector<16xf32>, vector<16xi1>
            %swap3A_462 = arith.index_cast %add3A_446 : i32 to index
            %swap3A_463 = tpu.vector_load %arg8[%swap3A_462] masked %ge3A_451 {strides = array<i32>} : memref<640xi32, #tpu.memory_space<vmem>>, vector<16xi32>, vector<16xi1>
            tpu.vector_store %arg8[%swap3A_462], %add3A_459 masked %ge3A_451 {strides = array<i32>} : memref<640xi32, #tpu.memory_space<vmem>>, vector<16xi32>, vector<16xi1>
            %convert_element_type3A_464 = arith.extui %ge3A_451 : vector<16xi1> to vector<16xi32>
            %reduce_sum3A_465 = arith.constant true
            %reduce_sum3A_466 = vector.broadcast %reduce_sum3A_465 : i1 to vector<16xi1>
            %reduce_sum3A_467 = tpu.scan <sum>, %convert_element_type3A_464 masked %reduce_sum3A_466 : vector<16xi32>, vector<16xi1> -> vector<16xi32>
            %reduce_sum3A_468 = vector.extract %reduce_sum3A_467[15] : i32 from vector<16xi32>
            %add3A_469 = arith.addi %add3A_446, %reduce_sum3A_468 : i32
            %add3A_470 = arith.constant 160 : i32
            %add3A_471 = arith.addi %mul3A_150, %add3A_470 : i32
            %get3A_472 = arith.index_cast %add3A_471 : i32 to index
            %get3A_473 = tpu.vector_load %arg6[%get3A_472] {strides = array<i32>} : memref<6400xf32, #tpu.memory_space<vmem>>, vector<16xf32>,
            %ge3A_474 = arith.cmpf oge, %get3A_473, %broadcast_in_dim3A_242 : vector<16xf32>
            %mul3A_475 = arith.constant 6400 : i32
            %mul3A_476 = arith.muli %add3A_104, %mul3A_475 : i32
            %add3A_477 = arith.addi %mul3A_476, %mul3A_150 : i32
            %add3A_478 = arith.constant 160 : i32
            %add3A_479 = arith.addi %add3A_477, %add3A_478 : i32
            %broadcast_in_dim3A_480 = vector.broadcast %add3A_479 : i32 to vector<16xi32>
            %iota3A_481 = tpu.iota {dimensions = array<i32: 0>} : vector<16xi32>
            %add3A_482 = arith.addi %broadcast_in_dim3A_480, %iota3A_481 : vector<16xi32>
            %swap3A_483 = arith.index_cast %add3A_469 : i32 to index
            %swap3A_484 = tpu.vector_load %arg7[%swap3A_483] masked %ge3A_474 {strides = array<i32>} : memref<640xf32, #tpu.memory_space<vmem>>, vector<16xf32>, vector<16xi1>
            tpu.vector_store %arg7[%swap3A_483], %get3A_473 masked %ge3A_474 {strides = array<i32>} : memref<640xf32, #tpu.memory_space<vmem>>, vector<16xf32>, vector<16xi1>
            %swap3A_485 = arith.index_cast %add3A_469 : i32 to index
            %swap3A_486 = tpu.vector_load %arg8[%swap3A_485] masked %ge3A_474 {strides = array<i32>} : memref<640xi32, #tpu.memory_space<vmem>>, vector<16xi32>, vector<16xi1>
            tpu.vector_store %arg8[%swap3A_485], %add3A_482 masked %ge3A_474 {strides = array<i32>} : memref<640xi32, #tpu.memory_space<vmem>>, vector<16xi32>, vector<16xi1>
            %convert_element_type3A_487 = arith.extui %ge3A_474 : vector<16xi1> to vector<16xi32>
            %reduce_sum3A_488 = arith.constant true
            %reduce_sum3A_489 = vector.broadcast %reduce_sum3A_488 : i1 to vector<16xi1>
            %reduce_sum3A_490 = tpu.scan <sum>, %convert_element_type3A_487 masked %reduce_sum3A_489 : vector<16xi32>, vector<16xi1> -> vector<16xi32>
            %reduce_sum3A_491 = vector.extract %reduce_sum3A_490[15] : i32 from vector<16xi32>
            %add3A_492 = arith.addi %add3A_469, %reduce_sum3A_491 : i32
            %add3A_493 = arith.constant 176 : i32
            %add3A_494 = arith.addi %mul3A_150, %add3A_493 : i32
            %get3A_495 = arith.index_cast %add3A_494 : i32 to index
            %get3A_496 = tpu.vector_load %arg6[%get3A_495] {strides = array<i32>} : memref<6400xf32, #tpu.memory_space<vmem>>, vector<16xf32>,
            %ge3A_497 = arith.cmpf oge, %get3A_496, %broadcast_in_dim3A_242 : vector<16xf32>
            %mul3A_498 = arith.constant 6400 : i32
            %mul3A_499 = arith.muli %add3A_104, %mul3A_498 : i32
            %add3A_500 = arith.addi %mul3A_499, %mul3A_150 : i32
            %add3A_501 = arith.constant 176 : i32
            %add3A_502 = arith.addi %add3A_500, %add3A_501 : i32
            %broadcast_in_dim3A_503 = vector.broadcast %add3A_502 : i32 to vector<16xi32>
            %iota3A_504 = tpu.iota {dimensions = array<i32: 0>} : vector<16xi32>
            %add3A_505 = arith.addi %broadcast_in_dim3A_503, %iota3A_504 : vector<16xi32>
            %swap3A_506 = arith.index_cast %add3A_492 : i32 to index
            %swap3A_507 = tpu.vector_load %arg7[%swap3A_506] masked %ge3A_497 {strides = array<i32>} : memref<640xf32, #tpu.memory_space<vmem>>, vector<16xf32>, vector<16xi1>
            tpu.vector_store %arg7[%swap3A_506], %get3A_496 masked %ge3A_497 {strides = array<i32>} : memref<640xf32, #tpu.memory_space<vmem>>, vector<16xf32>, vector<16xi1>
            %swap3A_508 = arith.index_cast %add3A_492 : i32 to index
            %swap3A_509 = tpu.vector_load %arg8[%swap3A_508] masked %ge3A_497 {strides = array<i32>} : memref<640xi32, #tpu.memory_space<vmem>>, vector<16xi32>, vector<16xi1>
            tpu.vector_store %arg8[%swap3A_508], %add3A_505 masked %ge3A_497 {strides = array<i32>} : memref<640xi32, #tpu.memory_space<vmem>>, vector<16xi32>, vector<16xi1>
            %convert_element_type3A_510 = arith.extui %ge3A_497 : vector<16xi1> to vector<16xi32>
            %reduce_sum3A_511 = arith.constant true
            %reduce_sum3A_512 = vector.broadcast %reduce_sum3A_511 : i1 to vector<16xi1>
            %reduce_sum3A_513 = tpu.scan <sum>, %convert_element_type3A_510 masked %reduce_sum3A_512 : vector<16xi32>, vector<16xi1> -> vector<16xi32>
            %reduce_sum3A_514 = vector.extract %reduce_sum3A_513[15] : i32 from vector<16xi32>
            %add3A_515 = arith.addi %add3A_492, %reduce_sum3A_514 : i32
            %add3A_516 = arith.constant 192 : i32
            %add3A_517 = arith.addi %mul3A_150, %add3A_516 : i32
            %get3A_518 = arith.index_cast %add3A_517 : i32 to index
            %get3A_519 = tpu.vector_load %arg6[%get3A_518] {strides = array<i32>} : memref<6400xf32, #tpu.memory_space<vmem>>, vector<16xf32>,
            %ge3A_520 = arith.cmpf oge, %get3A_519, %broadcast_in_dim3A_242 : vector<16xf32>
            %mul3A_521 = arith.constant 6400 : i32
            %mul3A_522 = arith.muli %add3A_104, %mul3A_521 : i32
            %add3A_523 = arith.addi %mul3A_522, %mul3A_150 : i32
            %add3A_524 = arith.constant 192 : i32
            %add3A_525 = arith.addi %add3A_523, %add3A_524 : i32
            %broadcast_in_dim3A_526 = vector.broadcast %add3A_525 : i32 to vector<16xi32>
            %iota3A_527 = tpu.iota {dimensions = array<i32: 0>} : vector<16xi32>
            %add3A_528 = arith.addi %broadcast_in_dim3A_526, %iota3A_527 : vector<16xi32>
            %swap3A_529 = arith.index_cast %add3A_515 : i32 to index
            %swap3A_530 = tpu.vector_load %arg7[%swap3A_529] masked %ge3A_520 {strides = array<i32>} : memref<640xf32, #tpu.memory_space<vmem>>, vector<16xf32>, vector<16xi1>
            tpu.vector_store %arg7[%swap3A_529], %get3A_519 masked %ge3A_520 {strides = array<i32>} : memref<640xf32, #tpu.memory_space<vmem>>, vector<16xf32>, vector<16xi1>
            %swap3A_531 = arith.index_cast %add3A_515 : i32 to index
            %swap3A_532 = tpu.vector_load %arg8[%swap3A_531] masked %ge3A_520 {strides = array<i32>} : memref<640xi32, #tpu.memory_space<vmem>>, vector<16xi32>, vector<16xi1>
            tpu.vector_store %arg8[%swap3A_531], %add3A_528 masked %ge3A_520 {strides = array<i32>} : memref<640xi32, #tpu.memory_space<vmem>>, vector<16xi32>, vector<16xi1>
            %convert_element_type3A_533 = arith.extui %ge3A_520 : vector<16xi1> to vector<16xi32>
            %reduce_sum3A_534 = arith.constant true
            %reduce_sum3A_535 = vector.broadcast %reduce_sum3A_534 : i1 to vector<16xi1>
            %reduce_sum3A_536 = tpu.scan <sum>, %convert_element_type3A_533 masked %reduce_sum3A_535 : vector<16xi32>, vector<16xi1> -> vector<16xi32>
            %reduce_sum3A_537 = vector.extract %reduce_sum3A_536[15] : i32 from vector<16xi32>
            %add3A_538 = arith.addi %add3A_515, %reduce_sum3A_537 : i32
            %add3A_539 = arith.constant 208 : i32
            %add3A_540 = arith.addi %mul3A_150, %add3A_539 : i32
            %get3A_541 = arith.index_cast %add3A_540 : i32 to index
            %get3A_542 = tpu.vector_load %arg6[%get3A_541] {strides = array<i32>} : memref<6400xf32, #tpu.memory_space<vmem>>, vector<16xf32>,
            %ge3A_543 = arith.cmpf oge, %get3A_542, %broadcast_in_dim3A_242 : vector<16xf32>
            %mul3A_544 = arith.constant 6400 : i32
            %mul3A_545 = arith.muli %add3A_104, %mul3A_544 : i32
            %add3A_546 = arith.addi %mul3A_545, %mul3A_150 : i32
            %add3A_547 = arith.constant 208 : i32
            %add3A_548 = arith.addi %add3A_546, %add3A_547 : i32
            %broadcast_in_dim3A_549 = vector.broadcast %add3A_548 : i32 to vector<16xi32>
            %iota3A_550 = tpu.iota {dimensions = array<i32: 0>} : vector<16xi32>
            %add3A_551 = arith.addi %broadcast_in_dim3A_549, %iota3A_550 : vector<16xi32>
            %swap3A_552 = arith.index_cast %add3A_538 : i32 to index
            %swap3A_553 = tpu.vector_load %arg7[%swap3A_552] masked %ge3A_543 {strides = array<i32>} : memref<640xf32, #tpu.memory_space<vmem>>, vector<16xf32>, vector<16xi1>
            tpu.vector_store %arg7[%swap3A_552], %get3A_542 masked %ge3A_543 {strides = array<i32>} : memref<640xf32, #tpu.memory_space<vmem>>, vector<16xf32>, vector<16xi1>
            %swap3A_554 = arith.index_cast %add3A_538 : i32 to index
            %swap3A_555 = tpu.vector_load %arg8[%swap3A_554] masked %ge3A_543 {strides = array<i32>} : memref<640xi32, #tpu.memory_space<vmem>>, vector<16xi32>, vector<16xi1>
            tpu.vector_store %arg8[%swap3A_554], %add3A_551 masked %ge3A_543 {strides = array<i32>} : memref<640xi32, #tpu.memory_space<vmem>>, vector<16xi32>, vector<16xi1>
            %convert_element_type3A_556 = arith.extui %ge3A_543 : vector<16xi1> to vector<16xi32>
            %reduce_sum3A_557 = arith.constant true
            %reduce_sum3A_558 = vector.broadcast %reduce_sum3A_557 : i1 to vector<16xi1>
            %reduce_sum3A_559 = tpu.scan <sum>, %convert_element_type3A_556 masked %reduce_sum3A_558 : vector<16xi32>, vector<16xi1> -> vector<16xi32>
            %reduce_sum3A_560 = vector.extract %reduce_sum3A_559[15] : i32 from vector<16xi32>
            %add3A_561 = arith.addi %add3A_538, %reduce_sum3A_560 : i32
            %add3A_562 = arith.constant 224 : i32
            %add3A_563 = arith.addi %mul3A_150, %add3A_562 : i32
            %get3A_564 = arith.index_cast %add3A_563 : i32 to index
            %get3A_565 = tpu.vector_load %arg6[%get3A_564] {strides = array<i32>} : memref<6400xf32, #tpu.memory_space<vmem>>, vector<16xf32>,
            %ge3A_566 = arith.cmpf oge, %get3A_565, %broadcast_in_dim3A_242 : vector<16xf32>
            %mul3A_567 = arith.constant 6400 : i32
            %mul3A_568 = arith.muli %add3A_104, %mul3A_567 : i32
            %add3A_569 = arith.addi %mul3A_568, %mul3A_150 : i32
            %add3A_570 = arith.constant 224 : i32
            %add3A_571 = arith.addi %add3A_569, %add3A_570 : i32
            %broadcast_in_dim3A_572 = vector.broadcast %add3A_571 : i32 to vector<16xi32>
            %iota3A_573 = tpu.iota {dimensions = array<i32: 0>} : vector<16xi32>
            %add3A_574 = arith.addi %broadcast_in_dim3A_572, %iota3A_573 : vector<16xi32>
            %swap3A_575 = arith.index_cast %add3A_561 : i32 to index
            %swap3A_576 = tpu.vector_load %arg7[%swap3A_575] masked %ge3A_566 {strides = array<i32>} : memref<640xf32, #tpu.memory_space<vmem>>, vector<16xf32>, vector<16xi1>
            tpu.vector_store %arg7[%swap3A_575], %get3A_565 masked %ge3A_566 {strides = array<i32>} : memref<640xf32, #tpu.memory_space<vmem>>, vector<16xf32>, vector<16xi1>
            %swap3A_577 = arith.index_cast %add3A_561 : i32 to index
            %swap3A_578 = tpu.vector_load %arg8[%swap3A_577] masked %ge3A_566 {strides = array<i32>} : memref<640xi32, #tpu.memory_space<vmem>>, vector<16xi32>, vector<16xi1>
            tpu.vector_store %arg8[%swap3A_577], %add3A_574 masked %ge3A_566 {strides = array<i32>} : memref<640xi32, #tpu.memory_space<vmem>>, vector<16xi32>, vector<16xi1>
            %convert_element_type3A_579 = arith.extui %ge3A_566 : vector<16xi1> to vector<16xi32>
            %reduce_sum3A_580 = arith.constant true
            %reduce_sum3A_581 = vector.broadcast %reduce_sum3A_580 : i1 to vector<16xi1>
            %reduce_sum3A_582 = tpu.scan <sum>, %convert_element_type3A_579 masked %reduce_sum3A_581 : vector<16xi32>, vector<16xi1> -> vector<16xi32>
            %reduce_sum3A_583 = vector.extract %reduce_sum3A_582[15] : i32 from vector<16xi32>
            %add3A_584 = arith.addi %add3A_561, %reduce_sum3A_583 : i32
            %add3A_585 = arith.constant 240 : i32
            %add3A_586 = arith.addi %mul3A_150, %add3A_585 : i32
            %get3A_587 = arith.index_cast %add3A_586 : i32 to index
            %get3A_588 = tpu.vector_load %arg6[%get3A_587] {strides = array<i32>} : memref<6400xf32, #tpu.memory_space<vmem>>, vector<16xf32>,
            %ge3A_589 = arith.cmpf oge, %get3A_588, %broadcast_in_dim3A_242 : vector<16xf32>
            %mul3A_590 = arith.constant 6400 : i32
            %mul3A_591 = arith.muli %add3A_104, %mul3A_590 : i32
            %add3A_592 = arith.addi %mul3A_591, %mul3A_150 : i32
            %add3A_593 = arith.constant 240 : i32
            %add3A_594 = arith.addi %add3A_592, %add3A_593 : i32
            %broadcast_in_dim3A_595 = vector.broadcast %add3A_594 : i32 to vector<16xi32>
            %iota3A_596 = tpu.iota {dimensions = array<i32: 0>} : vector<16xi32>
            %add3A_597 = arith.addi %broadcast_in_dim3A_595, %iota3A_596 : vector<16xi32>
            %swap3A_598 = arith.index_cast %add3A_584 : i32 to index
            %swap3A_599 = tpu.vector_load %arg7[%swap3A_598] masked %ge3A_589 {strides = array<i32>} : memref<640xf32, #tpu.memory_space<vmem>>, vector<16xf32>, vector<16xi1>
            tpu.vector_store %arg7[%swap3A_598], %get3A_588 masked %ge3A_589 {strides = array<i32>} : memref<640xf32, #tpu.memory_space<vmem>>, vector<16xf32>, vector<16xi1>
            %swap3A_600 = arith.index_cast %add3A_584 : i32 to index
            %swap3A_601 = tpu.vector_load %arg8[%swap3A_600] masked %ge3A_589 {strides = array<i32>} : memref<640xi32, #tpu.memory_space<vmem>>, vector<16xi32>, vector<16xi1>
            tpu.vector_store %arg8[%swap3A_600], %add3A_597 masked %ge3A_589 {strides = array<i32>} : memref<640xi32, #tpu.memory_space<vmem>>, vector<16xi32>, vector<16xi1>
            %convert_element_type3A_602 = arith.extui %ge3A_589 : vector<16xi1> to vector<16xi32>
            %reduce_sum3A_603 = arith.constant true
            %reduce_sum3A_604 = vector.broadcast %reduce_sum3A_603 : i1 to vector<16xi1>
            %reduce_sum3A_605 = tpu.scan <sum>, %convert_element_type3A_602 masked %reduce_sum3A_604 : vector<16xi32>, vector<16xi1> -> vector<16xi32>
            %reduce_sum3A_606 = vector.extract %reduce_sum3A_605[15] : i32 from vector<16xi32>
            %add3A_607 = arith.addi %add3A_584, %reduce_sum3A_606 : i32
            scf.yield %add3A_607 : i32
          } else {
            scf.yield %scan3A_146 : i32
          }
          %gt3A = arith.constant 256 : i32
          %gt3A_237 = arith.cmpi sgt, %cond3A_236, %gt3A : i32
          %convert_element_type3A_238 = arith.extui %gt3A_237 : i1 to i32
          %cond3A_239 = arith.constant 0 : i32
          %cond3A_240 = arith.cmpi ne, %convert_element_type3A_238, %cond3A_239 : i32
          %cond3A_241:2 = scf.if %cond3A_240 -> (f32, i32) {
            %scan3A_242 = arith.constant 0 : i32
            %scan3A_243 = arith.constant 0 : i32
            %scan3A_244 = arith.constant 40 : i32
            %scan3A_245 = arith.addi %scan3A_243, %scan3A_244 : i32
            %scan3A_246 = arith.constant 1 : i32
            %scan3A_247 = scf.for %scan3A_297 = %scan3A_243 to %scan3A_245 step %scan3A_246 iter_args(%scan3A_298 = %scan3A_242) -> (i32)  : i32 {
              %mul3A_299 = arith.constant 16 : i32
              %mul3A_300 = arith.muli %scan3A_297, %mul3A_299 : i32
              %get3A_301 = arith.index_cast %mul3A_300 : i32 to index
              %get3A_302 = tpu.vector_load %arg7[%get3A_301] {strides = array<i32>} : memref<640xf32, #tpu.memory_space<vmem>>, vector<16xf32>,
              %bitcast3A_303 = vector.bitcast %get3A_302 : vector<16xf32> to vector<16xi32>
              %ge3A_304 = arith.constant -2147483648 : i32
              %ge3A_305 = vector.broadcast %ge3A_304 : i32 to vector<16xi32>
              %ge3A_306 = arith.cmpi uge, %bitcast3A_303, %ge3A_305 : vector<16xi32>
              %not3A_307 = arith.constant dense<-1> : vector<16xi32>
              %not3A_308 = arith.xori %bitcast3A_303, %not3A_307 : vector<16xi32>
              %or3A = arith.constant -2147483648 : i32
              %or3A_309 = vector.broadcast %or3A : i32 to vector<16xi32>
              %or3A_310 = arith.ori %bitcast3A_303, %or3A_309 : vector<16xi32>
              %select_n3A_311 = arith.select %ge3A_306, %not3A_308, %or3A_310 : vector<16xi1>, vector<16xi32>
              %mul3A_312 = arith.constant 16 : i32
              %mul3A_313 = arith.muli %scan3A_297, %mul3A_312 : i32
              %swap3A = arith.index_cast %mul3A_313 : i32 to index
              %swap3A_314 = tpu.vector_load %arg9[%swap3A] {strides = array<i32>} : memref<640xi32, #tpu.memory_space<vmem>>, vector<16xi32>,
              tpu.vector_store %arg9[%swap3A], %select_n3A_311 {strides = array<i32>} : memref<640xi32, #tpu.memory_space<vmem>>, vector<16xi32>,
              %scan3A_315 = arith.constant 0 : i32
              scf.yield %scan3A_315 : i32
            }
            %scan3A_248 = arith.constant 40 : i32
            %scan3A_249 = arith.constant 0 : i32
            %scan3A_250 = arith.constant -8388608 : i32
            %scan3A_251 = arith.constant 0 : i32
            %scan3A_252 = arith.constant 32 : i32
            %scan3A_253 = arith.addi %scan3A_251, %scan3A_252 : i32
            %scan3A_254 = arith.constant 1 : i32
            %scan3A_255:2 = scf.for %scan3A_297 = %scan3A_251 to %scan3A_253 step %scan3A_254 iter_args(%scan3A_298 = %scan3A_249, %scan3A_299 = %scan3A_250) -> (i32, i32)  : i32 {
              %sub3A = arith.subi %scan3A_299, %scan3A_298 : i32
              %add3A_300 = arith.constant 1 : i32
              %add3A_301 = arith.addi %sub3A, %add3A_300 : i32
              %shift_right_logical3A = arith.constant 1 : i32
              %shift_right_logical3A_302 = arith.shrui %add3A_301, %shift_right_logical3A : i32
              %add3A_303 = arith.addi %scan3A_298, %shift_right_logical3A_302 : i32
              %broadcast_in_dim3A_304 = arith.constant 0 : i32
              %broadcast_in_dim3A_305 = vector.broadcast %broadcast_in_dim3A_304 : i32 to vector<16xi32>
              %scan3A_306 = arith.constant 0 : i32
              %scan3A_307 = arith.constant 40 : i32
              %scan3A_308 = arith.addi %scan3A_306, %scan3A_307 : i32
              %scan3A_309 = arith.constant 1 : i32
              %scan3A_310 = scf.for %scan3A_321 = %scan3A_306 to %scan3A_308 step %scan3A_309 iter_args(%scan3A_322 = %broadcast_in_dim3A_305) -> (vector<16xi32>)  : i32 {
                %mul3A_323 = arith.constant 16 : i32
                %mul3A_324 = arith.muli %scan3A_321, %mul3A_323 : i32
                %get3A_325 = arith.index_cast %mul3A_324 : i32 to index
                %get3A_326 = tpu.vector_load %arg9[%get3A_325] {strides = array<i32>} : memref<640xi32, #tpu.memory_space<vmem>>, vector<16xi32>,
                %broadcast_in_dim3A_327 = vector.broadcast %add3A_303 : i32 to vector<16xi32>
                %ge3A_328 = arith.cmpi uge, %get3A_326, %broadcast_in_dim3A_327 : vector<16xi32>
                %convert_element_type3A_329 = arith.extui %ge3A_328 : vector<16xi1> to vector<16xi32>
                %add3A_330 = arith.addi %scan3A_322, %convert_element_type3A_329 : vector<16xi32>
                scf.yield %add3A_330 : vector<16xi32>
              }
              %scan3A_311 = arith.constant 40 : i32
              %reduce_sum3A = arith.constant true
              %reduce_sum3A_312 = vector.broadcast %reduce_sum3A : i1 to vector<16xi1>
              %reduce_sum3A_313 = tpu.scan <sum>, %scan3A_310 masked %reduce_sum3A_312 : vector<16xi32>, vector<16xi1> -> vector<16xi32>
              %reduce_sum3A_314 = vector.extract %reduce_sum3A_313[15] : i32 from vector<16xi32>
              %ge3A_315 = arith.constant 64 : i32
              %ge3A_316 = arith.cmpi sge, %reduce_sum3A_314, %ge3A_315 : i32
              %convert_element_type3A_317 = arith.extui %ge3A_316 : i1 to i32
              %cond3A_318 = arith.constant 0 : i32
              %cond3A_319 = arith.cmpi ne, %convert_element_type3A_317, %cond3A_318 : i32
              %cond3A_320:2 = scf.if %cond3A_319 -> (i32, i32) {
                scf.yield %add3A_303, %scan3A_299 : i32, i32
              } else {
                %sub3A_321 = arith.constant 1 : i32
                %sub3A_322 = arith.subi %add3A_303, %sub3A_321 : i32
                scf.yield %scan3A_298, %sub3A_322 : i32, i32
              }
              scf.yield %cond3A_320#0, %cond3A_320#1 : i32, i32
            }
            %scan3A_256 = arith.constant 32 : i32
            %broadcast_in_dim3A_257 = vector.broadcast %scan3A_255#0 : i32 to vector<16xi32>
            %and3A_258 = arith.constant -2147483648 : i32
            %and3A_259 = vector.broadcast %and3A_258 : i32 to vector<16xi32>
            %and3A_260 = arith.andi %broadcast_in_dim3A_257, %and3A_259 : vector<16xi32>
            %ne3A_261 = arith.constant 0 : i32
            %ne3A_262 = vector.broadcast %ne3A_261 : i32 to vector<16xi32>
            %ne3A_263 = arith.cmpi ne, %and3A_260, %ne3A_262 : vector<16xi32>
            %and3A_264 = arith.constant 2147483647 : i32
            %and3A_265 = vector.broadcast %and3A_264 : i32 to vector<16xi32>
            %and3A_266 = arith.andi %broadcast_in_dim3A_257, %and3A_265 : vector<16xi32>
            %not3A_267 = arith.constant dense<-1> : vector<16xi32>
            %not3A_268 = arith.xori %broadcast_in_dim3A_257, %not3A_267 : vector<16xi32>
            %select_n3A_269 = arith.select %ne3A_263, %and3A_266, %not3A_268 : vector<16xi1>, vector<16xi32>
            %bitcast3A_270 = vector.bitcast %select_n3A_269 : vector<16xi32> to vector<16xf32>
            %reduce_max3A_271 = arith.constant true
            %reduce_max3A_272 = vector.broadcast %reduce_max3A_271 : i1 to vector<16xi1>
            %reduce_max3A_273 = tpu.scan <max>, %bitcast3A_270 masked %reduce_max3A_272 : vector<16xf32>, vector<16xi1> -> vector<16xf32>
            %reduce_max3A_274 = vector.extract %reduce_max3A_273[15] : f32 from vector<16xf32>
            %broadcast_in_dim3A_275 = vector.broadcast %reduce_max3A_274 : f32 to vector<16xf32>
            %scan3A_276 = arith.constant 0 : i32
            %scan3A_277 = arith.constant 0 : i32
            %scan3A_278 = arith.constant 40 : i32
            %scan3A_279 = arith.addi %scan3A_277, %scan3A_278 : i32
            %scan3A_280 = arith.constant 1 : i32
            %scan3A_281 = scf.for %scan3A_297 = %scan3A_277 to %scan3A_279 step %scan3A_280 iter_args(%scan3A_298 = %scan3A_276) -> (i32)  : i32 {
              %broadcast_in_dim3A_299 = arith.constant -3.000000e+38 : f32
              %broadcast_in_dim3A_300 = vector.broadcast %broadcast_in_dim3A_299 : f32 to vector<16xf32>
              %mul3A_301 = arith.constant 16 : i32
              %mul3A_302 = arith.muli %scan3A_297, %mul3A_301 : i32
              %swap3A = arith.index_cast %mul3A_302 : i32 to index
              %swap3A_303 = tpu.vector_load %arg10[%swap3A] {strides = array<i32>} : memref<640xf32, #tpu.memory_space<vmem>>, vector<16xf32>,
              tpu.vector_store %arg10[%swap3A], %broadcast_in_dim3A_300 {strides = array<i32>} : memref<640xf32, #tpu.memory_space<vmem>>, vector<16xf32>,
              %scan3A_304 = arith.constant 0 : i32
              scf.yield %scan3A_304 : i32
            }
            %scan3A_282 = arith.constant 40 : i32
            %scan3A_283 = arith.constant 0 : i32
            %scan3A_284 = arith.constant 0 : i32
            %scan3A_285 = arith.constant 40 : i32
            %scan3A_286 = arith.addi %scan3A_284, %scan3A_285 : i32
            %scan3A_287 = arith.constant 1 : i32
            %scan3A_288 = scf.for %scan3A_297 = %scan3A_284 to %scan3A_286 step %scan3A_287 iter_args(%scan3A_298 = %scan3A_283) -> (i32)  : i32 {
              %mul3A_299 = arith.constant 16 : i32
              %mul3A_300 = arith.muli %scan3A_297, %mul3A_299 : i32
              %get3A_301 = arith.index_cast %mul3A_300 : i32 to index
              %get3A_302 = tpu.vector_load %arg7[%get3A_301] {strides = array<i32>} : memref<640xf32, #tpu.memory_space<vmem>>, vector<16xf32>,
              %mul3A_303 = arith.constant 16 : i32
              %mul3A_304 = arith.muli %scan3A_297, %mul3A_303 : i32
              %get3A_305 = arith.index_cast %mul3A_304 : i32 to index
              %get3A_306 = tpu.vector_load %arg8[%get3A_305] {strides = array<i32>} : memref<640xi32, #tpu.memory_space<vmem>>, vector<16xi32>,
              %ge3A_307 = arith.cmpf oge, %get3A_302, %broadcast_in_dim3A_275 : vector<16xf32>
              %swap3A = arith.index_cast %scan3A_298 : i32 to index
              %swap3A_308 = tpu.vector_load %arg10[%swap3A] masked %ge3A_307 {strides = array<i32>} : memref<640xf32, #tpu.memory_space<vmem>>, vector<16xf32>, vector<16xi1>
              tpu.vector_store %arg10[%swap3A], %get3A_302 masked %ge3A_307 {strides = array<i32>} : memref<640xf32, #tpu.memory_space<vmem>>, vector<16xf32>, vector<16xi1>
              %swap3A_309 = arith.index_cast %scan3A_298 : i32 to index
              %swap3A_310 = tpu.vector_load %arg11[%swap3A_309] masked %ge3A_307 {strides = array<i32>} : memref<640xi32, #tpu.memory_space<vmem>>, vector<16xi32>, vector<16xi1>
              tpu.vector_store %arg11[%swap3A_309], %get3A_306 masked %ge3A_307 {strides = array<i32>} : memref<640xi32, #tpu.memory_space<vmem>>, vector<16xi32>, vector<16xi1>
              %convert_element_type3A_311 = arith.extui %ge3A_307 : vector<16xi1> to vector<16xi32>
              %reduce_sum3A = arith.constant true
              %reduce_sum3A_312 = vector.broadcast %reduce_sum3A : i1 to vector<16xi1>
              %reduce_sum3A_313 = tpu.scan <sum>, %convert_element_type3A_311 masked %reduce_sum3A_312 : vector<16xi32>, vector<16xi1> -> vector<16xi32>
              %reduce_sum3A_314 = vector.extract %reduce_sum3A_313[15] : i32 from vector<16xi32>
              %add3A_315 = arith.addi %scan3A_298, %reduce_sum3A_314 : i32
              scf.yield %add3A_315 : i32
            }
            %scan3A_289 = arith.constant 40 : i32
            %scan3A_290 = arith.constant 0 : i32
            %scan3A_291 = arith.constant 0 : i32
            %scan3A_292 = arith.constant 40 : i32
            %scan3A_293 = arith.addi %scan3A_291, %scan3A_292 : i32
            %scan3A_294 = arith.constant 1 : i32
            %scan3A_295 = scf.for %scan3A_297 = %scan3A_291 to %scan3A_293 step %scan3A_294 iter_args(%scan3A_298 = %scan3A_290) -> (i32)  : i32 {
              %mul3A_299 = arith.constant 16 : i32
              %mul3A_300 = arith.muli %scan3A_297, %mul3A_299 : i32
              %get3A_301 = arith.index_cast %mul3A_300 : i32 to index
              %get3A_302 = tpu.vector_load %arg10[%get3A_301] {strides = array<i32>} : memref<640xf32, #tpu.memory_space<vmem>>, vector<16xf32>,
              %mul3A_303 = arith.constant 16 : i32
              %mul3A_304 = arith.muli %scan3A_297, %mul3A_303 : i32
              %swap3A = arith.index_cast %mul3A_304 : i32 to index
              %swap3A_305 = tpu.vector_load %arg7[%swap3A] {strides = array<i32>} : memref<640xf32, #tpu.memory_space<vmem>>, vector<16xf32>,
              tpu.vector_store %arg7[%swap3A], %get3A_302 {strides = array<i32>} : memref<640xf32, #tpu.memory_space<vmem>>, vector<16xf32>,
              %mul3A_306 = arith.constant 16 : i32
              %mul3A_307 = arith.muli %scan3A_297, %mul3A_306 : i32
              %get3A_308 = arith.index_cast %mul3A_307 : i32 to index
              %get3A_309 = tpu.vector_load %arg11[%get3A_308] {strides = array<i32>} : memref<640xi32, #tpu.memory_space<vmem>>, vector<16xi32>,
              %mul3A_310 = arith.constant 16 : i32
              %mul3A_311 = arith.muli %scan3A_297, %mul3A_310 : i32
              %swap3A_312 = arith.index_cast %mul3A_311 : i32 to index
              %swap3A_313 = tpu.vector_load %arg8[%swap3A_312] {strides = array<i32>} : memref<640xi32, #tpu.memory_space<vmem>>, vector<16xi32>,
              tpu.vector_store %arg8[%swap3A_312], %get3A_309 {strides = array<i32>} : memref<640xi32, #tpu.memory_space<vmem>>, vector<16xi32>,
              %scan3A_314 = arith.constant 0 : i32
              scf.yield %scan3A_314 : i32
            }
            %scan3A_296 = arith.constant 40 : i32
            scf.yield %reduce_max3A_274, %scan3A_288 : f32, i32
          } else {
            scf.yield %scan3A_145, %cond3A_236 : f32, i32
          }
          scf.yield %cond3A_241#0, %cond3A_241#1 : f32, i32
        }
        %scan3A_143 = arith.constant 25 : i32
        scf.yield %scan3A_142#0, %scan3A_142#1 : f32, i32
      }
      %scan3A_32 = arith.constant 8 : i32
      %mul3A_33 = arith.constant 15 : i32
      %mul3A_34 = arith.constant 6400 : i32
      %mul3A_35 = arith.muli %mul3A_33, %mul3A_34 : i32
      %dma_wait3A = tpu.memref_slice %arg2[%add3A_11, %mul3A_35] : memref<64x102400xf32, #tpu.memory_space<hbm>> -> memref<1x6400xf32, #tpu.memory_space<hbm>>
      %dma_wait3A_36 = tpu.memref_squeeze %dma_wait3A : memref<1x6400xf32, #tpu.memory_space<hbm>> -> memref<6400xf32, #tpu.memory_space<hbm>>
      %dma_wait3A_37 = tpu.memref_slice %arg2[%add3A_11, %mul3A_35] : memref<64x102400xf32, #tpu.memory_space<hbm>> -> memref<1x6400xf32, #tpu.memory_space<hbm>>
      %dma_wait3A_38 = tpu.memref_squeeze %dma_wait3A_37 : memref<1x6400xf32, #tpu.memory_space<hbm>> -> memref<6400xf32, #tpu.memory_space<hbm>>
      tpu.wait_dma2 semaphore(%arg14 : memref<!tpu.dma_semaphore, #tpu.memory_space<semaphore_mem>>) src(%dma_wait3A_38 : memref<6400xf32, #tpu.memory_space<hbm>>) dst(%arg5 : memref<6400xf32, #tpu.memory_space<vmem>>)
      %scan3A_39 = arith.constant 0 : i32
      %scan3A_40 = arith.constant 0 : i32
      %scan3A_41 = arith.constant 40 : i32
      %scan3A_42 = arith.addi %scan3A_40, %scan3A_41 : i32
      %scan3A_43 = arith.constant 1 : i32
      %scan3A_44 = scf.for %scan3A_98 = %scan3A_40 to %scan3A_42 step %scan3A_43 iter_args(%scan3A_99 = %scan3A_39) -> (i32)  : i32 {
        %mul3A_100 = arith.constant 16 : i32
        %mul3A_101 = arith.muli %scan3A_98, %mul3A_100 : i32
        %get3A = arith.index_cast %mul3A_101 : i32 to index
        %get3A_102 = tpu.vector_load %arg7[%get3A] {strides = array<i32>} : memref<640xf32, #tpu.memory_space<vmem>>, vector<16xf32>,
        %bitcast3A_103 = vector.bitcast %get3A_102 : vector<16xf32> to vector<16xi32>
        %ge3A = arith.constant -2147483648 : i32
        %ge3A_104 = vector.broadcast %ge3A : i32 to vector<16xi32>
        %ge3A_105 = arith.cmpi uge, %bitcast3A_103, %ge3A_104 : vector<16xi32>
        %not3A_106 = arith.constant dense<-1> : vector<16xi32>
        %not3A_107 = arith.xori %bitcast3A_103, %not3A_106 : vector<16xi32>
        %or3A = arith.constant -2147483648 : i32
        %or3A_108 = vector.broadcast %or3A : i32 to vector<16xi32>
        %or3A_109 = arith.ori %bitcast3A_103, %or3A_108 : vector<16xi32>
        %select_n3A_110 = arith.select %ge3A_105, %not3A_107, %or3A_109 : vector<16xi1>, vector<16xi32>
        %mul3A_111 = arith.constant 16 : i32
        %mul3A_112 = arith.muli %scan3A_98, %mul3A_111 : i32
        %swap3A = arith.index_cast %mul3A_112 : i32 to index
        %swap3A_113 = tpu.vector_load %arg9[%swap3A] {strides = array<i32>} : memref<640xi32, #tpu.memory_space<vmem>>, vector<16xi32>,
        tpu.vector_store %arg9[%swap3A], %select_n3A_110 {strides = array<i32>} : memref<640xi32, #tpu.memory_space<vmem>>, vector<16xi32>,
        %scan3A_114 = arith.constant 0 : i32
        scf.yield %scan3A_114 : i32
      }
      %scan3A_45 = arith.constant 40 : i32
      %scan3A_46 = arith.constant 0 : i32
      %scan3A_47 = arith.constant -8388608 : i32
      %scan3A_48 = arith.constant 0 : i32
      %scan3A_49 = arith.constant 32 : i32
      %scan3A_50 = arith.addi %scan3A_48, %scan3A_49 : i32
      %scan3A_51 = arith.constant 1 : i32
      %scan3A_52:2 = scf.for %scan3A_98 = %scan3A_48 to %scan3A_50 step %scan3A_51 iter_args(%scan3A_99 = %scan3A_46, %scan3A_100 = %scan3A_47) -> (i32, i32)  : i32 {
        %sub3A = arith.subi %scan3A_100, %scan3A_99 : i32
        %add3A_101 = arith.constant 1 : i32
        %add3A_102 = arith.addi %sub3A, %add3A_101 : i32
        %shift_right_logical3A = arith.constant 1 : i32
        %shift_right_logical3A_103 = arith.shrui %add3A_102, %shift_right_logical3A : i32
        %add3A_104 = arith.addi %scan3A_99, %shift_right_logical3A_103 : i32
        %broadcast_in_dim3A_105 = arith.constant 0 : i32
        %broadcast_in_dim3A_106 = vector.broadcast %broadcast_in_dim3A_105 : i32 to vector<16xi32>
        %scan3A_107 = arith.constant 0 : i32
        %scan3A_108 = arith.constant 40 : i32
        %scan3A_109 = arith.addi %scan3A_107, %scan3A_108 : i32
        %scan3A_110 = arith.constant 1 : i32
        %scan3A_111 = scf.for %scan3A_119 = %scan3A_107 to %scan3A_109 step %scan3A_110 iter_args(%scan3A_120 = %broadcast_in_dim3A_106) -> (vector<16xi32>)  : i32 {
          %mul3A_121 = arith.constant 16 : i32
          %mul3A_122 = arith.muli %scan3A_119, %mul3A_121 : i32
          %get3A = arith.index_cast %mul3A_122 : i32 to index
          %get3A_123 = tpu.vector_load %arg9[%get3A] {strides = array<i32>} : memref<640xi32, #tpu.memory_space<vmem>>, vector<16xi32>,
          %broadcast_in_dim3A_124 = vector.broadcast %add3A_104 : i32 to vector<16xi32>
          %ge3A_125 = arith.cmpi uge, %get3A_123, %broadcast_in_dim3A_124 : vector<16xi32>
          %convert_element_type3A_126 = arith.extui %ge3A_125 : vector<16xi1> to vector<16xi32>
          %add3A_127 = arith.addi %scan3A_120, %convert_element_type3A_126 : vector<16xi32>
          scf.yield %add3A_127 : vector<16xi32>
        }
        %scan3A_112 = arith.constant 40 : i32
        %reduce_sum3A = arith.constant true
        %reduce_sum3A_113 = vector.broadcast %reduce_sum3A : i1 to vector<16xi1>
        %reduce_sum3A_114 = tpu.scan <sum>, %scan3A_111 masked %reduce_sum3A_113 : vector<16xi32>, vector<16xi1> -> vector<16xi32>
        %reduce_sum3A_115 = vector.extract %reduce_sum3A_114[15] : i32 from vector<16xi32>
        %ge3A = arith.constant 64 : i32
        %ge3A_116 = arith.cmpi sge, %reduce_sum3A_115, %ge3A : i32
        %convert_element_type3A = arith.extui %ge3A_116 : i1 to i32
        %cond3A = arith.constant 0 : i32
        %cond3A_117 = arith.cmpi ne, %convert_element_type3A, %cond3A : i32
        %cond3A_118:2 = scf.if %cond3A_117 -> (i32, i32) {
          scf.yield %add3A_104, %scan3A_100 : i32, i32
        } else {
          %sub3A_119 = arith.constant 1 : i32
          %sub3A_120 = arith.subi %add3A_104, %sub3A_119 : i32
          scf.yield %scan3A_99, %sub3A_120 : i32, i32
        }
        scf.yield %cond3A_118#0, %cond3A_118#1 : i32, i32
      }
      %scan3A_53 = arith.constant 32 : i32
      %broadcast_in_dim3A = vector.broadcast %scan3A_52#0 : i32 to vector<16xi32>
      %and3A = arith.constant -2147483648 : i32
      %and3A_54 = vector.broadcast %and3A : i32 to vector<16xi32>
      %and3A_55 = arith.andi %broadcast_in_dim3A, %and3A_54 : vector<16xi32>
      %ne3A = arith.constant 0 : i32
      %ne3A_56 = vector.broadcast %ne3A : i32 to vector<16xi32>
      %ne3A_57 = arith.cmpi ne, %and3A_55, %ne3A_56 : vector<16xi32>
      %and3A_58 = arith.constant 2147483647 : i32
      %and3A_59 = vector.broadcast %and3A_58 : i32 to vector<16xi32>
      %and3A_60 = arith.andi %broadcast_in_dim3A, %and3A_59 : vector<16xi32>
      %not3A = arith.constant dense<-1> : vector<16xi32>
      %not3A_61 = arith.xori %broadcast_in_dim3A, %not3A : vector<16xi32>
      %select_n3A = arith.select %ne3A_57, %and3A_60, %not3A_61 : vector<16xi1>, vector<16xi32>
      %bitcast3A = vector.bitcast %select_n3A : vector<16xi32> to vector<16xf32>
      %reduce_max3A = arith.constant true
      %reduce_max3A_62 = vector.broadcast %reduce_max3A : i1 to vector<16xi1>
      %reduce_max3A_63 = tpu.scan <max>, %bitcast3A masked %reduce_max3A_62 : vector<16xf32>, vector<16xi1> -> vector<16xf32>
      %reduce_max3A_64 = vector.extract %reduce_max3A_63[15] : f32 from vector<16xf32>
      %broadcast_in_dim3A_65 = vector.broadcast %reduce_max3A_64 : f32 to vector<16xf32>
      %scan3A_66 = arith.constant 0 : i32
      %scan3A_67 = arith.constant 0 : i32
      %scan3A_68 = arith.constant 40 : i32
      %scan3A_69 = arith.addi %scan3A_67, %scan3A_68 : i32
      %scan3A_70 = arith.constant 1 : i32
      %scan3A_71 = scf.for %scan3A_98 = %scan3A_67 to %scan3A_69 step %scan3A_70 iter_args(%scan3A_99 = %scan3A_66) -> (i32)  : i32 {
        %broadcast_in_dim3A_100 = arith.constant -3.000000e+38 : f32
        %broadcast_in_dim3A_101 = vector.broadcast %broadcast_in_dim3A_100 : f32 to vector<16xf32>
        %mul3A_102 = arith.constant 16 : i32
        %mul3A_103 = arith.muli %scan3A_98, %mul3A_102 : i32
        %swap3A = arith.index_cast %mul3A_103 : i32 to index
        %swap3A_104 = tpu.vector_load %arg10[%swap3A] {strides = array<i32>} : memref<640xf32, #tpu.memory_space<vmem>>, vector<16xf32>,
        tpu.vector_store %arg10[%swap3A], %broadcast_in_dim3A_101 {strides = array<i32>} : memref<640xf32, #tpu.memory_space<vmem>>, vector<16xf32>,
        %scan3A_105 = arith.constant 0 : i32
        scf.yield %scan3A_105 : i32
      }
      %scan3A_72 = arith.constant 40 : i32
      %scan3A_73 = arith.constant 0 : i32
      %scan3A_74 = arith.constant 0 : i32
      %scan3A_75 = arith.constant 40 : i32
      %scan3A_76 = arith.addi %scan3A_74, %scan3A_75 : i32
      %scan3A_77 = arith.constant 1 : i32
      %scan3A_78 = scf.for %scan3A_98 = %scan3A_74 to %scan3A_76 step %scan3A_77 iter_args(%scan3A_99 = %scan3A_73) -> (i32)  : i32 {
        %mul3A_100 = arith.constant 16 : i32
        %mul3A_101 = arith.muli %scan3A_98, %mul3A_100 : i32
        %get3A = arith.index_cast %mul3A_101 : i32 to index
        %get3A_102 = tpu.vector_load %arg7[%get3A] {strides = array<i32>} : memref<640xf32, #tpu.memory_space<vmem>>, vector<16xf32>,
        %mul3A_103 = arith.constant 16 : i32
        %mul3A_104 = arith.muli %scan3A_98, %mul3A_103 : i32
        %get3A_105 = arith.index_cast %mul3A_104 : i32 to index
        %get3A_106 = tpu.vector_load %arg8[%get3A_105] {strides = array<i32>} : memref<640xi32, #tpu.memory_space<vmem>>, vector<16xi32>,
        %ge3A = arith.cmpf oge, %get3A_102, %broadcast_in_dim3A_65 : vector<16xf32>
        %swap3A = arith.index_cast %scan3A_99 : i32 to index
        %swap3A_107 = tpu.vector_load %arg10[%swap3A] masked %ge3A {strides = array<i32>} : memref<640xf32, #tpu.memory_space<vmem>>, vector<16xf32>, vector<16xi1>
        tpu.vector_store %arg10[%swap3A], %get3A_102 masked %ge3A {strides = array<i32>} : memref<640xf32, #tpu.memory_space<vmem>>, vector<16xf32>, vector<16xi1>
        %swap3A_108 = arith.index_cast %scan3A_99 : i32 to index
        %swap3A_109 = tpu.vector_load %arg11[%swap3A_108] masked %ge3A {strides = array<i32>} : memref<640xi32, #tpu.memory_space<vmem>>, vector<16xi32>, vector<16xi1>
        tpu.vector_store %arg11[%swap3A_108], %get3A_106 masked %ge3A {strides = array<i32>} : memref<640xi32, #tpu.memory_space<vmem>>, vector<16xi32>, vector<16xi1>
        %convert_element_type3A = arith.extui %ge3A : vector<16xi1> to vector<16xi32>
        %reduce_sum3A = arith.constant true
        %reduce_sum3A_110 = vector.broadcast %reduce_sum3A : i1 to vector<16xi1>
        %reduce_sum3A_111 = tpu.scan <sum>, %convert_element_type3A masked %reduce_sum3A_110 : vector<16xi32>, vector<16xi1> -> vector<16xi32>
        %reduce_sum3A_112 = vector.extract %reduce_sum3A_111[15] : i32 from vector<16xi32>
        %add3A_113 = arith.addi %scan3A_99, %reduce_sum3A_112 : i32
        scf.yield %add3A_113 : i32
      }
      %scan3A_79 = arith.constant 40 : i32
      %scan3A_80 = arith.constant 0 : i32
      %scan3A_81 = arith.constant 0 : i32
      %scan3A_82 = arith.constant 40 : i32
      %scan3A_83 = arith.addi %scan3A_81, %scan3A_82 : i32
      %scan3A_84 = arith.constant 1 : i32
      %scan3A_85 = scf.for %scan3A_98 = %scan3A_81 to %scan3A_83 step %scan3A_84 iter_args(%scan3A_99 = %scan3A_80) -> (i32)  : i32 {
        %mul3A_100 = arith.constant 16 : i32
        %mul3A_101 = arith.muli %scan3A_98, %mul3A_100 : i32
        %get3A = arith.index_cast %mul3A_101 : i32 to index
        %get3A_102 = tpu.vector_load %arg10[%get3A] {strides = array<i32>} : memref<640xf32, #tpu.memory_space<vmem>>, vector<16xf32>,
        %mul3A_103 = arith.constant 16 : i32
        %mul3A_104 = arith.muli %scan3A_98, %mul3A_103 : i32
        %swap3A = arith.index_cast %mul3A_104 : i32 to index
        %swap3A_105 = tpu.vector_load %arg7[%swap3A] {strides = array<i32>} : memref<640xf32, #tpu.memory_space<vmem>>, vector<16xf32>,
        tpu.vector_store %arg7[%swap3A], %get3A_102 {strides = array<i32>} : memref<640xf32, #tpu.memory_space<vmem>>, vector<16xf32>,
        %mul3A_106 = arith.constant 16 : i32
        %mul3A_107 = arith.muli %scan3A_98, %mul3A_106 : i32
        %get3A_108 = arith.index_cast %mul3A_107 : i32 to index
        %get3A_109 = tpu.vector_load %arg11[%get3A_108] {strides = array<i32>} : memref<640xi32, #tpu.memory_space<vmem>>, vector<16xi32>,
        %mul3A_110 = arith.constant 16 : i32
        %mul3A_111 = arith.muli %scan3A_98, %mul3A_110 : i32
        %swap3A_112 = arith.index_cast %mul3A_111 : i32 to index
        %swap3A_113 = tpu.vector_load %arg8[%swap3A_112] {strides = array<i32>} : memref<640xi32, #tpu.memory_space<vmem>>, vector<16xi32>,
        tpu.vector_store %arg8[%swap3A_112], %get3A_109 {strides = array<i32>} : memref<640xi32, #tpu.memory_space<vmem>>, vector<16xi32>,
        %scan3A_114 = arith.constant 0 : i32
        scf.yield %scan3A_114 : i32
      }
      %scan3A_86 = arith.constant 40 : i32
      %add3A_87 = arith.constant 15 : i32
      %add3A_88 = arith.addi %scan3A_78, %add3A_87 : i32
      %shift_right_arithmetic3A = arith.constant 4 : i32
      %shift_right_arithmetic3A_89 = arith.shrsi %add3A_88, %shift_right_arithmetic3A : i32
      %scan3A_90 = arith.constant 0 : i32
      %scan3A_91 = arith.constant 0 : i32
      %scan3A_92 = arith.constant 64 : i32
      %scan3A_93 = arith.addi %scan3A_91, %scan3A_92 : i32
      %scan3A_94 = arith.constant 1 : i32
      %scan3A_95 = scf.for %scan3A_98 = %scan3A_91 to %scan3A_93 step %scan3A_94 iter_args(%scan3A_99 = %scan3A_90) -> (i32)  : i32 {
        %broadcast_in_dim3A_100 = arith.constant -3.000000e+38 : f32
        %broadcast_in_dim3A_101 = vector.broadcast %broadcast_in_dim3A_100 : f32 to vector<16xf32>
        %while3A = arith.constant 0 : i32
        %while3A_102 = arith.subi %shift_right_arithmetic3A_89, %while3A : i32
        %while3A_103 = arith.addi %while3A, %while3A_102 : i32
        %while3A_104 = arith.constant 1 : i32
        %while3A_105 = arith.divsi %while3A_102, %while3A_104 : i32
        %while3A_106 = arith.muli %while3A_105, %while3A_104 : i32
        %while3A_107 = arith.addi %while3A, %while3A_106 : i32
        %while3A_108 = arith.constant 1 : i32
        %while3A_109 = scf.for %while3A_155 = %while3A to %while3A_107 step %while3A_108 iter_args(%while3A_156 = %broadcast_in_dim3A_101) -> (vector<16xf32>)  : i32 {
          %mul3A_157 = arith.constant 16 : i32
          %mul3A_158 = arith.muli %while3A_155, %mul3A_157 : i32
          %get3A = arith.index_cast %mul3A_158 : i32 to index
          %get3A_159 = tpu.vector_load %arg7[%get3A] {strides = array<i32>} : memref<640xf32, #tpu.memory_space<vmem>>, vector<16xf32>,
          %max3A = arith.maximumf %while3A_156, %get3A_159 : vector<16xf32>
          scf.yield %max3A : vector<16xf32>
        }
        %while3A_110 = arith.constant 1 : i32
        %while3A_111 = scf.for %while3A_155 = %while3A_107 to %while3A_103 step %while3A_110 iter_args(%while3A_156 = %while3A_109) -> (vector<16xf32>)  : i32 {
          %mul3A_157 = arith.constant 16 : i32
          %mul3A_158 = arith.muli %while3A_155, %mul3A_157 : i32
          %get3A = arith.index_cast %mul3A_158 : i32 to index
          %get3A_159 = tpu.vector_load %arg7[%get3A] {strides = array<i32>} : memref<640xf32, #tpu.memory_space<vmem>>, vector<16xf32>,
          %max3A = arith.maximumf %while3A_156, %get3A_159 : vector<16xf32>
          scf.yield %max3A : vector<16xf32>
        }
        %reduce_max3A_112 = arith.constant true
        %reduce_max3A_113 = vector.broadcast %reduce_max3A_112 : i1 to vector<16xi1>
        %reduce_max3A_114 = tpu.scan <max>, %while3A_111 masked %reduce_max3A_113 : vector<16xf32>, vector<16xi1> -> vector<16xf32>
        %reduce_max3A_115 = vector.extract %reduce_max3A_114[15] : f32 from vector<16xf32>
        %broadcast_in_dim3A_116 = vector.broadcast %reduce_max3A_115 : f32 to vector<16xf32>
        %broadcast_in_dim3A_117 = arith.constant 2147483647 : i32
        %broadcast_in_dim3A_118 = vector.broadcast %broadcast_in_dim3A_117 : i32 to vector<16xi32>
        %while3A_119 = arith.constant 0 : i32
        %while3A_120 = arith.subi %shift_right_arithmetic3A_89, %while3A_119 : i32
        %while3A_121 = arith.addi %while3A_119, %while3A_120 : i32
        %while3A_122 = arith.constant 1 : i32
        %while3A_123 = arith.divsi %while3A_120, %while3A_122 : i32
        %while3A_124 = arith.muli %while3A_123, %while3A_122 : i32
        %while3A_125 = arith.addi %while3A_119, %while3A_124 : i32
        %while3A_126 = arith.constant 1 : i32
        %while3A_127 = scf.for %while3A_155 = %while3A_119 to %while3A_125 step %while3A_126 iter_args(%while3A_156 = %broadcast_in_dim3A_118) -> (vector<16xi32>)  : i32 {
          %mul3A_157 = arith.constant 16 : i32
          %mul3A_158 = arith.muli %while3A_155, %mul3A_157 : i32
          %get3A = arith.index_cast %mul3A_158 : i32 to index
          %get3A_159 = tpu.vector_load %arg7[%get3A] {strides = array<i32>} : memref<640xf32, #tpu.memory_space<vmem>>, vector<16xf32>,
          %mul3A_160 = arith.constant 16 : i32
          %mul3A_161 = arith.muli %while3A_155, %mul3A_160 : i32
          %get3A_162 = arith.index_cast %mul3A_161 : i32 to index
          %get3A_163 = tpu.vector_load %arg8[%get3A_162] {strides = array<i32>} : memref<640xi32, #tpu.memory_space<vmem>>, vector<16xi32>,
          %eq3A_164 = arith.cmpf oeq, %get3A_159, %broadcast_in_dim3A_116 : vector<16xf32>
          %broadcast_in_dim3A_165 = arith.constant 2147483647 : i32
          %broadcast_in_dim3A_166 = vector.broadcast %broadcast_in_dim3A_165 : i32 to vector<16xi32>
          %select_n3A_167 = arith.select %eq3A_164, %get3A_163, %broadcast_in_dim3A_166 : vector<16xi1>, vector<16xi32>
          %min3A = arith.minsi %while3A_156, %select_n3A_167 : vector<16xi32>
          scf.yield %min3A : vector<16xi32>
        }
        %while3A_128 = arith.constant 1 : i32
        %while3A_129 = scf.for %while3A_155 = %while3A_125 to %while3A_121 step %while3A_128 iter_args(%while3A_156 = %while3A_127) -> (vector<16xi32>)  : i32 {
          %mul3A_157 = arith.constant 16 : i32
          %mul3A_158 = arith.muli %while3A_155, %mul3A_157 : i32
          %get3A = arith.index_cast %mul3A_158 : i32 to index
          %get3A_159 = tpu.vector_load %arg7[%get3A] {strides = array<i32>} : memref<640xf32, #tpu.memory_space<vmem>>, vector<16xf32>,
          %mul3A_160 = arith.constant 16 : i32
          %mul3A_161 = arith.muli %while3A_155, %mul3A_160 : i32
          %get3A_162 = arith.index_cast %mul3A_161 : i32 to index
          %get3A_163 = tpu.vector_load %arg8[%get3A_162] {strides = array<i32>} : memref<640xi32, #tpu.memory_space<vmem>>, vector<16xi32>,
          %eq3A_164 = arith.cmpf oeq, %get3A_159, %broadcast_in_dim3A_116 : vector<16xf32>
          %broadcast_in_dim3A_165 = arith.constant 2147483647 : i32
          %broadcast_in_dim3A_166 = vector.broadcast %broadcast_in_dim3A_165 : i32 to vector<16xi32>
          %select_n3A_167 = arith.select %eq3A_164, %get3A_163, %broadcast_in_dim3A_166 : vector<16xi1>, vector<16xi32>
          %min3A = arith.minsi %while3A_156, %select_n3A_167 : vector<16xi32>
          scf.yield %min3A : vector<16xi32>
        }
        %reduce_min3A = arith.constant true
        %reduce_min3A_130 = vector.broadcast %reduce_min3A : i1 to vector<16xi1>
        %reduce_min3A_131 = arith.constant -2147483648 : i32
        %reduce_min3A_132 = vector.broadcast %reduce_min3A_131 : i32 to vector<16xi32>
        %reduce_min3A_133 = arith.xori %while3A_129, %reduce_min3A_132 : vector<16xi32>
        %reduce_min3A_134 = tpu.scan <min>, %reduce_min3A_133 masked %reduce_min3A_130 : vector<16xi32>, vector<16xi1> -> vector<16xi32>
        %reduce_min3A_135 = arith.xori %reduce_min3A_134, %reduce_min3A_132 : vector<16xi32>
        %reduce_min3A_136 = vector.extract %reduce_min3A_135[15] : i32 from vector<16xi32>
        %broadcast_in_dim3A_137 = vector.broadcast %reduce_min3A_136 : i32 to vector<16xi32>
        %while3A_138 = arith.constant 0 : i32
        %while3A_139 = arith.constant 0 : i32
        %while3A_140 = arith.subi %shift_right_arithmetic3A_89, %while3A_138 : i32
        %while3A_141 = arith.addi %while3A_138, %while3A_140 : i32
        %while3A_142 = arith.constant 1 : i32
        %while3A_143 = arith.divsi %while3A_140, %while3A_142 : i32
        %while3A_144 = arith.muli %while3A_143, %while3A_142 : i32
        %while3A_145 = arith.addi %while3A_138, %while3A_144 : i32
        %while3A_146 = arith.constant 1 : i32
        %while3A_147 = scf.for %while3A_155 = %while3A_138 to %while3A_145 step %while3A_146 iter_args(%while3A_156 = %while3A_139) -> (i32)  : i32 {
          %mul3A_157 = arith.constant 16 : i32
          %mul3A_158 = arith.muli %while3A_155, %mul3A_157 : i32
          %get3A = arith.index_cast %mul3A_158 : i32 to index
          %get3A_159 = tpu.vector_load %arg7[%get3A] {strides = array<i32>} : memref<640xf32, #tpu.memory_space<vmem>>, vector<16xf32>,
          %mul3A_160 = arith.constant 16 : i32
          %mul3A_161 = arith.muli %while3A_155, %mul3A_160 : i32
          %get3A_162 = arith.index_cast %mul3A_161 : i32 to index
          %get3A_163 = tpu.vector_load %arg8[%get3A_162] {strides = array<i32>} : memref<640xi32, #tpu.memory_space<vmem>>, vector<16xi32>,
          %eq3A_164 = arith.cmpf oeq, %get3A_159, %broadcast_in_dim3A_116 : vector<16xf32>
          %eq3A_165 = arith.cmpi eq, %get3A_163, %broadcast_in_dim3A_137 : vector<16xi32>
          %and3A_166 = arith.andi %eq3A_164, %eq3A_165 : vector<16xi1>
          %broadcast_in_dim3A_167 = arith.constant -3.000000e+38 : f32
          %broadcast_in_dim3A_168 = vector.broadcast %broadcast_in_dim3A_167 : f32 to vector<16xf32>
          %select_n3A_169 = arith.select %and3A_166, %broadcast_in_dim3A_168, %get3A_159 : vector<16xi1>, vector<16xf32>
          %mul3A_170 = arith.constant 16 : i32
          %mul3A_171 = arith.muli %while3A_155, %mul3A_170 : i32
          %swap3A = arith.index_cast %mul3A_171 : i32 to index
          %swap3A_172 = tpu.vector_load %arg7[%swap3A] {strides = array<i32>} : memref<640xf32, #tpu.memory_space<vmem>>, vector<16xf32>,
          tpu.vector_store %arg7[%swap3A], %select_n3A_169 {strides = array<i32>} : memref<640xf32, #tpu.memory_space<vmem>>, vector<16xf32>,
          %while3A_173 = arith.constant 0 : i32
          scf.yield %while3A_173 : i32
        }
        %while3A_148 = arith.constant 1 : i32
        %while3A_149 = scf.for %while3A_155 = %while3A_145 to %while3A_141 step %while3A_148 iter_args(%while3A_156 = %while3A_147) -> (i32)  : i32 {
          %mul3A_157 = arith.constant 16 : i32
          %mul3A_158 = arith.muli %while3A_155, %mul3A_157 : i32
          %get3A = arith.index_cast %mul3A_158 : i32 to index
          %get3A_159 = tpu.vector_load %arg7[%get3A] {strides = array<i32>} : memref<640xf32, #tpu.memory_space<vmem>>, vector<16xf32>,
          %mul3A_160 = arith.constant 16 : i32
          %mul3A_161 = arith.muli %while3A_155, %mul3A_160 : i32
          %get3A_162 = arith.index_cast %mul3A_161 : i32 to index
          %get3A_163 = tpu.vector_load %arg8[%get3A_162] {strides = array<i32>} : memref<640xi32, #tpu.memory_space<vmem>>, vector<16xi32>,
          %eq3A_164 = arith.cmpf oeq, %get3A_159, %broadcast_in_dim3A_116 : vector<16xf32>
          %eq3A_165 = arith.cmpi eq, %get3A_163, %broadcast_in_dim3A_137 : vector<16xi32>
          %and3A_166 = arith.andi %eq3A_164, %eq3A_165 : vector<16xi1>
          %broadcast_in_dim3A_167 = arith.constant -3.000000e+38 : f32
          %broadcast_in_dim3A_168 = vector.broadcast %broadcast_in_dim3A_167 : f32 to vector<16xf32>
          %select_n3A_169 = arith.select %and3A_166, %broadcast_in_dim3A_168, %get3A_159 : vector<16xi1>, vector<16xf32>
          %mul3A_170 = arith.constant 16 : i32
          %mul3A_171 = arith.muli %while3A_155, %mul3A_170 : i32
          %swap3A = arith.index_cast %mul3A_171 : i32 to index
          %swap3A_172 = tpu.vector_load %arg7[%swap3A] {strides = array<i32>} : memref<640xf32, #tpu.memory_space<vmem>>, vector<16xf32>,
          tpu.vector_store %arg7[%swap3A], %select_n3A_169 {strides = array<i32>} : memref<640xf32, #tpu.memory_space<vmem>>, vector<16xf32>,
          %while3A_173 = arith.constant 0 : i32
          scf.yield %while3A_173 : i32
        }
        %iota3A = tpu.iota {dimensions = array<i32: 0>} : vector<16xi32>
        %and3A_150 = arith.constant 15 : i32
        %and3A_151 = arith.andi %scan3A_98, %and3A_150 : i32
        %eq3A = vector.broadcast %and3A_151 : i32 to vector<16xi32>
        %eq3A_152 = arith.cmpi eq, %iota3A, %eq3A : vector<16xi32>
        %broadcast_in_dim3A_153 = vector.broadcast %scan3A_98 : i32 to vector<16xi32>
        tpu.vector_store_idx %arg12[%broadcast_in_dim3A_153], %broadcast_in_dim3A_116 masked %eq3A_152 : memref<64xf32, #tpu.memory_space<vmem>>[vector<16xi32>], vector<16xf32>, vector<16xi1>
        tpu.vector_store_idx %arg13[%broadcast_in_dim3A_153], %broadcast_in_dim3A_137 masked %eq3A_152 : memref<64xi32, #tpu.memory_space<vmem>>[vector<16xi32>], vector<16xi32>, vector<16xi1>
        %scan3A_154 = arith.constant 0 : i32
        scf.yield %scan3A_154 : i32
      }
      %scan3A_96 = arith.constant 64 : i32
      "tpu.region"() ({
        %run_scoped3A = tpu.sem_alloc : memref<!tpu.dma_semaphore, #tpu.memory_space<semaphore_mem>>
        %dma_start3A_98 = arith.constant 0 : i32
        %dma_start3A_99 = tpu.memref_slice %arg3[%add3A_11, %dma_start3A_98] : memref<64x64xf32, #tpu.memory_space<hbm>> -> memref<1x64xf32, #tpu.memory_space<hbm>>
        %dma_start3A_100 = tpu.memref_squeeze %dma_start3A_99 : memref<1x64xf32, #tpu.memory_space<hbm>> -> memref<64xf32, #tpu.memory_space<hbm>>
        %dma_start3A_101 = arith.constant 0 : i32
        %dma_start3A_102 = tpu.memref_slice %arg3[%add3A_11, %dma_start3A_101] : memref<64x64xf32, #tpu.memory_space<hbm>> -> memref<1x64xf32, #tpu.memory_space<hbm>>
        %dma_start3A_103 = tpu.memref_squeeze %dma_start3A_102 : memref<1x64xf32, #tpu.memory_space<hbm>> -> memref<64xf32, #tpu.memory_space<hbm>>
        tpu.enqueue_dma source(%arg12 : memref<64xf32, #tpu.memory_space<vmem>>) target(%dma_start3A_103 : memref<64xf32, #tpu.memory_space<hbm>>) target_semaphore(%run_scoped3A : memref<!tpu.dma_semaphore, #tpu.memory_space<semaphore_mem>>)
        %dma_wait3A_104 = arith.constant 0 : i32
        %dma_wait3A_105 = tpu.memref_slice %arg3[%add3A_11, %dma_wait3A_104] : memref<64x64xf32, #tpu.memory_space<hbm>> -> memref<1x64xf32, #tpu.memory_space<hbm>>
        %dma_wait3A_106 = tpu.memref_squeeze %dma_wait3A_105 : memref<1x64xf32, #tpu.memory_space<hbm>> -> memref<64xf32, #tpu.memory_space<hbm>>
        %dma_wait3A_107 = arith.constant 0 : i32
        %dma_wait3A_108 = tpu.memref_slice %arg3[%add3A_11, %dma_wait3A_107] : memref<64x64xf32, #tpu.memory_space<hbm>> -> memref<1x64xf32, #tpu.memory_space<hbm>>
        %dma_wait3A_109 = tpu.memref_squeeze %dma_wait3A_108 : memref<1x64xf32, #tpu.memory_space<hbm>> -> memref<64xf32, #tpu.memory_space<hbm>>
        tpu.wait_dma2 semaphore(%run_scoped3A : memref<!tpu.dma_semaphore, #tpu.memory_space<semaphore_mem>>) src(%arg12 : memref<64xf32, #tpu.memory_space<vmem>>) dst(%dma_wait3A_109 : memref<64xf32, #tpu.memory_space<hbm>>)
        tpu.yield
      }) : () -> ()
      "tpu.region"() ({
        %run_scoped3A = tpu.sem_alloc : memref<!tpu.dma_semaphore, #tpu.memory_space<semaphore_mem>>
        %dma_start3A_98 = arith.constant 0 : i32
        %dma_start3A_99 = tpu.memref_slice %arg4[%add3A_11, %dma_start3A_98] : memref<64x64xi32, #tpu.memory_space<hbm>> -> memref<1x64xi32, #tpu.memory_space<hbm>>
        %dma_start3A_100 = tpu.memref_squeeze %dma_start3A_99 : memref<1x64xi32, #tpu.memory_space<hbm>> -> memref<64xi32, #tpu.memory_space<hbm>>
        %dma_start3A_101 = arith.constant 0 : i32
        %dma_start3A_102 = tpu.memref_slice %arg4[%add3A_11, %dma_start3A_101] : memref<64x64xi32, #tpu.memory_space<hbm>> -> memref<1x64xi32, #tpu.memory_space<hbm>>
        %dma_start3A_103 = tpu.memref_squeeze %dma_start3A_102 : memref<1x64xi32, #tpu.memory_space<hbm>> -> memref<64xi32, #tpu.memory_space<hbm>>
        tpu.enqueue_dma source(%arg13 : memref<64xi32, #tpu.memory_space<vmem>>) target(%dma_start3A_103 : memref<64xi32, #tpu.memory_space<hbm>>) target_semaphore(%run_scoped3A : memref<!tpu.dma_semaphore, #tpu.memory_space<semaphore_mem>>)
        %dma_wait3A_104 = arith.constant 0 : i32
        %dma_wait3A_105 = tpu.memref_slice %arg4[%add3A_11, %dma_wait3A_104] : memref<64x64xi32, #tpu.memory_space<hbm>> -> memref<1x64xi32, #tpu.memory_space<hbm>>
        %dma_wait3A_106 = tpu.memref_squeeze %dma_wait3A_105 : memref<1x64xi32, #tpu.memory_space<hbm>> -> memref<64xi32, #tpu.memory_space<hbm>>
        %dma_wait3A_107 = arith.constant 0 : i32
        %dma_wait3A_108 = tpu.memref_slice %arg4[%add3A_11, %dma_wait3A_107] : memref<64x64xi32, #tpu.memory_space<hbm>> -> memref<1x64xi32, #tpu.memory_space<hbm>>
        %dma_wait3A_109 = tpu.memref_squeeze %dma_wait3A_108 : memref<1x64xi32, #tpu.memory_space<hbm>> -> memref<64xi32, #tpu.memory_space<hbm>>
        tpu.wait_dma2 semaphore(%run_scoped3A : memref<!tpu.dma_semaphore, #tpu.memory_space<semaphore_mem>>) src(%arg13 : memref<64xi32, #tpu.memory_space<vmem>>) dst(%dma_wait3A_109 : memref<64xi32, #tpu.memory_space<hbm>>)
        tpu.yield
      }) : () -> ()
      %scan3A_97 = arith.constant 0 : i32
      scf.yield %scan3A_97 : i32
    }
    %scan3A_6 = arith.constant 2 : i32
    return
  }
}

module attributes {stable_mosaic.version = 14 : i64} {
  func.func @_scores_body(%arg0: i32, %arg1: memref<64x768xf32, #tpu.memory_space<vmem>>, %arg2: memref<4096x768xf32, #tpu.memory_space<vmem>>, %arg3: memref<64x4096xf32, #tpu.memory_space<vmem>>) attributes {dimension_semantics = [#tpu.dimension_semantics<arbitrary>], iteration_bounds = array<i64: 25>, scalar_prefetch = 0 : i64, scratch_operands = 0 : i64, tpu.core_type = #tpu.core_type<tc>, window_params = [{pipeline_mode = #tpu.pipeline_mode<synchronous>, transform_indices = @transform_0, window_bounds = array<i64: 64, 768>}, {transform_indices = @transform_1, window_bounds = array<i64: 4096, 768>}, {transform_indices = @transform_2, window_bounds = array<i64: 64, 4096>}]} {
    %get3A = arith.constant 0 : index
    %get3A_0 = arith.constant 0 : index
    %get3A_1 = vector.load %arg1[%get3A, %get3A_0] : memref<64x768xf32, #tpu.memory_space<vmem>>, vector<64x768xf32>
    %get3A_2 = arith.constant 0 : index
    %get3A_3 = arith.constant 0 : index
    %get3A_4 = vector.load %arg2[%get3A_2, %get3A_3] : memref<4096x768xf32, #tpu.memory_space<vmem>>, vector<4096x768xf32>
    %dot_general3A = arith.constant dense<0.000000e+00> : vector<64x4096xf32>
    %dot_general3A_5 = tpu.matmul %get3A_1, %get3A_4, %dot_general3A {dimension_numbers = #tpu.dot_dimension_numbers<[1], [1], [0], [0], [0, 0, 1, 0], [], []>, transpose_lhs_hint = false} : vector<64x768xf32>, vector<4096x768xf32>, vector<64x4096xf32> -> vector<64x4096xf32>
    %mul3A = arith.constant 4096 : i32
    %mul3A_6 = arith.muli %arg0, %mul3A : i32
    %iota3A = tpu.iota {dimensions = array<i32: 1>} : vector<64x4096xi32>
    %add3A = vector.broadcast %mul3A_6 : i32 to vector<64x4096xi32>
    %add3A_7 = arith.addi %add3A, %iota3A : vector<64x4096xi32>
    %lt3A = arith.constant 100000 : i32
    %lt3A_8 = vector.broadcast %lt3A : i32 to vector<64x4096xi32>
    %lt3A_9 = arith.cmpi slt, %add3A_7, %lt3A_8 : vector<64x4096xi32>
    %jit3A = arith.constant -3.000000e+38 : f32
    %broadcast_in_dim3A = vector.broadcast %jit3A : f32 to vector<64x4096xf32>
    %select_n3A = arith.select %lt3A_9, %dot_general3A_5, %broadcast_in_dim3A : vector<64x4096xi1>, vector<64x4096xf32>
    %swap3A = arith.constant 0 : index
    %swap3A_10 = arith.constant 0 : index
    %swap3A_11 = vector.load %arg3[%swap3A, %swap3A_10] : memref<64x4096xf32, #tpu.memory_space<vmem>>, vector<64x4096xf32>
    tpu.vector_store %arg3[%swap3A, %swap3A_10], %select_n3A {strides = array<i32>} : memref<64x4096xf32, #tpu.memory_space<vmem>>, vector<64x4096xf32>,
    return
  }
  func.func @transform_0(%arg0: i32) -> (i32, i32) {
    %c0_i32 = arith.constant 0 : i32
    %c0_i32_0 = arith.constant 0 : i32
    %c0_i32_1 = arith.constant 0 : i32
    return %c0_i32, %c0_i32_0 : i32, i32
  }
  func.func @transform_1(%arg0: i32) -> (i32, i32) {
    %c0_i32 = arith.constant 0 : i32
    %c0_i32_0 = arith.constant 0 : i32
    return %arg0, %c0_i32 : i32, i32
  }
  func.func @transform_2(%arg0: i32) -> (i32, i32) {
    %c0_i32 = arith.constant 0 : i32
    %c0_i32_0 = arith.constant 0 : i32
    return %c0_i32, %arg0 : i32, i32
  }
}

module attributes {stable_mosaic.version = 14 : i64} {
  func.func @_pool_body(%arg0: memref<64x128x768xf32, #tpu.memory_space<vmem>>, %arg1: memref<64x128xi32, #tpu.memory_space<vmem>>, %arg2: memref<64x768xf32, #tpu.memory_space<vmem>>) attributes {dimension_semantics = [], scalar_prefetch = 0 : i64, scratch_operands = 0 : i64, tpu.core_type = #tpu.core_type<tc>} {
    %get3A = arith.constant 0 : index
    %get3A_0 = arith.constant 0 : index
    %get3A_1 = vector.load %arg1[%get3A, %get3A_0] : memref<64x128xi32, #tpu.memory_space<vmem>>, vector<64x128xi32>
    %convert_element_type3A = arith.sitofp %get3A_1 : vector<64x128xi32> to vector<64x128xf32>
    %get3A_2 = arith.constant 0 : index
    %get3A_3 = arith.constant 0 : index
    %get3A_4 = arith.constant 0 : index
    %get3A_5 = vector.load %arg0[%get3A_2, %get3A_3, %get3A_4] : memref<64x128x768xf32, #tpu.memory_space<vmem>>, vector<64x128x768xf32>
    %broadcast_in_dim3A = vector.shape_cast %convert_element_type3A : vector<64x128xf32> to vector<64x128x1xf32>
    %mul3A = vector.broadcast %broadcast_in_dim3A : vector<64x128x1xf32> to vector<64x128x768xf32>
    %mul3A_6 = arith.mulf %get3A_5, %mul3A : vector<64x128x768xf32>
    %reduce_sum3A = arith.constant dense<0.000000e+00> : vector<64x768xf32>
    %reduce_sum3A_7 = vector.multi_reduction <add>, %mul3A_6, %reduce_sum3A [1] : vector<64x128x768xf32> to vector<64x768xf32>
    %reduce_sum3A_8 = arith.constant dense<0.000000e+00> : vector<64xf32>
    %reduce_sum3A_9 = vector.multi_reduction <add>, %convert_element_type3A, %reduce_sum3A_8 [1] : vector<64x128xf32> to vector<64xf32>
    %broadcast_in_dim3A_10 = vector.shape_cast %reduce_sum3A_9 : vector<64xf32> to vector<64x1xf32>
    %div3A = vector.broadcast %broadcast_in_dim3A_10 : vector<64x1xf32> to vector<64x768xf32>
    %div3A_11 = arith.divf %reduce_sum3A_7, %div3A : vector<64x768xf32>
    %swap3A = arith.constant 0 : index
    %swap3A_12 = arith.constant 0 : index
    %swap3A_13 = vector.load %arg2[%swap3A, %swap3A_12] : memref<64x768xf32, #tpu.memory_space<vmem>>, vector<64x768xf32>
    tpu.vector_store %arg2[%swap3A, %swap3A_12], %div3A_11 {strides = array<i32>} : memref<64x768xf32, #tpu.memory_space<vmem>>, vector<64x768xf32>,
    return
  }
}

</mosaic_0001>

<sc_bundles>
// kernel: kernel.5.cloned.1.call-start
scs
__scs_entry_jumppad:
0x0: {  	(pc) =	sbr.rel $0x88, $3  }
0x1: {  	(tag) =	ssettag $0x0;
	lr =	simm.s32 $0x1  }
0x2: {  	[smem:$0x3F9E] =	sst lr;
	_ =	strace $0xD0000000  }
0x3: {  	_ = 	snop  }
0x4: {  	_ = 	snop  }
0x5: {  	_ = 	snop  }
0x6: {  	_ = 	snop  }
0x7: {  	_ = 	snop  }
__scs_overlays_trampoline_lowered:
0x8: {  	[smem:$0x3FAD] =	sst s0  }
0x9: {  	[smem:$0x3FAE] =	sst s1  }
0xa: {  	[smem:$0x3FAF] =	sst s2  }
0xb: {  	[smem:$0x3FB0] =	sst s3  }
0xc: {  	[smem:$0x3FB1] =	sst s4  }
0xd: {  	[smem:$0x3FB2] =	sst s5  }
0xe: {  	[smem:$0x3FB3] =	sst s6  }
0xf: {  	[smem:$0x3FB4] =	sst s7  }
0x10: {  	[smem:$0x3FB5] =	sst s8  }
0x11: {  	[smem:$0x3FB6] =	sst s9;
	s0 =	simm.s32 @!p0 $0x0  }
0x12: {  	s1 =	sld [smem:$0x3F9C];
	s0 =	simm.s32 @p0 $0x1  }
0x13: {  	[smem:$0x3FB7] =	sst s0;
	s0 =	simm.s32 @!p1 $0x0  }
0x14: {  	s2 =	sld [smem:$0x3F9B];
	s0 =	simm.s32 @p1 $0x1  }
0x15: {  	[smem:$0x3FB8] =	sst s0;
	s0 =	simm.s32 @!p2 $0x0  }
0x16: {  	s3 =	sld [smem:$0x3FDB];
	s0 =	simm.s32 @p2 $0x1  }
0x17: {  	s4 =	simm.s32 $0x1BF5;
	[smem:$0x3FBA] =	sst s0  }
0x18: {  	s0 =	sld [smem:$0x3F9D];
	_ =	swait.ge [sflag:s4], $0x0  }
0x19: {  	s7 =	sld [smem:$0x3F9E]  }
0x1a: {  	s8 =	sadd.s32 $0xFFFFE003, lr  }
0x1b: {  	s9 =	sadd.s32 $0xFFFFFEF7, lr;
	s5 =	simm.s32 $0xFFFFFFFF;
	p2 =	slt.u32 s8, $0xFFFFF086  }
0x1c: {  	p1 =	slt.u32 s9, $0xF7A;
	s5 =	simm.s32 @!p2 $0x0  }
0x1d: {  	s5 =	simm.s32 @p1 $0x1;
	p0 =	seq.s32 s7, s2  }
0x1e: {  	s7 =	smul.u32 @!p0 $0xF7A, s2;
	p2 =	seq.s32 @!p0 s5, $0x0  }
0x1f: {  	s9 =	smul.u32 $0xF7A, s1;
	s8 =	simm.s32 @!p0 $0x1BF5;
	p2 =	por !p2, p0  }
0x20: {  	[sflag:s8] =	ssyncset.s32 @!p0 $0xFFFFF086;
	s6 =	sadd.s32 @!p0 s3, s7;
	s7 =	simm.s32 @!p0 $0x108  }
0x21: {  	s3 =	sadd.s32 s3, s9;
	s6 =	sadd.s32 @!p0 $0x88, s6;
	s7 =	simm.s32 @p2 $0x1082  }
0x22: {  	[simem:s7], [sflag:s8] =	dma.local @!p0 [hbm:s6], $0xF7A  }
0x23: {  	s9 =	sor.u32 $0xD0000000, s2;
	s6 =	simm.s32 $0x108;
	_ =	swait.ge @!p0 [sflag:s8], $0x0  }
0x24: {  	s3 =	sadd.s32 $0x88, s3;
	s6 =	simm.s32 @!p1 $0x1082;
	[sflag:s4] =	ssyncset.s32 $0xFFFFF086  }
0x25: {  	[simem:s6], [sflag:s4] =	dma.local [hbm:s3], $0xF7A  }
0x26: {  	[smem:$0x3F9E] =	sst s1;
	(tag) =	ssettag s2;
	_ =	strace s9  }
0x27: {  	s1 =	sld [smem:$0x3FAE]  }
0x28: {  	s2 =	sld [smem:$0x3FAF]  }
0x29: {  	s4 =	sld [smem:$0x3FB1]  }
0x2a: {  	p0 =	seq.s32 s5, $0x0;
	s5 =	sld [smem:$0x3FB2]  }
0x2b: {  	s6 =	sld [smem:$0x3FB3]  }
0x2c: {  	s7 =	sld [smem:$0x3FB4]  }
0x2d: {  	s3 =	simm.s32 $0x108;
	s8 =	sld [smem:$0x3FB5]  }
0x2e: {  	s3 =	simm.s32 @!p0 $0x1082;
	s9 =	sld [smem:$0x3FB6]  }
0x2f: {  	lr =	sadd.s32 s0, s3;
	s0 =	sld [smem:$0x3FAD]  }
0x30: {  	s3 =	sld [smem:$0x3FB0]  }
0x31: {  	[smem:$0x3FB9] =	sst s10  }
0x32: {  	s10 =	sld [smem:$0x3FB7];
	_ =	sdelay $0x3  }
0x33: {  	p0 =	seq.s32 s10, $0x1;
	s10 =	sld [smem:$0x3FB9];
	_ =	sdelay $0x3  }
0x34: {  	[smem:$0x3FB9] =	sst s10  }
0x35: {  	s10 =	sld [smem:$0x3FB8];
	_ =	sdelay $0x3  }
0x36: {  	p1 =	seq.s32 s10, $0x1;
	s10 =	sld [smem:$0x3FB9];
	_ =	sdelay $0x3  }
0x37: {  	[smem:$0x3FB9] =	sst s10  }
0x38: {  	s10 =	sld [smem:$0x3FBA]  }
0x39: {  	_ = 	snop;
	(pc) =	sbr.ind lr, $3  }
0x3a: {  	_ = 	snop  }
0x3b: {  	_ = 	snop  }
0x3c: {  	p2 =	seq.s32 s10, $0x1;
	s10 =	sld [smem:$0x3FB9]  }
0x3d: {  	_ =	shalt  }
0x3e: {  	_ =	shalt  }
0x3f: {  	_ =	shalt  }
0x40: {  	_ =	shalt  }
0x41: {  	_ =	shalt  }
0x42: {  	_ =	shalt  }
0x43: {  	_ =	shalt  }
0x44: {  	_ =	shalt  }
0x45: {  	_ =	shalt  }
0x46: {  	_ =	shalt  }
0x47: {  	_ =	shalt  }
0x48: {  	_ =	shalt  }
0x49: {  	_ =	shalt  }
0x4a: {  	_ =	shalt  }
0x4b: {  	_ =	shalt  }
0x4c: {  	_ =	shalt  }
0x4d: {  	_ =	shalt  }
0x4e: {  	_ =	shalt  }
0x4f: {  	_ =	shalt  }
0x50: {  	_ =	shalt  }
0x51: {  	_ =	shalt  }
0x52: {  	_ =	shalt  }
0x53: {  	_ =	shalt  }
0x54: {  	_ =	shalt  }
0x55: {  	_ =	shalt  }
0x56: {  	_ =	shalt  }
0x57: {  	_ =	shalt  }
0x58: {  	_ =	shalt  }
0x59: {  	_ =	shalt  }
0x5a: {  	_ =	shalt  }
0x5b: {  	_ =	shalt  }
0x5c: {  	_ =	shalt  }
0x5d: {  	_ =	shalt  }
0x5e: {  	_ =	shalt  }
0x5f: {  	_ =	shalt  }
0x60: {  	_ =	shalt  }
0x61: {  	_ =	shalt  }
0x62: {  	_ =	shalt  }
0x63: {  	_ =	shalt  }
0x64: {  	_ =	shalt  }
0x65: {  	_ =	shalt  }
0x66: {  	_ =	shalt  }
0x67: {  	_ =	shalt  }
0x68: {  	_ =	shalt  }
0x69: {  	_ =	shalt  }
0x6a: {  	_ =	shalt  }
0x6b: {  	_ =	shalt  }
0x6c: {  	_ =	shalt  }
0x6d: {  	_ =	shalt  }
0x6e: {  	_ =	shalt  }
0x6f: {  	_ =	shalt  }
0x70: {  	_ =	shalt  }
0x71: {  	_ =	shalt  }
0x72: {  	_ =	shalt  }
0x73: {  	_ =	shalt  }
0x74: {  	_ =	shalt  }
0x75: {  	_ =	shalt  }
0x76: {  	_ =	shalt  }
0x77: {  	_ =	shalt  }
0x78: {  	_ =	shalt  }
0x79: {  	_ =	shalt  }
0x7a: {  	_ =	shalt  }
0x7b: {  	_ =	shalt  }
0x7c: {  	_ =	shalt  }
0x7d: {  	_ =	shalt  }
0x7e: {  	_ =	shalt  }
0x7f: {  	_ =	shalt  }
0x80: {  	_ =	shalt  }
0x81: {  	_ =	shalt  }
0x82: {  	_ =	shalt  }
0x83: {  	_ =	shalt  }
0x84: {  	_ =	shalt  }
0x85: {  	_ =	shalt  }
0x86: {  	_ =	shalt  }
0x87: {  	_ =	shalt  }
.Lfunc_end0:
.L_simem_size_0:
called_computation_lowered:
.L_overlay_start_0:
0x88: {  	s2 =	sld [smem:$0x3FD9]  }
0x89: {  	s3 =	sld [smem:$0x3FFE];
	_ =	sdelay $0x1  }
0x8a: {  	s1 =	srdreg.scid  }
0x8b: {  	s0 =	sand.u32 $0x1, s1  }
0x8c: {  	s14 =	sshll.u32 s0, $0xA;
	s2 =	sadd.s32 s3, s2  }
0x8d: {  	s2 =	sadd.s32 s2, s14  }
0x8e: {  	[smem:$0x3FC5] =	sst s2  }
0x8f: {  	_ = 	snop  }
0x90: {  	s2 =	sld [smem:$0x3FD0];
	_ =	sdelay $0x2  }
0x91: {  	s15 =	simm.s32 $0xA;
	s4 =	simm.s32 $0x10  }
0x92: {  	[smem:s4], [sflag:s15] =	dma.local [hbm:s2], $0x1  }
0x93: {  	_ =	swait.eq [sflag:s15], $0x1  }
0x94: {  	[sflag:s15] =	ssyncset.done $0x0  }
0x95: {  	s16 =	sld [smem:$0x10];
	[sflag:s15] =	ssyncadd.s32 $0xFFFFFFFF  }
0x96: {  	s17 =	sld [smem:$0x11];
	(tm) =	ssettm $0x1  }
0x97: {  	s18 =	sld [smem:$0x3FFB];
	_ =	sdelay $0x3  }
0x98: {  	_ =	strace s18  }
0x99: {  	s4 =	sld [smem:$0x3FFC];
	_ =	sdelay $0x3  }
0x9a: {  	_ =	strace s4  }
0x9b: {  	s4 =	sld [smem:$0x3FFD];
	_ =	sdelay $0x3  }
0x9c: {  	_ =	strace s4  }
0x9d: {  	_ =	strace $0x8FFFFFFF  }
0x9e: {  	s19 =	sld [smem:$0x3FDB];
	_ =	sdelay $0x1  }
0x9f: {  	s5 =	simm.s32 $_scs_section_size  }
0xa0: {  	s6 =	simm.s32 $_size__tile_overlayer_lowered;
	s7 =	simm.s32 $_tile_overlayer_lowered  }
0xa1: {  	s22 =	simm.s32 $0x1BFF;
	s21 =	sshll.u32 s7, $0x1;
	s4 =	sadd.s32 s5, s19  }
0xa2: {  	s8 =	simm.s32 $0x0;
	s20 =	sshll.u32 s6, $0x1;
	s6 =	sadd.s32 s21, s4  }
0xa3: {  	[timem:s8], [sflag:s22] =	dma.local [hbm:s6], s20  }
0xa4: {  	_ =	swait.ge [sflag:s22], s20  }
0xa5: {  	s5 =	ssub.s32 $0x0, s20;
	[sflag:s22] =	ssyncset.done $0x0  }
0xa6: {  	[sflag:s22] =	ssyncadd.s32 s5;
	_ =	sdelay $0x1  }
0xa7: {  	s23 =	simm.s32 $0x1B8B  }
0xa8: {  	_ =	swait.ge [sflag:s23], $0x1  }
0xa9: {  	[sflag:s23] =	ssyncset.done $0x0  }
0xaa: {  	s25 =	simm.s32 $0x1B8E;
	s24 =	sld [smem:$0x3FFE];
	[sflag:s23] =	ssyncadd.s32 $0xFFFFFFFF  }
0xab: {  	s26 =	simm.s32 $execute0_lowered;
	[smem:$0x3FD2] =	sst s25  }
0xac: {  	s6 =	sshll.u32 s26, $0x1;
	_ =	strace $0x80000046;
	[dreg:$0x1] =	wrdreg $0xFFFFFFFF  }
0xad: {  	s28 =	simm.s32 $_size_execute0_lowered;
	s4 =	sadd.s32 s4, s6;
	[dreg:$0x0] =	wrdreg $0x0  }
0xae: {  	s6 =	sshll.u32 s28, $0x1;
	[dreg:$0x2] =	wrdreg s4  }
0xaf: {  	[dreg:$0x3] =	wrdreg s6  }
0xb0: {  	[dreg:$0x4] =	wrdreg $0xC0  }
0xb1: {  	_ =	task [dreg:s8], $0x5FFFF  }
0xb2: {  	[dreg:$0x1] =	wrdreg $0xFFFFFFFF  }
0xb3: {  	[dreg:$0x0] =	wrdreg $0x60  }
0xb4: {  	[dreg:$0x2] =	wrdreg s24  }
0xb5: {  	[dreg:$0x3] =	wrdreg s16  }
0xb6: {  	[dreg:$0x4] =	wrdreg s17  }
0xb7: {  	[dreg:$0x5] =	wrdreg $0x9  }
0xb8: {  	_ =	task.clear_ibuf [dreg:s8], $0x6FFFF;
	_ =	strace $0x90000046  }
0xb9: {  	s29 =	simm.s32 $0x9;
	_ =	strace $0x80000048  }
0xba: {  	_ =	swait.ge [sflag:s29], $0x1  }
0xbb: {  	[sflag:s29] =	ssyncadd.s32 $0xFFFFFFFF  }
0xbc: {  	_ =	strace $0x90000048  }
0xbd: {  	_ =	sfence  }
0xbe: {  	s30 =	sld [smem:$0x0];
	_ =	sdelay $0x2  }
0xbf: {  	s31 =	sshll.u32 s1, $0xD;
	s1 =	sshrl.u32 s1, $0x2  }
0xc0: {  	s3 =	sand.u32 $0x4000, s31;
	s1 =	sadd.s32 s1, s30  }
0xc1: {  	s0 =	sor.u32 s3, s0;
	s1 =	sshll.u32 s1, $0x11  }
0xc2: {  	s0 =	sor.u32 s1, s0  }
0xc3: {  	s0 =	sadd.s32 $0x8F2B, s0  }
0xc4: {  	[sflag:s0] =	ssyncadd.remote.s32 $0x1  }
0xc5: {  	_ =	sfence.sel $0xFFFF  }
0xc6: {  	[dreg:$0x0] =	wrdreg $0xFFFFFFFF;
	(pc) =	sbr.abs _section_cstart, $3  }
0xc7: {  	[dreg:$0x1] =	wrdreg $0xFFFFFFFF  }
0xc8: {  	_ =	task.clear_ibuf [dreg:s8], $0x2FFFF;
	_ =	strace $0x9FFFFFFF  }
0xc9: {  	(tm) =	ssettm $0x7FFFFFFF  }
tec
execute0_lowered:
.L_overlay_start_1:
0x0: {  	(tag) =	ssettag $0x1  }
0x1: {  	s0 =	rddreg [dreg:$0x0]  }
0x2: {  	s1 =	rddreg [dreg:$0x1];
	s3 =	simm.s32 $0x0  }
0x3: {  	[smem:$0x7FF] =	sst s3  }
0x4: {  	s2 =	rddreg [dreg:$0x2];
	v0 =	vimm.f32 $-3.000000010e+38;
	_ =	strace $0x80000047  }
0x5: {  	v1 =	vimm.s32 $0xFFFFFFFF;
	(xrf0) =	vmax.scan.msk.f32 $0xffff, v0  }
0x6: {  	(xrf0) =	vmin.scan.msk.u32 $0xffff, v1;
	_ =	sdelay $0x4  }
0x7: {  	v1, _, _ =	vpop (xrf0)  }
0x8: {  	v2, _, _ =	vpop (xrf0)  }
0x9: {  	(v2sf) =	vpush v2, $0xF;
	_ =	sdelay $0x7  }
0xa: {  	s5 =	srdreg.scid  }
0xb: {  	s4 =	stileid.u32;
	s13 =	simm.s32 $0x1;
	s14 =	simm.s32 $0x1900  }
0xc: {  	s15 =	simm.s32 $0x2;
	s16 =	simm.s32 $0x3E80;
	s17 =	simm.s32 $0x3F00  }
0xd: {  	s18 =	simm.s32 $0x3;
	s7 =	sand.u32 $0x1, s5;
	s9 =	sshrl.u32 s4, $0x1  }
0xe: {  	s19 =	simm.s32 $0x0;
	s8 =	ssub.s32 $0x2, s7;
	s5 =	smul.u32 $0xC8000, s9  }
.Ltmp0:
0xf: {  	s6 =	sadd.s32 $0x800, s0;
	s10 =	sshrl.u32 s8, $0x1;
	(pc) =	sbr.rel .LBB2_1-.Ltmp0, $4  }
0x10: {  	s30 =	sshll.u32 s4, $0x9;
	s11 =	sshll.u32 s7, $0x8;
	s29 =	ssub.s32 s8, s10  }
0x11: {  	s7 =	sadd.s32 $0x19000, s5;
	s8 =	sshll.u32 s9, $0xA;
	s12 =	spop (v2sf)  }
0x12: {  	v3 =	vimm.s32 $0x0;
	s10 =	sand.u32 $0x200, s30;
	s9 =	smax.u32 s29, $0x1;
	s31 =	sxor.u32 $0x80000000, s12  }
0x13: {  	v4 =	vlaneseq.u32;
	s10 =	sor.u32 s11, s10;
	s11 =	simm.s32 $0x80;
	v1 =	vbroadcast v1, $0xF;
	s12 =	simm.s32 $0x400;
	v2 =	vmov s31  }
.LBB2_57:
0x14: {  	s19 =	sadd.s32 $0x1, s19  }
0x15: {  	p0 =	sne.s32 s19, s9  }
.Ltmp1:
0x16: {  	_ = 	snop;
	(pc) =	sbr.rel @!p0 .LBB2_58-.Ltmp1, $1  }
0x17: {  	_ =	sdelay $0x3  }
.LBB2_1:
.Ltmp2:
0x18: {  	(pc) =	sbr.rel .LBB2_2-.Ltmp2, $2  }
0x19: {  	_ =	sdelay $0x2  }
0x1a: {  	p1 =	por $0x1, $0x1;
	s20 =	simm.s32 $0x0  }
.LBB2_56:
0x1b: {  	s0 =	sor.u32 s8, s20  }
0x1c: {  	s0 =	sshrl.u32 s0, $0x3  }
0x1d: {  	s4 =	sadd.s32 s1, s0  }
0x1e: {  	[hbm4b:s4+s3] =	stream.linear.scatter [tilespmem:s16], [sflag:$0x3], $0x80, $0x38;
	[tilespmem:$0x3F80] =	vst v63  }
0x1f: {  	_ =	swait.ge [sflag:s18], $0x80  }
0x20: {  	[sflag:s18] =	ssyncset.done $0x0  }
.Ltmp3:
0x21: {  	s0 =	sadd.s32 s2, s0;
	[sflag:s18] =	ssyncadd.s32 $0xFFFFFF80;
	(pc) =	sbr.rel @!p0 .LBB2_57-.Ltmp3, $4  }
0x22: {  	[hbm4b:s0+s3] =	stream.linear.scatter [tilespmem:s17], [sflag:$0x3], $0x80, $0x38;
	[tilespmem:$0x3F80] =	vst v63  }
0x23: {  	_ =	swait.ge [sflag:s18], $0x80  }
0x24: {  	[sflag:s18] =	ssyncset.done $0x0  }
0x25: {  	s20 =	simm.s32 $0x80;
	p1 =	por $0x0, $0x0;
	[sflag:s18] =	ssyncadd.s32 $0xFFFFFF80  }
.LBB2_2:
0x26: {  	[tilespmem:$0x3200] =	vst v0  }
0x27: {  	[tilespmem:$0x3210] =	vst v0  }
0x28: {  	[tilespmem:$0x3220] =	vst v0  }
0x29: {  	[tilespmem:$0x3230] =	vst v0  }
0x2a: {  	[tilespmem:$0x3240] =	vst v0  }
0x2b: {  	[tilespmem:$0x3250] =	vst v0  }
0x2c: {  	[tilespmem:$0x3260] =	vst v0  }
0x2d: {  	[tilespmem:$0x3270] =	vst v0  }
0x2e: {  	[tilespmem:$0x3280] =	vst v0  }
0x2f: {  	[tilespmem:$0x3290] =	vst v0  }
0x30: {  	[tilespmem:$0x32A0] =	vst v0  }
0x31: {  	[tilespmem:$0x32B0] =	vst v0  }
0x32: {  	[tilespmem:$0x32C0] =	vst v0  }
0x33: {  	[tilespmem:$0x32D0] =	vst v0  }
0x34: {  	[tilespmem:$0x32E0] =	vst v0  }
0x35: {  	[tilespmem:$0x32F0] =	vst v0  }
0x36: {  	[tilespmem:$0x3300] =	vst v0  }
0x37: {  	[tilespmem:$0x3310] =	vst v0  }
0x38: {  	[tilespmem:$0x3320] =	vst v0  }
0x39: {  	[tilespmem:$0x3330] =	vst v0  }
0x3a: {  	[tilespmem:$0x3340] =	vst v0  }
0x3b: {  	[tilespmem:$0x3350] =	vst v0  }
0x3c: {  	[tilespmem:$0x3360] =	vst v0  }
0x3d: {  	[tilespmem:$0x3370] =	vst v0  }
0x3e: {  	[tilespmem:$0x3380] =	vst v0  }
0x3f: {  	[tilespmem:$0x3390] =	vst v0  }
0x40: {  	[tilespmem:$0x33A0] =	vst v0  }
0x41: {  	[tilespmem:$0x33B0] =	vst v0  }
0x42: {  	[tilespmem:$0x33C0] =	vst v0  }
0x43: {  	[tilespmem:$0x33D0] =	vst v0  }
0x44: {  	[tilespmem:$0x33E0] =	vst v0  }
0x45: {  	[tilespmem:$0x33F0] =	vst v0  }
0x46: {  	[tilespmem:$0x3400] =	vst v0  }
0x47: {  	[tilespmem:$0x3410] =	vst v0  }
0x48: {  	[tilespmem:$0x3420] =	vst v0  }
0x49: {  	[tilespmem:$0x3430] =	vst v0  }
.Ltmp4:
0x4a: {  	[tilespmem:$0x3440] =	vst v0;
	s20 =	sor.u32 s10, s20;
	(pc) =	sbr.rel .LBB2_3-.Ltmp4, $4  }
0x4b: {  	[tilespmem:$0x3450] =	vst v0;
	s29 =	simm.s32 $0x0;
	s0 =	sor.u32 s5, s20  }
0x4c: {  	[tilespmem:$0x3460] =	vst v0;
	p0 =	por p1, p1;
	s25 =	simm.f32 $-3.000000010e+38;
	s0 =	sshrl.u32 s0, $0x3  }
0x4d: {  	[tilespmem:$0x3470] =	vst v0;
	s23 =	simm.s32 $0x0;
	s22 =	sor.u32 s20, s7;
	s21 =	sadd.s32 s6, s0  }
0x4e: {  	[tilespmem:s29], [sflag:$0x1] =	stream.strided.gather [hbm4b:s21+s11], $0x1900, s12, s11, $0x38;
	[tilespmem:$0x3F80] =	vst v63  }
.LBB2_35:
0x4f: {  	s23 =	sadd.s32 $0x1, s23  }
0x50: {  	p1 =	sne.s32 s23, $0x8  }
.Ltmp5:
0x51: {  	_ = 	snop;
	(pc) =	sbr.rel @!p1 .LBB2_36-.Ltmp5, $1  }
0x52: {  	_ =	sdelay $0x3  }
.LBB2_3:
0x53: {  	s26 =	smul.u32 $0x3200, s23  }
.Ltmp6:
0x54: {  	_ = 	snop;
	(pc) =	sbr.rel .LBB2_4-.Ltmp6, $4  }
0x55: {  	_ =	swait.ge [sflag:s13], $0x1900  }
0x56: {  	[sflag:s13] =	ssyncset.done $0x0;
	s24 =	sadd.s32 $0x1900, s26  }
0x57: {  	s28 =	simm.s32 $0x0;
	[sflag:s13] =	ssyncadd.s32 $0xFFFFE700;
	s0 =	sadd.s32 s21, s24  }
0x58: {  	[tilespmem:s14], [sflag:$0x2] =	stream.strided.gather [hbm4b:s0+s11], $0x1900, s12, s11, $0x38;
	[tilespmem:$0x3F80] =	vst v63  }
.LBB2_18:
0x59: {  	s28 =	sadd.s32 $0x1, s28  }
0x5a: {  	p1 =	sne.s32 s28, $0x19  }
.Ltmp7:
0x5b: {  	_ = 	snop;
	(pc) =	sbr.rel @!p1 .LBB2_19-.Ltmp7, $1  }
0x5c: {  	_ =	sdelay $0x3  }
.LBB2_4:
0x5d: {  	s30 =	sshll.u32 s28, $0x8  }
0x5e: {  	v5 =	vld [tilespmem:s30+$0x0]  }
0x5f: {  	v6 =	vld [tilespmem:s30+$0x10]  }
0x60: {  	v7 =	vld [tilespmem:s30+$0x20]  }
0x61: {  	v8 =	vld [tilespmem:s30+$0x30]  }
0x62: {  	v9 =	vld [tilespmem:s30+$0x40]  }
0x63: {  	v11 =	vld [tilespmem:s30+$0x50];
	v10 =	vmax.f32 v5, $-3.000000010e+38  }
0x64: {  	v56 =	vld [tilespmem:s30+$0x60];
	v6 =	vmax.f32 v10, v6  }
0x65: {  	v6 =	vmax.f32 v6, v7;
	v7 =	vld [tilespmem:s30+$0x70]  }
0x66: {  	v57 =	vld [tilespmem:s30+$0x80];
	v6 =	vmax.f32 v6, v8  }
0x67: {  	v58 =	vld [tilespmem:s30+$0x90];
	v6 =	vmax.f32 v6, v9  }
0x68: {  	v59 =	vld [tilespmem:s30+$0xA0];
	v6 =	vmax.f32 v6, v11  }
0x69: {  	v60 =	vld [tilespmem:s30+$0xB0];
	v6 =	vmax.f32 v6, v56  }
0x6a: {  	v6 =	vmax.f32 v6, v7;
	v7 =	vld [tilespmem:s30+$0xC0]  }
0x6b: {  	v61 =	vld [tilespmem:s30+$0xD0];
	v6 =	vmax.f32 v6, v57  }
0x6c: {  	v62 =	vld [tilespmem:s30+$0xE0];
	v6 =	vmax.f32 v6, v58  }
0x6d: {  	v63 =	vld [tilespmem:s30+$0xF0];
	v6 =	vmax.f32 v6, v59  }
0x6e: {  	v6 =	vmax.f32 v6, v60  }
0x6f: {  	v6 =	vmax.f32 v6, v7  }
0x70: {  	v6 =	vmax.f32 v6, v61  }
0x71: {  	v6 =	vmax.f32 v6, v62  }
0x72: {  	v6 =	vmax.f32 v6, v63  }
0x73: {  	(xrf0) =	vmax.scan.msk.f32 $0xffff, v6;
	_ =	sdelay $0x5  }
0x74: {  	v6, _, _ =	vpop (xrf0)  }
0x75: {  	(v2sf) =	vpush v6, $0xF;
	_ =	sdelay $0xe  }
0x76: {  	s0 =	spop (v2sf)  }
0x77: {  	p1 =	sge.f32 s0, s25  }
.Ltmp8:
0x78: {  	_ = 	snop;
	(pc) =	sbr.rel @!p1 .LBB2_6-.Ltmp8, $1  }
0x79: {  	_ =	sdelay $0x3  }
0x7a: {  	vm0 =	vge.f32 v5, s25;
	s31 =	sadd.s32 s26, s30  }
0x7b: {  	v6 =	vor.u32 s31, v4;
	[tilespmem:s29+$0x3200] =	vst.msk vm0, v5;
	v5 =	vsel vm0, $0x1, v3  }
0x7c: {  	[tilespmem:s29+$0x3480] =	vst.msk vm0, v6;
	(xrf0) =	vadd.scan.msk.s32 $0xffff, v5  }
0x7d: {  	v5 =	vld [tilespmem:s30+$0x10];
	_ =	sdelay $0x4  }
0x7e: {  	v6, _, _ =	vpop (xrf0);
	vm13 =	vge.f32 v5, s25  }
0x7f: {  	(v2sf) =	vpush v6, $0xF;
	v6 =	vsel vm13, $0x1, v3  }
0x80: {  	(xrf0) =	vadd.scan.msk.s32 $0xffff, v6;
	_ =	sdelay $0x5  }
0x81: {  	v6, _, _ =	vpop (xrf0)  }
0x82: {  	(v2sf) =	vpush v6, $0xF;
	_ =	sdelay $0x6  }
0x83: {  	s0 =	spop (v2sf)  }
0x84: {  	s0 =	sadd.s32 s29, s0;
	s29 =	sor.u32 $0x10, s31  }
0x85: {  	v6 =	vor.u32 s29, v4;
	[tilespmem:s0+$0x3200] =	vst.msk vm13, v5  }
0x86: {  	[tilespmem:s0+$0x3480] =	vst.msk vm13, v6  }
0x87: {  	v5 =	vld [tilespmem:s30+$0x20];
	_ =	sdelay $0x3  }
0x88: {  	s29 =	spop (v2sf)  }
0x89: {  	s0 =	sadd.s32 s0, s29;
	vm14 =	vge.f32 v5, s25;
	s29 =	sor.u32 $0x20, s31  }
0x8a: {  	v6 =	vor.u32 s29, v4;
	[tilespmem:s0+$0x3200] =	vst.msk vm14, v5;
	v5 =	vsel vm14, $0x1, v3  }
0x8b: {  	[tilespmem:s0+$0x3480] =	vst.msk vm14, v6;
	(xrf0) =	vadd.scan.msk.s32 $0xffff, v5  }
0x8c: {  	v5 =	vld [tilespmem:s30+$0x30];
	_ =	sdelay $0x4  }
0x8d: {  	v6, _, _ =	vpop (xrf0);
	vm15 =	vge.f32 v5, s25  }
0x8e: {  	(v2sf) =	vpush v6, $0xF;
	v6 =	vsel vm15, $0x1, v3  }
0x8f: {  	(xrf0) =	vadd.scan.msk.s32 $0xffff, v6;
	_ =	sdelay $0x5  }
0x90: {  	v6, _, _ =	vpop (xrf0)  }
0x91: {  	(v2sf) =	vpush v6, $0xF;
	_ =	sdelay $0x6  }
0x92: {  	s29 =	spop (v2sf)  }
0x93: {  	s0 =	sadd.s32 s0, s29;
	s29 =	sor.u32 $0x30, s31  }
0x94: {  	v6 =	vor.u32 s29, v4;
	[tilespmem:s0+$0x3200] =	vst.msk vm15, v5  }
0x95: {  	[tilespmem:s0+$0x3480] =	vst.msk vm15, v6  }
0x96: {  	v5 =	vld [tilespmem:s30+$0x40];
	_ =	sdelay $0x3  }
0x97: {  	s29 =	spop (v2sf)  }
0x98: {  	s0 =	sadd.s32 s0, s29;
	vm4 =	vge.f32 v5, s25;
	s29 =	sor.u32 $0x40, s31  }
0x99: {  	v6 =	vor.u32 s29, v4;
	[tilespmem:s0+$0x3200] =	vst.msk vm4, v5;
	v5 =	vsel vm4, $0x1, v3  }
0x9a: {  	[tilespmem:s0+$0x3480] =	vst.msk vm4, v6;
	(xrf0) =	vadd.scan.msk.s32 $0xffff, v5  }
0x9b: {  	v5 =	vld [tilespmem:s30+$0x50];
	_ =	sdelay $0x4  }
0x9c: {  	v6, _, _ =	vpop (xrf0);
	vm5 =	vge.f32 v5, s25  }
0x9d: {  	(v2sf) =	vpush v6, $0xF;
	v6 =	vsel vm5, $0x1, v3  }
0x9e: {  	(xrf0) =	vadd.scan.msk.s32 $0xffff, v6;
	_ =	sdelay $0x5  }
0x9f: {  	v6, _, _ =	vpop (xrf0)  }
0xa0: {  	(v2sf) =	vpush v6, $0xF;
	_ =	sdelay $0x6  }
0xa1: {  	s29 =	spop (v2sf)  }
0xa2: {  	s0 =	sadd.s32 s0, s29;
	s29 =	sor.u32 $0x50, s31  }
0xa3: {  	v6 =	vor.u32 s29, v4;
	[tilespmem:s0+$0x3200] =	vst.msk vm5, v5  }
0xa4: {  	[tilespmem:s0+$0x3480] =	vst.msk vm5, v6  }
0xa5: {  	v5 =	vld [tilespmem:s30+$0x60];
	_ =	sdelay $0x3  }
0xa6: {  	s29 =	spop (v2sf)  }
0xa7: {  	s0 =	sadd.s32 s0, s29;
	vm6 =	vge.f32 v5, s25;
	s29 =	sor.u32 $0x60, s31  }
0xa8: {  	v6 =	vor.u32 s29, v4;
	[tilespmem:s0+$0x3200] =	vst.msk vm6, v5;
	v5 =	vsel vm6, $0x1, v3  }
0xa9: {  	[tilespmem:s0+$0x3480] =	vst.msk vm6, v6;
	(xrf0) =	vadd.scan.msk.s32 $0xffff, v5  }
0xaa: {  	v5 =	vld [tilespmem:s30+$0x70];
	_ =	sdelay $0x4  }
0xab: {  	v6, _, _ =	vpop (xrf0);
	vm7 =	vge.f32 v5, s25  }
0xac: {  	(v2sf) =	vpush v6, $0xF;
	v6 =	vsel vm7, $0x1, v3  }
0xad: {  	(xrf0) =	vadd.scan.msk.s32 $0xffff, v6;
	_ =	sdelay $0x5  }
0xae: {  	v6, _, _ =	vpop (xrf0)  }
0xaf: {  	(v2sf) =	vpush v6, $0xF;
	_ =	sdelay $0x6  }
0xb0: {  	s29 =	spop (v2sf)  }
0xb1: {  	s0 =	sadd.s32 s0, s29;
	s29 =	sor.u32 $0x70, s31  }
0xb2: {  	v6 =	vor.u32 s29, v4;
	[tilespmem:s0+$0x3200] =	vst.msk vm7, v5  }
0xb3: {  	[tilespmem:s0+$0x3480] =	vst.msk vm7, v6  }
0xb4: {  	v5 =	vld [tilespmem:s30+$0x80];
	_ =	sdelay $0x3  }
0xb5: {  	s29 =	spop (v2sf)  }
0xb6: {  	s0 =	sadd.s32 s0, s29;
	vm8 =	vge.f32 v5, s25;
	s29 =	sor.u32 $0x80, s31  }
0xb7: {  	v6 =	vor.u32 s29, v4;
	[tilespmem:s0+$0x3200] =	vst.msk vm8, v5;
	v5 =	vsel vm8, $0x1, v3  }
0xb8: {  	[tilespmem:s0+$0x3480] =	vst.msk vm8, v6;
	(xrf0) =	vadd.scan.msk.s32 $0xffff, v5  }
0xb9: {  	v5 =	vld [tilespmem:s30+$0x90];
	_ =	sdelay $0x4  }
0xba: {  	v6, _, _ =	vpop (xrf0);
	vm9 =	vge.f32 v5, s25  }
0xbb: {  	(v2sf) =	vpush v6, $0xF;
	v6 =	vsel vm9, $0x1, v3  }
0xbc: {  	(xrf0) =	vadd.scan.msk.s32 $0xffff, v6;
	_ =	sdelay $0x5  }
0xbd: {  	v6, _, _ =	vpop (xrf0)  }
0xbe: {  	(v2sf) =	vpush v6, $0xF;
	_ =	sdelay $0x6  }
0xbf: {  	s29 =	spop (v2sf)  }
0xc0: {  	s0 =	sadd.s32 s0, s29;
	s29 =	sor.u32 $0x90, s31  }
0xc1: {  	v6 =	vor.u32 s29, v4;
	[tilespmem:s0+$0x3200] =	vst.msk vm9, v5  }
0xc2: {  	[tilespmem:s0+$0x3480] =	vst.msk vm9, v6  }
0xc3: {  	v5 =	vld [tilespmem:s30+$0xA0];
	_ =	sdelay $0x3  }
0xc4: {  	s29 =	spop (v2sf)  }
0xc5: {  	s0 =	sadd.s32 s0, s29;
	vm10 =	vge.f32 v5, s25;
	s29 =	sor.u32 $0xA0, s31  }
0xc6: {  	v6 =	vor.u32 s29, v4;
	[tilespmem:s0+$0x3200] =	vst.msk vm10, v5;
	v5 =	vsel vm10, $0x1, v3  }
0xc7: {  	[tilespmem:s0+$0x3480] =	vst.msk vm10, v6;
	(xrf0) =	vadd.scan.msk.s32 $0xffff, v5  }
0xc8: {  	v5 =	vld [tilespmem:s30+$0xB0];
	_ =	sdelay $0x4  }
0xc9: {  	v6, _, _ =	vpop (xrf0);
	vm11 =	vge.f32 v5, s25  }
0xca: {  	(v2sf) =	vpush v6, $0xF;
	v6 =	vsel vm11, $0x1, v3  }
0xcb: {  	(xrf0) =	vadd.scan.msk.s32 $0xffff, v6;
	_ =	sdelay $0x5  }
0xcc: {  	v6, _, _ =	vpop (xrf0)  }
0xcd: {  	(v2sf) =	vpush v6, $0xF;
	_ =	sdelay $0x6  }
0xce: {  	s29 =	spop (v2sf)  }
0xcf: {  	s0 =	sadd.s32 s0, s29;
	s29 =	sor.u32 $0xB0, s31  }
0xd0: {  	v6 =	vor.u32 s29, v4;
	[tilespmem:s0+$0x3200] =	vst.msk vm11, v5  }
0xd1: {  	[tilespmem:s0+$0x3480] =	vst.msk vm11, v6  }
0xd2: {  	v5 =	vld [tilespmem:s30+$0xC0];
	_ =	sdelay $0x3  }
0xd3: {  	s29 =	spop (v2sf)  }
0xd4: {  	s0 =	sadd.s32 s0, s29;
	vm12 =	vge.f32 v5, s25;
	s29 =	sor.u32 $0xC0, s31  }
0xd5: {  	v6 =	vor.u32 s29, v4;
	[tilespmem:s0+$0x3200] =	vst.msk vm12, v5;
	v5 =	vsel vm12, $0x1, v3  }
0xd6: {  	[tilespmem:s0+$0x3480] =	vst.msk vm12, v6;
	(xrf0) =	vadd.scan.msk.s32 $0xffff, v5  }
0xd7: {  	v5 =	vld [tilespmem:s30+$0xD0];
	_ =	sdelay $0x4  }
0xd8: {  	v6, _, _ =	vpop (xrf0);
	vm13 =	vge.f32 v5, s25  }
0xd9: {  	(v2sf) =	vpush v6, $0xF;
	v6 =	vsel vm13, $0x1, v3  }
0xda: {  	(xrf0) =	vadd.scan.msk.s32 $0xffff, v6;
	_ =	sdelay $0x5  }
0xdb: {  	v6, _, _ =	vpop (xrf0)  }
0xdc: {  	(v2sf) =	vpush v6, $0xF;
	_ =	sdelay $0x6  }
0xdd: {  	s29 =	spop (v2sf)  }
0xde: {  	s0 =	sadd.s32 s0, s29;
	s29 =	sor.u32 $0xD0, s31  }
0xdf: {  	v6 =	vor.u32 s29, v4;
	[tilespmem:s0+$0x3200] =	vst.msk vm13, v5  }
0xe0: {  	[tilespmem:s0+$0x3480] =	vst.msk vm13, v6  }
0xe1: {  	v5 =	vld [tilespmem:s30+$0xE0];
	_ =	sdelay $0x3  }
0xe2: {  	s29 =	spop (v2sf)  }
0xe3: {  	s0 =	sadd.s32 s0, s29;
	vm14 =	vge.f32 v5, s25;
	s29 =	sor.u32 $0xE0, s31  }
0xe4: {  	v6 =	vor.u32 s29, v4;
	[tilespmem:s0+$0x3200] =	vst.msk vm14, v5  }
0xe5: {  	[tilespmem:s0+$0x3480] =	vst.msk vm14, v6  }
0xe6: {  	v5 =	vld [tilespmem:s30+$0xF0];
	_ =	sdelay $0x3  }
0xe7: {  	v6 =	vsel vm14, $0x1, v3  }
0xe8: {  	(xrf0) =	vadd.scan.msk.s32 $0xffff, v6;
	vm15 =	vge.f32 v5, s25  }
0xe9: {  	v6 =	vsel vm15, $0x1, v3  }
0xea: {  	(xrf0) =	vadd.scan.msk.s32 $0xffff, v6;
	_ =	sdelay $0x3  }
0xeb: {  	v6, _, _ =	vpop (xrf0)  }
0xec: {  	(v2sf) =	vpush v6, $0xF  }
0xed: {  	v6, _, _ =	vpop (xrf0)  }
0xee: {  	(v2sf) =	vpush v6, $0xF;
	_ =	sdelay $0xc  }
0xef: {  	s29 =	spop (v2sf)  }
0xf0: {  	s0 =	sadd.s32 s0, s29;
	s29 =	sor.u32 $0xF0, s31  }
0xf1: {  	v6 =	vor.u32 s29, v4;
	[tilespmem:s0+$0x3200] =	vst.msk vm15, v5;
	s29 =	spop (v2sf)  }
0xf2: {  	[tilespmem:s0+$0x3480] =	vst.msk vm15, v6;
	s29 =	sadd.s32 s0, s29  }
.LBB2_6:
0xf3: {  	p1 =	slt.s32 s29, $0x101  }
.Ltmp9:
0xf4: {  	_ = 	snop;
	(pc) =	sbr.rel @p1 .LBB2_18-.Ltmp9, $2  }
0xf5: {  	_ =	sdelay $0x2  }
0xf6: {  	s30 =	simm.s32 $0x0  }
0xf7: {  	s0 =	simm.s32 $0x0  }
0xf8: {  	v5 =	vld [tilespmem:s0+$0x3200]  }
0xf9: {  	s25 =	simm.s32 $0x40  }
.LBB2_8:
0xfa: {  	p1 =	sne.s32 s25, $0x9C0  }
.Ltmp10:
0xfb: {  	_ = 	snop;
	(pc) =	sbr.rel @p1 .LBB2_8-.Ltmp10, $4  }
0xfc: {  	_ = 	snop  }
0xfd: {  	s29 =	sshra.s32 s25, $0x2;
	s25 =	sadd.s32 $0x40, s25;
	vm0 =	vlt.s32 v5, $0x0;
	v6 =	vxor.u32 $0xFFFFFFFF, v5;
	v7 =	vor.u32 $0x80000000, v5  }
0xfe: {  	v5 =	vld [tilespmem:s29+$0x3200];
	v6 =	vsel vm0, v6, v7  }
0xff: {  	[tilespmem:s0+$0x3700] =	vst v6;
	s0 =	smov.u32 s29  }
0x100: {  	_ =	sdelay $0x2  }
0x101: {  	vm0 =	vlt.s32 v5, $0x0;
	v6 =	vxor.u32 $0xFFFFFFFF, v5;
	v5 =	vor.u32 $0x80000000, v5  }
0x102: {  	v5 =	vsel vm0, v6, v5  }
0x103: {  	s29 =	simm.s32 $0xFF800000;
	s25 =	simm.s32 $0x0;
	[tilespmem:s0+$0x3700] =	vst v5  }
.LBB2_10:
0x104: {  	s0 =	ssub.s32 s29, s30  }
0x105: {  	s0 =	sadd.s32 $0x1, s0  }
0x106: {  	s4 =	simm.s32 $0x0;
	s0 =	sshrl.u32 s0, $0x1  }
0x107: {  	v7 =	vld [tilespmem:s4+$0x3700];
	s31 =	sadd.s32 s30, s0  }
0x108: {  	v5 =	vimm.s32 $0x0;
	s0 =	simm.s32 $0x40;
	v6 =	vmov s31  }
.LBB2_11:
0x109: {  	p1 =	sne.s32 s0, $0x9C0  }
.Ltmp11:
0x10a: {  	_ = 	snop;
	(pc) =	sbr.rel @p1 .LBB2_11-.Ltmp11, $4  }
0x10b: {  	_ = 	snop  }
0x10c: {  	s4 =	sshra.s32 s0, $0x2;
	s0 =	sadd.s32 $0x40, s0;
	vm0 =	vge.u32 v7, v6  }
0x10d: {  	v7 =	vld [tilespmem:s4+$0x3700];
	v8 =	vsel vm0, $0x1, v3  }
0x10e: {  	v5 =	vadd.s32 v8, v5  }
0x10f: {  	_ =	sdelay $0x2  }
0x110: {  	vm0 =	vge.u32 v7, v6  }
0x111: {  	v6 =	vsel vm0, $0x1, v3  }
0x112: {  	v5 =	vadd.s32 v6, v5  }
0x113: {  	(xrf0) =	vadd.scan.msk.s32 $0xffff, v5;
	_ =	sdelay $0x5  }
0x114: {  	v5, _, _ =	vpop (xrf0)  }
0x115: {  	(v2sf) =	vpush v5, $0xF;
	_ =	sdelay $0xb  }
0x116: {  	s25 =	sadd.s32 $0x1, s25  }
0x117: {  	p2 =	sne.s32 s25, $0x20  }
.Ltmp12:
0x118: {  	_ = 	snop;
	(pc) =	sbr.rel @p2 .LBB2_10-.Ltmp12, $4  }
0x119: {  	s0 =	spop (v2sf)  }
0x11a: {  	p1 =	sgt.s32 s0, $0x3F;
	s0 =	sadd.s32 $0xFFFFFFFF, s31  }
0x11b: {  	s0 =	smov.u32 @p1 s29  }
0x11c: {  	s30 =	smov.u32 @p1 s31;
	s29 =	smov.u32 s0  }
0x11d: {  	[tilespmem:$0x3980] =	vst v0  }
0x11e: {  	[tilespmem:$0x3990] =	vst v0  }
0x11f: {  	[tilespmem:$0x39A0] =	vst v0  }
0x120: {  	[tilespmem:$0x39B0] =	vst v0  }
0x121: {  	[tilespmem:$0x39C0] =	vst v0  }
0x122: {  	[tilespmem:$0x39D0] =	vst v0  }
0x123: {  	[tilespmem:$0x39E0] =	vst v0  }
0x124: {  	[tilespmem:$0x39F0] =	vst v0  }
0x125: {  	[tilespmem:$0x3A00] =	vst v0  }
0x126: {  	[tilespmem:$0x3A10] =	vst v0  }
0x127: {  	[tilespmem:$0x3A20] =	vst v0  }
0x128: {  	[tilespmem:$0x3A30] =	vst v0  }
0x129: {  	[tilespmem:$0x3A40] =	vst v0  }
0x12a: {  	[tilespmem:$0x3A50] =	vst v0  }
0x12b: {  	[tilespmem:$0x3A60] =	vst v0  }
0x12c: {  	[tilespmem:$0x3A70] =	vst v0  }
0x12d: {  	[tilespmem:$0x3A80] =	vst v0  }
0x12e: {  	[tilespmem:$0x3A90] =	vst v0  }
0x12f: {  	[tilespmem:$0x3AA0] =	vst v0  }
0x130: {  	[tilespmem:$0x3AB0] =	vst v0  }
0x131: {  	[tilespmem:$0x3AC0] =	vst v0  }
0x132: {  	[tilespmem:$0x3AD0] =	vst v0  }
0x133: {  	[tilespmem:$0x3AE0] =	vst v0  }
0x134: {  	[tilespmem:$0x3AF0] =	vst v0  }
0x135: {  	[tilespmem:$0x3B00] =	vst v0  }
0x136: {  	[tilespmem:$0x3B10] =	vst v0  }
0x137: {  	[tilespmem:$0x3B20] =	vst v0  }
0x138: {  	[tilespmem:$0x3B30] =	vst v0  }
0x139: {  	[tilespmem:$0x3B40] =	vst v0  }
0x13a: {  	[tilespmem:$0x3B50] =	vst v0  }
0x13b: {  	[tilespmem:$0x3B60] =	vst v0  }
0x13c: {  	[tilespmem:$0x3B70] =	vst v0  }
0x13d: {  	[tilespmem:$0x3B80] =	vst v0  }
0x13e: {  	[tilespmem:$0x3B90] =	vst v0;
	v5 =	vmov s30  }
0x13f: {  	[tilespmem:$0x3BA0] =	vst v0;
	v6 =	vand.u32 $0x7FFFFFFF, v5;
	v7 =	vxor.u32 $0xFFFFFFFF, v5;
	vm0 =	vlt.s32 v5, $0x0  }
0x140: {  	[tilespmem:$0x3BB0] =	vst v0;
	v5 =	vsel vm0, v6, v7  }
0x141: {  	[tilespmem:$0x3BC0] =	vst v0;
	(xrf0) =	vmax.scan.msk.f32 $0xffff, v5  }
0x142: {  	[tilespmem:$0x3BD0] =	vst v0  }
0x143: {  	[tilespmem:$0x3BE0] =	vst v0  }
0x144: {  	[tilespmem:$0x3BF0] =	vst v0;
	s25 =	simm.s32 $0x0  }
0x145: {  	v7 =	vld [tilespmem:s25+$0x3200];
	_ =	sdelay $0x1  }
0x146: {  	v5, _, _ =	vpop (xrf0)  }
0x147: {  	v6 =	vbroadcast v5, $0xF;
	_ =	sdelay $0x1  }
0x148: {  	vm15 =	vge.f32 v7, v6  }
0x149: {  	v8 =	vsel vm15, $0x1, v3  }
0x14a: {  	(xrf0) =	vadd.scan.msk.s32 $0xffff, v8;
	_ =	sdelay $0x3  }
0x14b: {  	v8 =	vld [tilespmem:s25+$0x3480];
	_ =	sdelay $0x1  }
0x14c: {  	v9, _, _ =	vpop (xrf0)  }
0x14d: {  	s29 =	simm.s32 $0x0;
	(v2sf) =	vpush v9, $0xF  }
0x14e: {  	[tilespmem:s29+$0x3980] =	vst.msk vm15, v7  }
0x14f: {  	s30 =	simm.s32 $0x40;
	s0 =	simm.s32 $0x10;
	s31 =	simm.s32 $0x80;
	[tilespmem:s29+$0x3C00] =	vst.msk vm15, v8  }
.LBB2_14:
0x150: {  	p1 =	sne.s32 s31, $0x9C0;
	v7 =	vld [tilespmem:s0+$0x3200];
	_ =	sdelay $0x4  }
0x151: {  	vm0 =	vge.f32 v7, v6  }
0x152: {  	v8 =	vsel vm0, $0x1, v3  }
0x153: {  	(xrf0) =	vadd.scan.msk.s32 $0xffff, v8;
	_ =	sdelay $0x2  }
0x154: {  	v8 =	vld [tilespmem:s0+$0x3480];
	_ =	sdelay $0x1  }
.Ltmp13:
0x155: {  	s0 =	spop (v2sf);
	(pc) =	sbr.rel @p1 .LBB2_14-.Ltmp13, $4  }
0x156: {  	v9, _, _ =	vpop (xrf0);
	s29 =	sadd.s32 s29, s0  }
0x157: {  	[tilespmem:s29+$0x3980] =	vst.msk vm0, v7;
	(v2sf) =	vpush v9, $0xF  }
0x158: {  	[tilespmem:s29+$0x3C00] =	vst.msk vm0, v8  }
0x159: {  	s0 =	sshra.s32 s31, $0x2;
	s31 =	sadd.s32 $0x40, s31  }
0x15a: {  	v7 =	vld [tilespmem:s0+$0x3200];
	_ =	sdelay $0x4  }
0x15b: {  	vm0 =	vge.f32 v7, v6  }
0x15c: {  	v6 =	vsel vm0, $0x1, v3  }
0x15d: {  	(xrf0) =	vadd.scan.msk.s32 $0xffff, v6;
	_ =	sdelay $0x5  }
0x15e: {  	v6, _, _ =	vpop (xrf0)  }
0x15f: {  	(v2sf) =	vpush v6, $0xF;
	_ =	sdelay $0x8  }
0x160: {  	v6 =	vld [tilespmem:s0+$0x3480];
	_ =	sdelay $0x1  }
0x161: {  	s31 =	spop (v2sf)  }
0x162: {  	s0 =	sadd.s32 s29, s31  }
0x163: {  	[tilespmem:s0+$0x3980] =	vst.msk vm0, v7  }
0x164: {  	[tilespmem:s0+$0x3C00] =	vst.msk vm0, v6  }
0x165: {  	v6 =	vld [tilespmem:s25+$0x3C00];
	s4 =	spop (v2sf)  }
0x166: {  	v7 =	vld [tilespmem:s25+$0x3980];
	s29 =	sadd.s32 s0, s4  }
.LBB2_16:
0x167: {  	p1 =	sne.s32 s30, $0x9C0  }
.Ltmp14:
0x168: {  	_ = 	snop;
	(pc) =	sbr.rel @p1 .LBB2_16-.Ltmp14, $4  }
0x169: {  	_ = 	snop  }
0x16a: {  	s0 =	sshra.s32 s30, $0x2;
	s30 =	sadd.s32 $0x40, s30;
	[tilespmem:s25+$0x3480] =	vst v6  }
0x16b: {  	v6 =	vld [tilespmem:s0+$0x3C00];
	[tilespmem:s25+$0x3200] =	vst v7;
	s25 =	smov.u32 s0  }
0x16c: {  	v7 =	vld [tilespmem:s25+$0x3980]  }
0x16d: {  	(v2sf) =	vpush v5, $0xF;
	_ =	sdelay $0xa  }
.Ltmp15:
0x16e: {  	_ = 	snop;
	(pc) =	sbr.rel .LBB2_18-.Ltmp15, $3  }
0x16f: {  	_ =	sdelay $0x1  }
0x170: {  	[tilespmem:s25+$0x3480] =	vst v6  }
0x171: {  	[tilespmem:s25+$0x3200] =	vst v7;
	s25 =	spop (v2sf)  }
.LBB2_19:
0x172: {  	s0 =	sshll.u32 s23, $0x1  }
0x173: {  	s0 =	smin.u32 s0, $0xD  }
0x174: {  	s0 =	smul.u32 $0xC800, s0  }
.Ltmp16:
0x175: {  	_ = 	snop;
	(pc) =	sbr.rel .LBB2_20-.Ltmp16, $4  }
0x176: {  	_ =	swait.ge [sflag:s15], $0x1900;
	s0 =	sadd.s32 s0, s22  }
0x177: {  	[sflag:s15] =	ssyncset.done $0x0;
	s0 =	sshrl.u32 s0, $0x3  }
0x178: {  	s26 =	simm.s32 $0x0;
	[sflag:s15] =	ssyncadd.s32 $0xFFFFE700;
	s0 =	sadd.s32 s6, s0  }
0x179: {  	[tilespmem:s26], [sflag:$0x1] =	stream.strided.gather [hbm4b:s0+s11], $0x1900, s12, s11, $0x38;
	[tilespmem:$0x3F80] =	vst v63  }
.LBB2_34:
0x17a: {  	s26 =	sadd.s32 $0x1, s26  }
0x17b: {  	p1 =	sne.s32 s26, $0x19  }
.Ltmp17:
0x17c: {  	_ = 	snop;
	(pc) =	sbr.rel @!p1 .LBB2_35-.Ltmp17, $1  }
0x17d: {  	_ =	sdelay $0x3  }
.LBB2_20:
0x17e: {  	s28 =	sshll.u32 s26, $0x8  }
0x17f: {  	v5 =	vld [tilespmem:s28+$0x1900]  }
0x180: {  	v6 =	vld [tilespmem:s28+$0x1910]  }
0x181: {  	v7 =	vld [tilespmem:s28+$0x1920]  }
0x182: {  	v8 =	vld [tilespmem:s28+$0x1930]  }
0x183: {  	v9 =	vld [tilespmem:s28+$0x1940]  }
0x184: {  	v11 =	vld [tilespmem:s28+$0x1950];
	v10 =	vmax.f32 v5, $-3.000000010e+38  }
0x185: {  	v56 =	vld [tilespmem:s28+$0x1960];
	v6 =	vmax.f32 v10, v6  }
0x186: {  	v6 =	vmax.f32 v6, v7;
	v7 =	vld [tilespmem:s28+$0x1970]  }
0x187: {  	v57 =	vld [tilespmem:s28+$0x1980];
	v6 =	vmax.f32 v6, v8  }
0x188: {  	v58 =	vld [tilespmem:s28+$0x1990];
	v6 =	vmax.f32 v6, v9  }
0x189: {  	v59 =	vld [tilespmem:s28+$0x19A0];
	v6 =	vmax.f32 v6, v11  }
0x18a: {  	v60 =	vld [tilespmem:s28+$0x19B0];
	v6 =	vmax.f32 v6, v56  }
0x18b: {  	v6 =	vmax.f32 v6, v7;
	v7 =	vld [tilespmem:s28+$0x19C0]  }
0x18c: {  	v61 =	vld [tilespmem:s28+$0x19D0];
	v6 =	vmax.f32 v6, v57  }
0x18d: {  	v62 =	vld [tilespmem:s28+$0x19E0];
	v6 =	vmax.f32 v6, v58  }
0x18e: {  	v63 =	vld [tilespmem:s28+$0x19F0];
	v6 =	vmax.f32 v6, v59  }
0x18f: {  	v6 =	vmax.f32 v6, v60  }
0x190: {  	v6 =	vmax.f32 v6, v7  }
0x191: {  	v6 =	vmax.f32 v6, v61  }
0x192: {  	v6 =	vmax.f32 v6, v62  }
0x193: {  	v6 =	vmax.f32 v6, v63  }
0x194: {  	(xrf0) =	vmax.scan.msk.f32 $0xffff, v6;
	_ =	sdelay $0x5  }
0x195: {  	v6, _, _ =	vpop (xrf0)  }
0x196: {  	(v2sf) =	vpush v6, $0xF;
	_ =	sdelay $0xe  }
0x197: {  	s0 =	spop (v2sf)  }
0x198: {  	p1 =	sge.f32 s0, s25  }
.Ltmp18:
0x199: {  	_ = 	snop;
	(pc) =	sbr.rel @!p1 .LBB2_22-.Ltmp18, $1  }
0x19a: {  	_ =	sdelay $0x3  }
0x19b: {  	vm0 =	vge.f32 v5, s25;
	s30 =	sadd.s32 s24, s28  }
0x19c: {  	v6 =	vor.u32 s30, v4;
	[tilespmem:s29+$0x3200] =	vst.msk vm0, v5;
	v5 =	vsel vm0, $0x1, v3  }
0x19d: {  	[tilespmem:s29+$0x3480] =	vst.msk vm0, v6;
	(xrf0) =	vadd.scan.msk.s32 $0xffff, v5  }
0x19e: {  	v5 =	vld [tilespmem:s28+$0x1910];
	_ =	sdelay $0x4  }
0x19f: {  	v6, _, _ =	vpop (xrf0);
	vm13 =	vge.f32 v5, s25  }
0x1a0: {  	(v2sf) =	vpush v6, $0xF;
	v6 =	vsel vm13, $0x1, v3  }
0x1a1: {  	(xrf0) =	vadd.scan.msk.s32 $0xffff, v6;
	_ =	sdelay $0x5  }
0x1a2: {  	v6, _, _ =	vpop (xrf0)  }
0x1a3: {  	(v2sf) =	vpush v6, $0xF;
	_ =	sdelay $0x6  }
0x1a4: {  	s0 =	spop (v2sf)  }
0x1a5: {  	s4 =	sor.u32 $0x10, s30;
	s0 =	sadd.s32 s29, s0  }
0x1a6: {  	v6 =	vor.u32 s4, v4;
	[tilespmem:s0+$0x3200] =	vst.msk vm13, v5  }
0x1a7: {  	[tilespmem:s0+$0x3480] =	vst.msk vm13, v6  }
0x1a8: {  	v5 =	vld [tilespmem:s28+$0x1920];
	_ =	sdelay $0x3  }
0x1a9: {  	s31 =	spop (v2sf)  }
0x1aa: {  	s0 =	sadd.s32 s0, s31;
	vm14 =	vge.f32 v5, s25;
	s31 =	sor.u32 $0x20, s30  }
0x1ab: {  	v6 =	vor.u32 s31, v4;
	[tilespmem:s0+$0x3200] =	vst.msk vm14, v5;
	v5 =	vsel vm14, $0x1, v3  }
0x1ac: {  	[tilespmem:s0+$0x3480] =	vst.msk vm14, v6;
	(xrf0) =	vadd.scan.msk.s32 $0xffff, v5  }
0x1ad: {  	v5 =	vld [tilespmem:s28+$0x1930];
	_ =	sdelay $0x4  }
0x1ae: {  	v6, _, _ =	vpop (xrf0);
	vm15 =	vge.f32 v5, s25  }
0x1af: {  	(v2sf) =	vpush v6, $0xF;
	v6 =	vsel vm15, $0x1, v3  }
0x1b0: {  	(xrf0) =	vadd.scan.msk.s32 $0xffff, v6;
	_ =	sdelay $0x5  }
0x1b1: {  	v6, _, _ =	vpop (xrf0)  }
0x1b2: {  	(v2sf) =	vpush v6, $0xF;
	_ =	sdelay $0x6  }
0x1b3: {  	s31 =	spop (v2sf)  }
0x1b4: {  	s0 =	sadd.s32 s0, s31;
	s31 =	sor.u32 $0x30, s30  }
0x1b5: {  	v6 =	vor.u32 s31, v4;
	[tilespmem:s0+$0x3200] =	vst.msk vm15, v5  }
0x1b6: {  	[tilespmem:s0+$0x3480] =	vst.msk vm15, v6  }
0x1b7: {  	v5 =	vld [tilespmem:s28+$0x1940];
	_ =	sdelay $0x3  }
0x1b8: {  	s31 =	spop (v2sf)  }
0x1b9: {  	s0 =	sadd.s32 s0, s31;
	vm4 =	vge.f32 v5, s25;
	s31 =	sor.u32 $0x40, s30  }
0x1ba: {  	v6 =	vor.u32 s31, v4;
	[tilespmem:s0+$0x3200] =	vst.msk vm4, v5;
	v5 =	vsel vm4, $0x1, v3  }
0x1bb: {  	[tilespmem:s0+$0x3480] =	vst.msk vm4, v6;
	(xrf0) =	vadd.scan.msk.s32 $0xffff, v5  }
0x1bc: {  	v5 =	vld [tilespmem:s28+$0x1950];
	_ =	sdelay $0x4  }
0x1bd: {  	v6, _, _ =	vpop (xrf0);
	vm5 =	vge.f32 v5, s25  }
0x1be: {  	(v2sf) =	vpush v6, $0xF;
	v6 =	vsel vm5, $0x1, v3  }
0x1bf: {  	(xrf0) =	vadd.scan.msk.s32 $0xffff, v6;
	_ =	sdelay $0x5  }
0x1c0: {  	v6, _, _ =	vpop (xrf0)  }
0x1c1: {  	(v2sf) =	vpush v6, $0xF;
	_ =	sdelay $0x6  }
0x1c2: {  	s31 =	spop (v2sf)  }
0x1c3: {  	s0 =	sadd.s32 s0, s31;
	s31 =	sor.u32 $0x50, s30  }
0x1c4: {  	v6 =	vor.u32 s31, v4;
	[tilespmem:s0+$0x3200] =	vst.msk vm5, v5  }
0x1c5: {  	[tilespmem:s0+$0x3480] =	vst.msk vm5, v6  }
0x1c6: {  	v5 =	vld [tilespmem:s28+$0x1960];
	_ =	sdelay $0x3  }
0x1c7: {  	s31 =	spop (v2sf)  }
0x1c8: {  	s0 =	sadd.s32 s0, s31;
	vm6 =	vge.f32 v5, s25;
	s31 =	sor.u32 $0x60, s30  }
0x1c9: {  	v6 =	vor.u32 s31, v4;
	[tilespmem:s0+$0x3200] =	vst.msk vm6, v5;
	v5 =	vsel vm6, $0x1, v3  }
0x1ca: {  	[tilespmem:s0+$0x3480] =	vst.msk vm6, v6;
	(xrf0) =	vadd.scan.msk.s32 $0xffff, v5  }
0x1cb: {  	v5 =	vld [tilespmem:s28+$0x1970];
	_ =	sdelay $0x4  }
0x1cc: {  	v6, _, _ =	vpop (xrf0);
	vm7 =	vge.f32 v5, s25  }
0x1cd: {  	(v2sf) =	vpush v6, $0xF;
	v6 =	vsel vm7, $0x1, v3  }
0x1ce: {  	(xrf0) =	vadd.scan.msk.s32 $0xffff, v6;
	_ =	sdelay $0x5  }
0x1cf: {  	v6, _, _ =	vpop (xrf0)  }
0x1d0: {  	(v2sf) =	vpush v6, $0xF;
	_ =	sdelay $0x6  }
0x1d1: {  	s31 =	spop (v2sf)  }
0x1d2: {  	s0 =	sadd.s32 s0, s31;
	s31 =	sor.u32 $0x70, s30  }
0x1d3: {  	v6 =	vor.u32 s31, v4;
	[tilespmem:s0+$0x3200] =	vst.msk vm7, v5  }
0x1d4: {  	[tilespmem:s0+$0x3480] =	vst.msk vm7, v6  }
0x1d5: {  	v5 =	vld [tilespmem:s28+$0x1980];
	_ =	sdelay $0x3  }
0x1d6: {  	s31 =	spop (v2sf)  }
0x1d7: {  	s0 =	sadd.s32 s0, s31;
	vm8 =	vge.f32 v5, s25;
	s31 =	sor.u32 $0x80, s30  }
0x1d8: {  	v6 =	vor.u32 s31, v4;
	[tilespmem:s0+$0x3200] =	vst.msk vm8, v5;
	v5 =	vsel vm8, $0x1, v3  }
0x1d9: {  	[tilespmem:s0+$0x3480] =	vst.msk vm8, v6;
	(xrf0) =	vadd.scan.msk.s32 $0xffff, v5  }
0x1da: {  	v5 =	vld [tilespmem:s28+$0x1990];
	_ =	sdelay $0x4  }
0x1db: {  	v6, _, _ =	vpop (xrf0);
	vm9 =	vge.f32 v5, s25  }
0x1dc: {  	(v2sf) =	vpush v6, $0xF;
	v6 =	vsel vm9, $0x1, v3  }
0x1dd: {  	(xrf0) =	vadd.scan.msk.s32 $0xffff, v6;
	_ =	sdelay $0x5  }
0x1de: {  	v6, _, _ =	vpop (xrf0)  }
0x1df: {  	(v2sf) =	vpush v6, $0xF;
	_ =	sdelay $0x6  }
0x1e0: {  	s31 =	spop (v2sf)  }
0x1e1: {  	s0 =	sadd.s32 s0, s31;
	s31 =	sor.u32 $0x90, s30  }
0x1e2: {  	v6 =	vor.u32 s31, v4;
	[tilespmem:s0+$0x3200] =	vst.msk vm9, v5  }
0x1e3: {  	[tilespmem:s0+$0x3480] =	vst.msk vm9, v6  }
0x1e4: {  	v5 =	vld [tilespmem:s28+$0x19A0];
	_ =	sdelay $0x3  }
0x1e5: {  	s31 =	spop (v2sf)  }
0x1e6: {  	s0 =	sadd.s32 s0, s31;
	vm10 =	vge.f32 v5, s25;
	s31 =	sor.u32 $0xA0, s30  }
0x1e7: {  	v6 =	vor.u32 s31, v4;
	[tilespmem:s0+$0x3200] =	vst.msk vm10, v5;
	v5 =	vsel vm10, $0x1, v3  }
0x1e8: {  	[tilespmem:s0+$0x3480] =	vst.msk vm10, v6;
	(xrf0) =	vadd.scan.msk.s32 $0xffff, v5  }
0x1e9: {  	v5 =	vld [tilespmem:s28+$0x19B0];
	_ =	sdelay $0x4  }
0x1ea: {  	v6, _, _ =	vpop (xrf0);
	vm11 =	vge.f32 v5, s25  }
0x1eb: {  	(v2sf) =	vpush v6, $0xF;
	v6 =	vsel vm11, $0x1, v3  }
0x1ec: {  	(xrf0) =	vadd.scan.msk.s32 $0xffff, v6;
	_ =	sdelay $0x5  }
0x1ed: {  	v6, _, _ =	vpop (xrf0)  }
0x1ee: {  	(v2sf) =	vpush v6, $0xF;
	_ =	sdelay $0x6  }
0x1ef: {  	s31 =	spop (v2sf)  }
0x1f0: {  	s0 =	sadd.s32 s0, s31;
	s31 =	sor.u32 $0xB0, s30  }
0x1f1: {  	v6 =	vor.u32 s31, v4;
	[tilespmem:s0+$0x3200] =	vst.msk vm11, v5  }
0x1f2: {  	[tilespmem:s0+$0x3480] =	vst.msk vm11, v6  }
0x1f3: {  	v5 =	vld [tilespmem:s28+$0x19C0];
	_ =	sdelay $0x3  }
0x1f4: {  	s31 =	spop (v2sf)  }
0x1f5: {  	s0 =	sadd.s32 s0, s31;
	vm12 =	vge.f32 v5, s25;
	s31 =	sor.u32 $0xC0, s30  }
0x1f6: {  	v6 =	vor.u32 s31, v4;
	[tilespmem:s0+$0x3200] =	vst.msk vm12, v5;
	v5 =	vsel vm12, $0x1, v3  }
0x1f7: {  	[tilespmem:s0+$0x3480] =	vst.msk vm12, v6;
	(xrf0) =	vadd.scan.msk.s32 $0xffff, v5  }
0x1f8: {  	v5 =	vld [tilespmem:s28+$0x19D0];
	_ =	sdelay $0x4  }
0x1f9: {  	v6, _, _ =	vpop (xrf0);
	vm13 =	vge.f32 v5, s25  }
0x1fa: {  	(v2sf) =	vpush v6, $0xF;
	v6 =	vsel vm13, $0x1, v3  }
0x1fb: {  	(xrf0) =	vadd.scan.msk.s32 $0xffff, v6;
	_ =	sdelay $0x5  }
0x1fc: {  	v6, _, _ =	vpop (xrf0)  }
0x1fd: {  	(v2sf) =	vpush v6, $0xF;
	_ =	sdelay $0x6  }
0x1fe: {  	s31 =	spop (v2sf)  }
0x1ff: {  	s0 =	sadd.s32 s0, s31;
	s31 =	sor.u32 $0xD0, s30  }
0x200: {  	v6 =	vor.u32 s31, v4;
	[tilespmem:s0+$0x3200] =	vst.msk vm13, v5  }
0x201: {  	[tilespmem:s0+$0x3480] =	vst.msk vm13, v6  }
0x202: {  	v5 =	vld [tilespmem:s28+$0x19E0];
	_ =	sdelay $0x3  }
0x203: {  	s31 =	spop (v2sf)  }
0x204: {  	s0 =	sadd.s32 s0, s31;
	vm14 =	vge.f32 v5, s25;
	s31 =	sor.u32 $0xE0, s30  }
0x205: {  	v6 =	vor.u32 s31, v4;
	[tilespmem:s0+$0x3200] =	vst.msk vm14, v5  }
0x206: {  	[tilespmem:s0+$0x3480] =	vst.msk vm14, v6  }
0x207: {  	v5 =	vld [tilespmem:s28+$0x19F0];
	_ =	sdelay $0x3  }
0x208: {  	v6 =	vsel vm14, $0x1, v3  }
0x209: {  	(xrf0) =	vadd.scan.msk.s32 $0xffff, v6;
	vm15 =	vge.f32 v5, s25  }
0x20a: {  	v6 =	vsel vm15, $0x1, v3  }
0x20b: {  	(xrf0) =	vadd.scan.msk.s32 $0xffff, v6;
	_ =	sdelay $0x3  }
0x20c: {  	v6, _, _ =	vpop (xrf0)  }
0x20d: {  	(v2sf) =	vpush v6, $0xF  }
0x20e: {  	v6, _, _ =	vpop (xrf0)  }
0x20f: {  	(v2sf) =	vpush v6, $0xF;
	_ =	sdelay $0xc  }
0x210: {  	s28 =	spop (v2sf)  }
0x211: {  	s30 =	sor.u32 $0xF0, s30;
	s0 =	sadd.s32 s0, s28  }
0x212: {  	v6 =	vor.u32 s30, v4;
	[tilespmem:s0+$0x3200] =	vst.msk vm15, v5;
	s31 =	spop (v2sf)  }
0x213: {  	[tilespmem:s0+$0x3480] =	vst.msk vm15, v6;
	s29 =	sadd.s32 s0, s31  }
.LBB2_22:
0x214: {  	p1 =	slt.s32 s29, $0x101  }
.Ltmp19:
0x215: {  	_ = 	snop;
	(pc) =	sbr.rel @p1 .LBB2_34-.Ltmp19, $2  }
0x216: {  	_ =	sdelay $0x2  }
0x217: {  	s28 =	simm.s32 $0x0  }
0x218: {  	s0 =	simm.s32 $0x0  }
0x219: {  	v5 =	vld [tilespmem:s0+$0x3200]  }
0x21a: {  	s25 =	simm.s32 $0x40  }
.LBB2_24:
0x21b: {  	p1 =	sne.s32 s25, $0x9C0  }
.Ltmp20:
0x21c: {  	_ = 	snop;
	(pc) =	sbr.rel @p1 .LBB2_24-.Ltmp20, $4  }
0x21d: {  	_ = 	snop  }
0x21e: {  	s4 =	sshra.s32 s25, $0x2;
	s25 =	sadd.s32 $0x40, s25;
	vm0 =	vlt.s32 v5, $0x0;
	v6 =	vxor.u32 $0xFFFFFFFF, v5;
	v7 =	vor.u32 $0x80000000, v5  }
0x21f: {  	v5 =	vld [tilespmem:s4+$0x3200];
	v6 =	vsel vm0, v6, v7  }
0x220: {  	[tilespmem:s0+$0x3700] =	vst v6;
	s0 =	smov.u32 s4  }
0x221: {  	_ =	sdelay $0x2  }
0x222: {  	vm0 =	vlt.s32 v5, $0x0;
	v6 =	vxor.u32 $0xFFFFFFFF, v5;
	v5 =	vor.u32 $0x80000000, v5  }
0x223: {  	v5 =	vsel vm0, v6, v5  }
0x224: {  	s29 =	simm.s32 $0xFF800000;
	s25 =	simm.s32 $0x0;
	[tilespmem:s0+$0x3700] =	vst v5  }
.LBB2_26:
0x225: {  	s0 =	ssub.s32 s29, s28  }
0x226: {  	s0 =	sadd.s32 $0x1, s0  }
0x227: {  	s4 =	simm.s32 $0x0;
	s0 =	sshrl.u32 s0, $0x1  }
0x228: {  	v7 =	vld [tilespmem:s4+$0x3700];
	s30 =	sadd.s32 s28, s0  }
0x229: {  	v5 =	vimm.s32 $0x0;
	s0 =	simm.s32 $0x40;
	v6 =	vmov s30  }
.LBB2_27:
0x22a: {  	p1 =	sne.s32 s0, $0x9C0  }
.Ltmp21:
0x22b: {  	_ = 	snop;
	(pc) =	sbr.rel @p1 .LBB2_27-.Ltmp21, $4  }
0x22c: {  	_ = 	snop  }
0x22d: {  	s4 =	sshra.s32 s0, $0x2;
	s0 =	sadd.s32 $0x40, s0;
	vm0 =	vge.u32 v7, v6  }
0x22e: {  	v7 =	vld [tilespmem:s4+$0x3700];
	v8 =	vsel vm0, $0x1, v3  }
0x22f: {  	v5 =	vadd.s32 v8, v5  }
0x230: {  	_ =	sdelay $0x2  }
0x231: {  	vm0 =	vge.u32 v7, v6  }
0x232: {  	v6 =	vsel vm0, $0x1, v3  }
0x233: {  	v5 =	vadd.s32 v6, v5  }
0x234: {  	(xrf0) =	vadd.scan.msk.s32 $0xffff, v5;
	_ =	sdelay $0x5  }
0x235: {  	v5, _, _ =	vpop (xrf0)  }
0x236: {  	(v2sf) =	vpush v5, $0xF;
	_ =	sdelay $0xb  }
0x237: {  	s25 =	sadd.s32 $0x1, s25  }
0x238: {  	p2 =	sne.s32 s25, $0x20  }
.Ltmp22:
0x239: {  	_ = 	snop;
	(pc) =	sbr.rel @p2 .LBB2_26-.Ltmp22, $4  }
0x23a: {  	s0 =	spop (v2sf)  }
0x23b: {  	p1 =	sgt.s32 s0, $0x3F;
	s0 =	sadd.s32 $0xFFFFFFFF, s30  }
0x23c: {  	s0 =	smov.u32 @p1 s29  }
0x23d: {  	s28 =	smov.u32 @p1 s30;
	s29 =	smov.u32 s0  }
0x23e: {  	[tilespmem:$0x3980] =	vst v0  }
0x23f: {  	[tilespmem:$0x3990] =	vst v0  }
0x240: {  	[tilespmem:$0x39A0] =	vst v0  }
0x241: {  	[tilespmem:$0x39B0] =	vst v0  }
0x242: {  	[tilespmem:$0x39C0] =	vst v0  }
0x243: {  	[tilespmem:$0x39D0] =	vst v0  }
0x244: {  	[tilespmem:$0x39E0] =	vst v0  }
0x245: {  	[tilespmem:$0x39F0] =	vst v0  }
0x246: {  	[tilespmem:$0x3A00] =	vst v0  }
0x247: {  	[tilespmem:$0x3A10] =	vst v0  }
0x248: {  	[tilespmem:$0x3A20] =	vst v0  }
0x249: {  	[tilespmem:$0x3A30] =	vst v0  }
0x24a: {  	[tilespmem:$0x3A40] =	vst v0  }
0x24b: {  	[tilespmem:$0x3A50] =	vst v0  }
0x24c: {  	[tilespmem:$0x3A60] =	vst v0  }
0x24d: {  	[tilespmem:$0x3A70] =	vst v0  }
0x24e: {  	[tilespmem:$0x3A80] =	vst v0  }
0x24f: {  	[tilespmem:$0x3A90] =	vst v0  }
0x250: {  	[tilespmem:$0x3AA0] =	vst v0  }
0x251: {  	[tilespmem:$0x3AB0] =	vst v0  }
0x252: {  	[tilespmem:$0x3AC0] =	vst v0  }
0x253: {  	[tilespmem:$0x3AD0] =	vst v0  }
0x254: {  	[tilespmem:$0x3AE0] =	vst v0  }
0x255: {  	[tilespmem:$0x3AF0] =	vst v0  }
0x256: {  	[tilespmem:$0x3B00] =	vst v0  }
0x257: {  	[tilespmem:$0x3B10] =	vst v0  }
0x258: {  	[tilespmem:$0x3B20] =	vst v0  }
0x259: {  	[tilespmem:$0x3B30] =	vst v0  }
0x25a: {  	[tilespmem:$0x3B40] =	vst v0  }
0x25b: {  	[tilespmem:$0x3B50] =	vst v0  }
0x25c: {  	[tilespmem:$0x3B60] =	vst v0  }
0x25d: {  	[tilespmem:$0x3B70] =	vst v0  }
0x25e: {  	[tilespmem:$0x3B80] =	vst v0  }
0x25f: {  	[tilespmem:$0x3B90] =	vst v0;
	v5 =	vmov s28  }
0x260: {  	[tilespmem:$0x3BA0] =	vst v0;
	v6 =	vand.u32 $0x7FFFFFFF, v5;
	v7 =	vxor.u32 $0xFFFFFFFF, v5;
	vm0 =	vlt.s32 v5, $0x0  }
0x261: {  	[tilespmem:$0x3BB0] =	vst v0;
	v5 =	vsel vm0, v6, v7  }
0x262: {  	[tilespmem:$0x3BC0] =	vst v0;
	(xrf0) =	vmax.scan.msk.f32 $0xffff, v5  }
0x263: {  	[tilespmem:$0x3BD0] =	vst v0  }
0x264: {  	[tilespmem:$0x3BE0] =	vst v0  }
0x265: {  	[tilespmem:$0x3BF0] =	vst v0;
	s25 =	simm.s32 $0x0  }
0x266: {  	v7 =	vld [tilespmem:s25+$0x3200];
	_ =	sdelay $0x1  }
0x267: {  	v5, _, _ =	vpop (xrf0)  }
0x268: {  	v6 =	vbroadcast v5, $0xF;
	_ =	sdelay $0x1  }
0x269: {  	vm15 =	vge.f32 v7, v6  }
0x26a: {  	v8 =	vsel vm15, $0x1, v3  }
0x26b: {  	(xrf0) =	vadd.scan.msk.s32 $0xffff, v8;
	_ =	sdelay $0x3  }
0x26c: {  	v8 =	vld [tilespmem:s25+$0x3480];
	_ =	sdelay $0x1  }
0x26d: {  	v9, _, _ =	vpop (xrf0)  }
0x26e: {  	s29 =	simm.s32 $0x0;
	(v2sf) =	vpush v9, $0xF  }
0x26f: {  	[tilespmem:s29+$0x3980] =	vst.msk vm15, v7  }
0x270: {  	s28 =	simm.s32 $0x40;
	s0 =	simm.s32 $0x10;
	s30 =	simm.s32 $0x80;
	[tilespmem:s29+$0x3C00] =	vst.msk vm15, v8  }
.LBB2_30:
0x271: {  	p1 =	sne.s32 s30, $0x9C0;
	v7 =	vld [tilespmem:s0+$0x3200];
	_ =	sdelay $0x4  }
0x272: {  	vm0 =	vge.f32 v7, v6  }
0x273: {  	v8 =	vsel vm0, $0x1, v3  }
0x274: {  	(xrf0) =	vadd.scan.msk.s32 $0xffff, v8;
	_ =	sdelay $0x2  }
0x275: {  	v8 =	vld [tilespmem:s0+$0x3480];
	_ =	sdelay $0x1  }
.Ltmp23:
0x276: {  	s0 =	spop (v2sf);
	(pc) =	sbr.rel @p1 .LBB2_30-.Ltmp23, $4  }
0x277: {  	v9, _, _ =	vpop (xrf0);
	s29 =	sadd.s32 s29, s0  }
0x278: {  	[tilespmem:s29+$0x3980] =	vst.msk vm0, v7;
	(v2sf) =	vpush v9, $0xF  }
0x279: {  	[tilespmem:s29+$0x3C00] =	vst.msk vm0, v8  }
0x27a: {  	s0 =	sshra.s32 s30, $0x2;
	s30 =	sadd.s32 $0x40, s30  }
0x27b: {  	v7 =	vld [tilespmem:s0+$0x3200];
	_ =	sdelay $0x4  }
0x27c: {  	vm0 =	vge.f32 v7, v6  }
0x27d: {  	v6 =	vsel vm0, $0x1, v3  }
0x27e: {  	(xrf0) =	vadd.scan.msk.s32 $0xffff, v6;
	_ =	sdelay $0x5  }
0x27f: {  	v6, _, _ =	vpop (xrf0)  }
0x280: {  	(v2sf) =	vpush v6, $0xF;
	_ =	sdelay $0x8  }
0x281: {  	v6 =	vld [tilespmem:s0+$0x3480];
	_ =	sdelay $0x1  }
0x282: {  	s31 =	spop (v2sf)  }
0x283: {  	s0 =	sadd.s32 s29, s31  }
0x284: {  	[tilespmem:s0+$0x3980] =	vst.msk vm0, v7  }
0x285: {  	[tilespmem:s0+$0x3C00] =	vst.msk vm0, v6  }
0x286: {  	v6 =	vld [tilespmem:s25+$0x3C00];
	s4 =	spop (v2sf)  }
0x287: {  	v7 =	vld [tilespmem:s25+$0x3980];
	s29 =	sadd.s32 s0, s4  }
.LBB2_32:
0x288: {  	p1 =	sne.s32 s28, $0x9C0  }
.Ltmp24:
0x289: {  	_ = 	snop;
	(pc) =	sbr.rel @p1 .LBB2_32-.Ltmp24, $4  }
0x28a: {  	_ = 	snop  }
0x28b: {  	s0 =	sshra.s32 s28, $0x2;
	s28 =	sadd.s32 $0x40, s28;
	[tilespmem:s25+$0x3480] =	vst v6  }
0x28c: {  	v6 =	vld [tilespmem:s0+$0x3C00];
	[tilespmem:s25+$0x3200] =	vst v7;
	s25 =	smov.u32 s0  }
0x28d: {  	v7 =	vld [tilespmem:s25+$0x3980]  }
0x28e: {  	(v2sf) =	vpush v5, $0xF;
	_ =	sdelay $0xa  }
.Ltmp25:
0x28f: {  	_ = 	snop;
	(pc) =	sbr.rel .LBB2_34-.Ltmp25, $3  }
0x290: {  	_ =	sdelay $0x1  }
0x291: {  	[tilespmem:s25+$0x3480] =	vst v6  }
0x292: {  	[tilespmem:s25+$0x3200] =	vst v7;
	s25 =	spop (v2sf)  }
.LBB2_36:
0x293: {  	_ =	swait.ge [sflag:s13], $0x1900  }
0x294: {  	[sflag:s13] =	ssyncset.done $0x0  }
0x295: {  	s0 =	simm.s32 $0x0;
	[sflag:s13] =	ssyncadd.s32 $0xFFFFE700  }
0x296: {  	v5 =	vld [tilespmem:s0+$0x3200]  }
0x297: {  	s21 =	simm.s32 $0x0;
	s22 =	simm.s32 $0x40  }
.LBB2_37:
0x298: {  	p1 =	sne.s32 s22, $0x9C0  }
.Ltmp26:
0x299: {  	_ = 	snop;
	(pc) =	sbr.rel @p1 .LBB2_37-.Ltmp26, $4  }
0x29a: {  	_ = 	snop  }
0x29b: {  	s4 =	sshra.s32 s22, $0x2;
	s22 =	sadd.s32 $0x40, s22;
	vm0 =	vlt.s32 v5, $0x0;
	v6 =	vxor.u32 $0xFFFFFFFF, v5;
	v7 =	vor.u32 $0x80000000, v5  }
0x29c: {  	v5 =	vld [tilespmem:s4+$0x3200];
	v6 =	vsel vm0, v6, v7  }
0x29d: {  	[tilespmem:s0+$0x3700] =	vst v6;
	s0 =	smov.u32 s4  }
0x29e: {  	_ =	sdelay $0x2  }
0x29f: {  	vm0 =	vlt.s32 v5, $0x0;
	v6 =	vxor.u32 $0xFFFFFFFF, v5;
	v5 =	vor.u32 $0x80000000, v5  }
0x2a0: {  	v5 =	vsel vm0, v6, v5  }
0x2a1: {  	s23 =	simm.s32 $0xFF800000;
	s22 =	simm.s32 $0x0;
	[tilespmem:s0+$0x3700] =	vst v5  }
.LBB2_39:
0x2a2: {  	s0 =	ssub.s32 s23, s21  }
0x2a3: {  	s0 =	sadd.s32 $0x1, s0  }
0x2a4: {  	s4 =	simm.s32 $0x0;
	s0 =	sshrl.u32 s0, $0x1  }
0x2a5: {  	v7 =	vld [tilespmem:s4+$0x3700];
	s24 =	sadd.s32 s21, s0  }
0x2a6: {  	v5 =	vimm.s32 $0x0;
	s0 =	simm.s32 $0x40;
	v6 =	vmov s24  }
.LBB2_40:
0x2a7: {  	p1 =	sne.s32 s0, $0x9C0  }
.Ltmp27:
0x2a8: {  	_ = 	snop;
	(pc) =	sbr.rel @p1 .LBB2_40-.Ltmp27, $4  }
0x2a9: {  	_ = 	snop  }
0x2aa: {  	s4 =	sshra.s32 s0, $0x2;
	s0 =	sadd.s32 $0x40, s0;
	vm0 =	vge.u32 v7, v6  }
0x2ab: {  	v7 =	vld [tilespmem:s4+$0x3700];
	v8 =	vsel vm0, $0x1, v3  }
0x2ac: {  	v5 =	vadd.s32 v8, v5  }
0x2ad: {  	_ =	sdelay $0x2  }
0x2ae: {  	vm0 =	vge.u32 v7, v6  }
0x2af: {  	v6 =	vsel vm0, $0x1, v3  }
0x2b0: {  	v5 =	vadd.s32 v6, v5  }
0x2b1: {  	(xrf0) =	vadd.scan.msk.s32 $0xffff, v5;
	_ =	sdelay $0x5  }
0x2b2: {  	v5, _, _ =	vpop (xrf0)  }
0x2b3: {  	(v2sf) =	vpush v5, $0xF;
	_ =	sdelay $0xb  }
0x2b4: {  	s22 =	sadd.s32 $0x1, s22  }
0x2b5: {  	p2 =	sne.s32 s22, $0x20  }
.Ltmp28:
0x2b6: {  	_ = 	snop;
	(pc) =	sbr.rel @p2 .LBB2_39-.Ltmp28, $4  }
0x2b7: {  	s0 =	spop (v2sf)  }
0x2b8: {  	p1 =	sgt.s32 s0, $0x3F;
	s0 =	sadd.s32 $0xFFFFFFFF, s24  }
0x2b9: {  	s0 =	smov.u32 @p1 s23  }
0x2ba: {  	s21 =	smov.u32 @p1 s24;
	s23 =	smov.u32 s0  }
0x2bb: {  	[tilespmem:$0x3980] =	vst v0  }
0x2bc: {  	[tilespmem:$0x3990] =	vst v0  }
0x2bd: {  	[tilespmem:$0x39A0] =	vst v0  }
0x2be: {  	[tilespmem:$0x39B0] =	vst v0  }
0x2bf: {  	[tilespmem:$0x39C0] =	vst v0  }
0x2c0: {  	[tilespmem:$0x39D0] =	vst v0  }
0x2c1: {  	[tilespmem:$0x39E0] =	vst v0  }
0x2c2: {  	[tilespmem:$0x39F0] =	vst v0  }
0x2c3: {  	[tilespmem:$0x3A00] =	vst v0  }
0x2c4: {  	[tilespmem:$0x3A10] =	vst v0  }
0x2c5: {  	[tilespmem:$0x3A20] =	vst v0  }
0x2c6: {  	[tilespmem:$0x3A30] =	vst v0  }
0x2c7: {  	[tilespmem:$0x3A40] =	vst v0  }
0x2c8: {  	[tilespmem:$0x3A50] =	vst v0  }
0x2c9: {  	[tilespmem:$0x3A60] =	vst v0  }
0x2ca: {  	[tilespmem:$0x3A70] =	vst v0  }
0x2cb: {  	[tilespmem:$0x3A80] =	vst v0  }
0x2cc: {  	[tilespmem:$0x3A90] =	vst v0  }
0x2cd: {  	[tilespmem:$0x3AA0] =	vst v0  }
0x2ce: {  	[tilespmem:$0x3AB0] =	vst v0  }
0x2cf: {  	[tilespmem:$0x3AC0] =	vst v0  }
0x2d0: {  	[tilespmem:$0x3AD0] =	vst v0  }
0x2d1: {  	[tilespmem:$0x3AE0] =	vst v0  }
0x2d2: {  	[tilespmem:$0x3AF0] =	vst v0  }
0x2d3: {  	[tilespmem:$0x3B00] =	vst v0  }
0x2d4: {  	[tilespmem:$0x3B10] =	vst v0  }
0x2d5: {  	[tilespmem:$0x3B20] =	vst v0  }
0x2d6: {  	[tilespmem:$0x3B30] =	vst v0  }
0x2d7: {  	[tilespmem:$0x3B40] =	vst v0  }
0x2d8: {  	[tilespmem:$0x3B50] =	vst v0  }
0x2d9: {  	[tilespmem:$0x3B60] =	vst v0  }
0x2da: {  	[tilespmem:$0x3B70] =	vst v0  }
0x2db: {  	[tilespmem:$0x3B80] =	vst v0  }
0x2dc: {  	[tilespmem:$0x3B90] =	vst v0;
	v5 =	vmov s21  }
0x2dd: {  	[tilespmem:$0x3BA0] =	vst v0;
	v6 =	vand.u32 $0x7FFFFFFF, v5;
	v7 =	vxor.u32 $0xFFFFFFFF, v5;
	vm0 =	vlt.s32 v5, $0x0  }
0x2de: {  	[tilespmem:$0x3BB0] =	vst v0;
	v5 =	vsel vm0, v6, v7  }
0x2df: {  	[tilespmem:$0x3BC0] =	vst v0;
	(xrf0) =	vmax.scan.msk.f32 $0xffff, v5  }
0x2e0: {  	[tilespmem:$0x3BD0] =	vst v0  }
0x2e1: {  	[tilespmem:$0x3BE0] =	vst v0  }
0x2e2: {  	[tilespmem:$0x3BF0] =	vst v0;
	s22 =	simm.s32 $0x0  }
0x2e3: {  	v6 =	vld [tilespmem:s22+$0x3200];
	_ =	sdelay $0x1  }
0x2e4: {  	v5, _, _ =	vpop (xrf0)  }
0x2e5: {  	v5 =	vbroadcast v5, $0xF;
	_ =	sdelay $0x1  }
0x2e6: {  	vm15 =	vge.f32 v6, v5  }
0x2e7: {  	v7 =	vsel vm15, $0x1, v3  }
0x2e8: {  	(xrf0) =	vadd.scan.msk.s32 $0xffff, v7;
	_ =	sdelay $0x3  }
0x2e9: {  	v7 =	vld [tilespmem:s22+$0x3480];
	_ =	sdelay $0x1  }
0x2ea: {  	v8, _, _ =	vpop (xrf0)  }
0x2eb: {  	s23 =	simm.s32 $0x0;
	(v2sf) =	vpush v8, $0xF  }
0x2ec: {  	[tilespmem:s23+$0x3980] =	vst.msk vm15, v6  }
0x2ed: {  	s21 =	simm.s32 $0x40;
	s0 =	simm.s32 $0x10;
	s24 =	simm.s32 $0x80;
	[tilespmem:s23+$0x3C00] =	vst.msk vm15, v7  }
.LBB2_43:
0x2ee: {  	p1 =	sne.s32 s24, $0x9C0;
	v6 =	vld [tilespmem:s0+$0x3200];
	_ =	sdelay $0x4  }
0x2ef: {  	vm0 =	vge.f32 v6, v5  }
0x2f0: {  	v7 =	vsel vm0, $0x1, v3  }
0x2f1: {  	(xrf0) =	vadd.scan.msk.s32 $0xffff, v7;
	_ =	sdelay $0x2  }
0x2f2: {  	v7 =	vld [tilespmem:s0+$0x3480];
	_ =	sdelay $0x1  }
.Ltmp29:
0x2f3: {  	s0 =	spop (v2sf);
	(pc) =	sbr.rel @p1 .LBB2_43-.Ltmp29, $4  }
0x2f4: {  	v8, _, _ =	vpop (xrf0);
	s23 =	sadd.s32 s23, s0  }
0x2f5: {  	[tilespmem:s23+$0x3980] =	vst.msk vm0, v6;
	(v2sf) =	vpush v8, $0xF  }
0x2f6: {  	[tilespmem:s23+$0x3C00] =	vst.msk vm0, v7  }
0x2f7: {  	s0 =	sshra.s32 s24, $0x2;
	s24 =	sadd.s32 $0x40, s24  }
0x2f8: {  	v6 =	vld [tilespmem:s0+$0x3200];
	_ =	sdelay $0x4  }
0x2f9: {  	vm0 =	vge.f32 v6, v5  }
0x2fa: {  	v5 =	vsel vm0, $0x1, v3  }
0x2fb: {  	(xrf0) =	vadd.scan.msk.s32 $0xffff, v5;
	_ =	sdelay $0x5  }
0x2fc: {  	v5, _, _ =	vpop (xrf0)  }
0x2fd: {  	(v2sf) =	vpush v5, $0xF;
	_ =	sdelay $0x8  }
0x2fe: {  	v5 =	vld [tilespmem:s0+$0x3480];
	_ =	sdelay $0x1  }
0x2ff: {  	s31 =	spop (v2sf)  }
0x300: {  	s0 =	sadd.s32 s23, s31  }
0x301: {  	[tilespmem:s0+$0x3980] =	vst.msk vm0, v6  }
0x302: {  	[tilespmem:s0+$0x3C00] =	vst.msk vm0, v5  }
0x303: {  	v5 =	vld [tilespmem:s22+$0x3C00];
	s4 =	spop (v2sf)  }
0x304: {  	v6 =	vld [tilespmem:s22+$0x3980];
	s0 =	sadd.s32 s0, s4  }
.LBB2_45:
0x305: {  	p1 =	sne.s32 s21, $0x9C0  }
.Ltmp30:
0x306: {  	_ = 	snop;
	(pc) =	sbr.rel @p1 .LBB2_45-.Ltmp30, $4  }
0x307: {  	_ = 	snop  }
0x308: {  	s4 =	sshra.s32 s21, $0x2;
	s21 =	sadd.s32 $0x40, s21;
	[tilespmem:s22+$0x3480] =	vst v5  }
0x309: {  	v5 =	vld [tilespmem:s4+$0x3C00];
	[tilespmem:s22+$0x3200] =	vst v6;
	s22 =	smov.u32 s4  }
0x30a: {  	v6 =	vld [tilespmem:s22+$0x3980]  }
.Ltmp31:
0x30b: {  	_ = 	snop;
	(pc) =	sbr.rel .LBB2_47-.Ltmp31, $4  }
0x30c: {  	_ = 	snop  }
0x30d: {  	s0 =	sadd.s32 $0xF, s0  }
0x30e: {  	s21 =	sshra.s32 s0, $0x4;
	[tilespmem:s22+$0x3480] =	vst v5  }
0x30f: {  	p1 =	slt.s32 s21, $0x1;
	[tilespmem:s22+$0x3200] =	vst v6;
	s22 =	simm.s32 $0x0  }
.LBB2_54:
0x310: {  	vm0 =	veq.f32 v7, v5;
	vm1 =	veq.s32 v8, v6  }
0x311: {  	vm0 =	vmand vm0, vm1  }
0x312: {  	v7 =	vsel vm0, $0xFF61B1E6, v7  }
0x313: {  	[tilespmem:s24+$0x0] =	vst v7  }
.LBB2_55:
0x314: {  	s0 =	sand.u32 $0xF, s22  }
0x315: {  	v7 =	vmov s0  }
0x316: {  	vm0 =	veq.s32 v7, v4  }
0x317: {  	v7 =	vmov s22;
	s22 =	sadd.s32 $0x1, s22  }
0x318: {  	p2 =	sne.s32 s22, $0x40  }
.Ltmp32:
0x319: {  	_ = 	snop;
	(pc) =	sbr.rel @!p2 .LBB2_56-.Ltmp32, $3  }
0x31a: {  	_ =	sdelay $0x1  }
0x31b: {  	[tilespmem:v7+s16+$0x0] =	vst.idx.msk vm0, v5  }
0x31c: {  	[tilespmem:v7+s17+$0x0] =	vst.idx.msk vm0, v6  }
.LBB2_47:
.Ltmp33:
0x31d: {  	(pc) =	sbr.rel @p1 .LBB2_55-.Ltmp33, $2  }
0x31e: {  	_ =	sdelay $0x2  }
0x31f: {  	v6 =	vmov v2;
	v5 =	vmov v1  }
0x320: {  	p2 =	sne.s32 s21, $0x1  }
.Ltmp34:
0x321: {  	_ = 	snop;
	(pc) =	sbr.rel @!p2 .LBB2_50-.Ltmp34, $3  }
0x322: {  	_ =	sdelay $0x1  }
0x323: {  	s0 =	simm.s32 $0x3200  }
0x324: {  	v5 =	vimm.f32 $-3.000000010e+38;
	s23 =	sadd.s32 $0xFFFFFFFF, s21;
	s24 =	simm.s32 $0x3200;
	v6 =	vld [tilespmem:s0+$0x0]  }
.LBB2_49:
0x325: {  	p3 =	sne.s32 s23, $0x1  }
.Ltmp35:
0x326: {  	_ = 	snop;
	(pc) =	sbr.rel @p3 .LBB2_49-.Ltmp35, $3  }
0x327: {  	_ =	sdelay $0x1  }
0x328: {  	s23 =	sadd.s32 $0xFFFFFFFF, s23;
	s24 =	sadd.s32 $0x10, s24;
	v5 =	vmax.f32 v5, v6  }
0x329: {  	v6 =	vld [tilespmem:s24+$0x0]  }
.LBB2_50:
0x32a: {  	_ =	sdelay $0x3  }
0x32b: {  	v5 =	vmax.f32 v5, v6  }
0x32c: {  	(xrf0) =	vmax.scan.msk.f32 $0xffff, v5;
	_ =	sdelay $0x3  }
0x32d: {  	v8 =	vld [tilespmem:s0+$0x0];
	s23 =	simm.s32 $0x3480  }
.Ltmp36:
0x32e: {  	v7 =	vld [tilespmem:s23+$0x0];
	(pc) =	sbr.rel @!p2 .LBB2_52-.Ltmp36, $3  }
0x32f: {  	v5, _, _ =	vpop (xrf0)  }
0x330: {  	v5 =	vbroadcast v5, $0xF;
	_ =	sdelay $0x1  }
0x331: {  	s0 =	sadd.s32 $0xFFFFFFFF, s21;
	s24 =	simm.s32 $0x3210;
	s25 =	simm.s32 $0x3480;
	v6 =	vimm.s32 $0x7FFFFFFF;
	vm0 =	veq.f32 v8, v5  }
.LBB2_51:
0x332: {  	v8 =	vld [tilespmem:s24+$0x0];
	p3 =	sne.s32 s0, $0x1;
	s0 =	sadd.s32 $0xFFFFFFFF, s0;
	v9 =	vnsel vm0, $0x7FFFFFFF, v7;
	s25 =	sadd.s32 $0x10, s25  }
.Ltmp37:
0x333: {  	v7 =	vld [tilespmem:s25+$0x0];
	vm0 =	vlt.s32 v6, v9;
	(pc) =	sbr.rel @p3 .LBB2_51-.Ltmp37, $2  }
0x334: {  	v6 =	vsel vm0, v6, v9;
	_ =	sdelay $0x2  }
0x335: {  	s24 =	sadd.s32 $0x10, s24;
	vm0 =	veq.f32 v8, v5  }
.LBB2_52:
0x336: {  	v7 =	vnsel vm0, $0x7FFFFFFF, v7  }
0x337: {  	vm0 =	vlt.s32 v6, v7  }
0x338: {  	v6 =	vsel vm0, v6, v7  }
0x339: {  	v6 =	vxor.u32 $0x80000000, v6  }
0x33a: {  	(xrf0) =	vmin.scan.msk.u32 $0xffff, v6;
	_ =	sdelay $0x5  }
0x33b: {  	v6, _, _ =	vpop (xrf0)  }
0x33c: {  	(v2sf) =	vpush v6, $0xF;
	_ =	sdelay $0xb  }
0x33d: {  	s24 =	simm.s32 $0x3200;
	v8 =	vld [tilespmem:s23+$0x0]  }
.Ltmp38:
0x33e: {  	v7 =	vld [tilespmem:s24+$0x0];
	(pc) =	sbr.rel @!p2 .LBB2_54-.Ltmp38, $4  }
0x33f: {  	_ = 	snop  }
0x340: {  	s0 =	spop (v2sf)  }
0x341: {  	s0 =	sxor.u32 $0x80000000, s0  }
0x342: {  	v6 =	vmov s0;
	s0 =	sadd.s32 $0xFFFFFFFF, s21  }
.LBB2_53:
0x343: {  	p2 =	sne.s32 s0, $0x1;
	_ =	sdelay $0x3  }
0x344: {  	vm0 =	veq.f32 v7, v5;
	vm1 =	veq.s32 v8, v6  }
.Ltmp39:
0x345: {  	vm0 =	vmand vm0, vm1;
	(pc) =	sbr.rel @p2 .LBB2_53-.Ltmp39, $4  }
0x346: {  	v7 =	vsel vm0, $0xFF61B1E6, v7  }
0x347: {  	[tilespmem:s24+$0x0] =	vst v7;
	s24 =	sadd.s32 $0x10, s24  }
0x348: {  	s23 =	sadd.s32 $0x10, s23;
	v7 =	vld [tilespmem:s24+$0x0]  }
0x349: {  	s0 =	sadd.s32 $0xFFFFFFFF, s0;
	v8 =	vld [tilespmem:s23+$0x0]  }
.Ltmp40:
0x34a: {  	_ = 	snop;
	(pc) =	sbr.rel .LBB2_54-.Ltmp40, $1  }
0x34b: {  	_ =	sdelay $0x3  }
.LBB2_58:
0x34c: {  	_ =	sfence.sel $0x180000  }
0x34d: {  	[bflag:$0x0] =	sbarrier.arrive $0xFFFF  }
0x34e: {  	_ =	strace $0x90000047  }
0x34f: {  	s0 =	stileid.u32;
	[bflag:$0x2] =	sbarrier.arrive $0xFFFF  }
0x350: {  	p0 =	sne.s32 s0, $0x0;
	s0 =	rddreg [dreg:$0x3]  }
0x351: {  	s0 =	sadd.s32 @!p0 $0x100000, s0  }
0x352: {  	[sflag:s0] =	ssyncadd.tile.s32 @!p0 $0x1;
	_ =	shalt  }
.Lfunc_end2:
_tile_overlayer_lowered:
.L_overlay_start_2:
0x353: {  	(tag) =	ssettag $0x2  }
0x354: {  	s0 =	rddreg [dreg:$0x0];
	s2 =	stileid.u32  }
0x355: {  	s1 =	rddreg [dreg:$0x1];
	p0 =	sne.s32 s2, $0x0  }
0x356: {  	s3 =	rddreg [dreg:$0x2];
	[bflag:$0x3] =	sbarrier.arrive $0xFFFF;
	s2 =	simm.s32 @!p0 $0x1C03  }
0x357: {  	[timem:s3], [sflag:s2] =	dma.local @!p0 [hbm:s0], s1  }
0x358: {  	s0 =	simm.s32 @!p0 $0x3  }
0x359: {  	_ =	swait.ge @!p0 [sflag:s0], s1  }
0x35a: {  	s1 =	ssub.s32 @!p0 $0x0, s1;
	[sflag:s0] =	ssyncset.done @!p0 $0x0  }
0x35b: {  	[sflag:s0] =	ssyncadd.s32 @!p0 s1  }
0x35c: {  	[bflag:$0x3] =	sbarrier.arrive $0xFFFF  }
0x35d: {  	_ =	shalt  }

</sc_bundles>
